<compile_context>
chip_gen: v7x
topology: tpu7x:2x2x1
jax: 0.10.2.dev20260603
libtpu: 0.0.44.dev20260713+nightly
codegen_flags: <defaults>
</compile_context>

<pallas_src>
import jax
import jax.numpy as jnp
from jax import lax
from jax.experimental import pallas as pl
from jax.experimental.pallas import tpu as pltpu
from jax.experimental.pallas import tpu_sc as plsc

HIDDEN = 128
NTYPES = 6
NCOMBO = NTYPES ** 3
NC, NS = 2, 16
NW = NC * NS
NBUF = 5


def _build(num_bonds: int, chunk: int):
  bonds_per_w = num_bonds // NW
  assert bonds_per_w * NW == num_bonds
  nchunk = bonds_per_w // chunk
  assert nchunk * chunk == bonds_per_w and chunk % 16 == 0
  assert nchunk % NBUF == 0 and nchunk >= 2 * NBUF
  nlap = nchunk // NBUF

  def body(attr_hbm, w0_hbm, w1_hbm, w2_hbm, out_hbm, *scratch):
    table_v = scratch[0]
    attr_all = scratch[1]
    stage_bufs = scratch[2:2 + NBUF]
    asems = scratch[2 + NBUF:2 + 2 * NBUF]
    osems = scratch[2 + 2 * NBUF:2 + 3 * NBUF]
    w_v = stage_bufs[0]

    wid = lax.axis_index("s") * NC + lax.axis_index("c")
    base_bond = wid * bonds_per_w

    for s in range(NBUF):
      pltpu.async_copy(
          attr_hbm.at[pl.ds(base_bond + s * chunk, chunk)],
          attr_all.at[pl.ds(s * chunk, chunk)], asems[s])

    pltpu.sync_copy(w0_hbm, w_v.at[pl.ds(0, NTYPES), :])
    pltpu.sync_copy(w1_hbm, w_v.at[pl.ds(NTYPES, NTYPES), :])
    pltpu.sync_copy(w2_hbm, w_v.at[pl.ds(2 * NTYPES, NTYPES), :])

    def bi0(i0, c0):
      def bi1(i1, c1):
        def bi2(i2, c2):
          base = (i0 * 36 + i1 * 6 + i2) * HIDDEN
          for k in range(HIDDEN // 16):
            o = k * 16
            table_v[pl.ds(base + o, 16)] = (
                w_v[i0, pl.ds(o, 16)]
                + w_v[NTYPES + i1, pl.ds(o, 16)]
                + w_v[2 * NTYPES + i2, pl.ds(o, 16)])
          return c2
        return lax.fori_loop(0, NTYPES, bi2, c1)
      return lax.fori_loop(0, NTYPES, bi1, c0)
    lax.fori_loop(0, NTYPES, bi0, 0)

    def lap_body(lap, carry):
      for s in range(NBUF):
        t = lap * NBUF + s
        cb = base_bond + t * chunk
        stage_v = stage_bufs[s]

        pltpu.make_async_copy(
            attr_hbm.at[pl.ds(0, chunk)],
            attr_all.at[pl.ds(s * chunk, chunk)], asems[s]).wait()

        @pl.when(lap > 0)
        def _():
          pltpu.make_async_copy(
              stage_v, out_hbm.at[pl.ds(0, chunk), :], osems[s]).wait()

        @plsc.parallel_loop(0, chunk, unroll=4)
        def bond_body(b):
          av = attr_all[pl.ds(s * chunk + b, 16)]
          pk = av[0]
          a0 = pk >> 8
          a1 = (pk >> 4) & 15
          a2 = pk & 15
          base = (a0 * 36 + a1 * NTYPES + a2) * HIDDEN
          for k in range(HIDDEN // 16):
            o = k * 16
            stage_v[b, pl.ds(o, 16)] = table_v[pl.ds(base + o, 16)]

        pltpu.async_copy(stage_v, out_hbm.at[pl.ds(cb, chunk), :], osems[s])

        @pl.when(lap < nlap - 1)
        def _():
          pltpu.async_copy(
              attr_hbm.at[pl.ds(cb + NBUF * chunk, chunk)],
              attr_all.at[pl.ds(s * chunk, chunk)], asems[s])
      return carry
    lax.fori_loop(0, nlap, lap_body, 0)

    for s in range(NBUF):
      pltpu.make_async_copy(
          stage_bufs[s], out_hbm.at[pl.ds(0, chunk), :], osems[s]).wait()

  mesh = plsc.VectorSubcoreMesh(
      core_axis_name="c", subcore_axis_name="s", num_cores=NC, num_subcores=NS)
  scratch = (
      [pltpu.VMEM((NCOMBO * HIDDEN,), jnp.float32)]
      + [pltpu.VMEM((NBUF * chunk + 16,), jnp.int32)]
      + [pltpu.VMEM((chunk, HIDDEN), jnp.float32)] * NBUF
      + [pltpu.SemaphoreType.DMA] * (2 * NBUF)
  )
  return pl.kernel(
      body,
      out_type=jax.ShapeDtypeStruct((num_bonds, HIDDEN), jnp.float32),
      mesh=mesh,
      compiler_params=pltpu.CompilerParams(needs_layout_passes=False),
      scratch_types=scratch,
  )


@jax.jit
def kernel(bond_attr, W0, W1, W2):
  n = bond_attr.shape[0]
  a = bond_attr.astype(jnp.int32)
  packed = (a[:, 0] << 8) | (a[:, 1] << 4) | a[:, 2]
  fn = _build(n, 160)
  return fn(packed, W0, W1, W2)

# --- scband reference (transcript-rebuilt; emitter-appended) ---
"""Pipeline reference for scband-bond-encoder-28398323761367 (READ-ONLY COPY).

The authoritative reference and input builder live on the scoring server;
editing this copy changes nothing except your own understanding.
"""

import jax, jax.numpy as jnp
import numpy as np

NUM_BONDS = 640000
NUM_FEATURES = 3
NUM_BOND_TYPES = 6
HIDDEN = 128

def setup_inputs(seed: int = 0) -> dict:
    key = jax.random.key(seed)
    k0, k1, k2, k3 = jax.random.split(key, 4)
    bond_attr = jax.random.randint(k0, (NUM_BONDS, NUM_FEATURES), 0, NUM_BOND_TYPES, dtype=jnp.int64 if jax.config.jax_enable_x64 else jnp.int32)
    # three embedding tables, one per bond feature (nn.Embedding default init ~ N(0,1))
    W0 = jax.random.normal(k1, (NUM_BOND_TYPES, HIDDEN), dtype=jnp.float32)
    W1 = jax.random.normal(k2, (NUM_BOND_TYPES, HIDDEN), dtype=jnp.float32)
    W2 = jax.random.normal(k3, (NUM_BOND_TYPES, HIDDEN), dtype=jnp.float32)
    return {"bond_attr": bond_attr, "W0": W0, "W1": W1, "W2": W2}

def reference(bond_attr, W0, W1, W2):
    if bond_attr.ndim == 1:
        bond_attr = bond_attr[:, None]
    tables = [W0, W1, W2]
    encoded = jnp.zeros((bond_attr.shape[0], tables[0].shape[1]), dtype=jnp.float32)
    for feature_idx in range(bond_attr.shape[1]):
        encoded = encoded + jnp.take(tables[feature_idx], bond_attr[:, feature_idx], axis=0)
    return encoded

if __name__ == "__main__":
    import jax
    _d = setup_inputs()
    print(jax.jit(kernel)(*tuple(_d.values())))

</pallas_src>

<mosaic_0001>
#map = affine_map<(d0, d1) -> (0)>
#map1 = affine_map<(d0, d1) -> (0, 0)>
module attributes {stable_mosaic.version = 14 : i64} {
  func.func @body(%arg0: i32, %arg1: i32, %arg2: memref<640000xi32, #tpu.memory_space<hbm>>, %arg3: memref<6x128xf32, #tpu.memory_space<hbm>>, %arg4: memref<6x128xf32, #tpu.memory_space<hbm>>, %arg5: memref<6x128xf32, #tpu.memory_space<hbm>>, %arg6: memref<640000x128xf32, #tpu.memory_space<hbm>>, %arg7: memref<27648xf32, #tpu.memory_space<vmem>>, %arg8: memref<816xi32, #tpu.memory_space<vmem>>, %arg9: memref<160x128xf32, #tpu.memory_space<vmem>>, %arg10: memref<160x128xf32, #tpu.memory_space<vmem>>, %arg11: memref<160x128xf32, #tpu.memory_space<vmem>>, %arg12: memref<160x128xf32, #tpu.memory_space<vmem>>, %arg13: memref<160x128xf32, #tpu.memory_space<vmem>>, %arg14: memref<!tpu.dma_semaphore, #tpu.memory_space<semaphore_mem>>, %arg15: memref<!tpu.dma_semaphore, #tpu.memory_space<semaphore_mem>>, %arg16: memref<!tpu.dma_semaphore, #tpu.memory_space<semaphore_mem>>, %arg17: memref<!tpu.dma_semaphore, #tpu.memory_space<semaphore_mem>>, %arg18: memref<!tpu.dma_semaphore, #tpu.memory_space<semaphore_mem>>, %arg19: memref<!tpu.dma_semaphore, #tpu.memory_space<semaphore_mem>>, %arg20: memref<!tpu.dma_semaphore, #tpu.memory_space<semaphore_mem>>, %arg21: memref<!tpu.dma_semaphore, #tpu.memory_space<semaphore_mem>>, %arg22: memref<!tpu.dma_semaphore, #tpu.memory_space<semaphore_mem>>, %arg23: memref<!tpu.dma_semaphore, #tpu.memory_space<semaphore_mem>>) attributes {dimension_semantics = [#tpu.dimension_semantics<core_parallel>, #tpu.dimension_semantics<subcore_parallel>], iteration_bounds = array<i64: 2, 16>, scalar_prefetch = 0 : i64, scratch_operands = 17 : i64, tpu.core_type = #tpu.core_type<sc_vector_subcore>, window_params = [{transform_indices = #map}, {transform_indices = #map1}, {transform_indices = #map1}, {transform_indices = #map1}, {transform_indices = #map1}]} {
    %mul3A = arith.constant 2 : i32
    %mul3A_0 = arith.muli %arg1, %mul3A : i32
    %add3A = arith.addi %mul3A_0, %arg0 : i32
    %mul3A_1 = arith.constant 20000 : i32
    %mul3A_2 = arith.muli %add3A, %mul3A_1 : i32
    %add3A_3 = arith.constant 0 : i32
    %add3A_4 = arith.addi %mul3A_2, %add3A_3 : i32
    %dma_start3A = arith.constant 0 : i32
    %dma_start3A_5 = tpu.memref_slice %arg8[%dma_start3A] : memref<816xi32, #tpu.memory_space<vmem>> -> memref<160xi32, #tpu.memory_space<vmem>>
    %dma_start3A_6 = tpu.memref_slice %arg2[%add3A_4] : memref<640000xi32, #tpu.memory_space<hbm>> -> memref<160xi32, #tpu.memory_space<hbm>>
    %dma_start3A_7 = arith.constant 0 : i32
    %dma_start3A_8 = tpu.memref_slice %arg8[%dma_start3A_7] : memref<816xi32, #tpu.memory_space<vmem>> -> memref<160xi32, #tpu.memory_space<vmem>>
    %dma_start3A_9 = tpu.memref_slice %arg2[%add3A_4] : memref<640000xi32, #tpu.memory_space<hbm>> -> memref<160xi32, #tpu.memory_space<hbm>>
    tpu.enqueue_dma source(%dma_start3A_9 : memref<160xi32, #tpu.memory_space<hbm>>) target(%dma_start3A_8 : memref<160xi32, #tpu.memory_space<vmem>>) target_semaphore(%arg14 : memref<!tpu.dma_semaphore, #tpu.memory_space<semaphore_mem>>)
    %add3A_10 = arith.constant 160 : i32
    %add3A_11 = arith.addi %mul3A_2, %add3A_10 : i32
    %dma_start3A_12 = arith.constant 160 : i32
    %dma_start3A_13 = tpu.memref_slice %arg8[%dma_start3A_12] : memref<816xi32, #tpu.memory_space<vmem>> -> memref<160xi32, #tpu.memory_space<vmem>>
    %dma_start3A_14 = tpu.memref_slice %arg2[%add3A_11] : memref<640000xi32, #tpu.memory_space<hbm>> -> memref<160xi32, #tpu.memory_space<hbm>>
    %dma_start3A_15 = arith.constant 160 : i32
    %dma_start3A_16 = tpu.memref_slice %arg8[%dma_start3A_15] : memref<816xi32, #tpu.memory_space<vmem>> -> memref<160xi32, #tpu.memory_space<vmem>>
    %dma_start3A_17 = tpu.memref_slice %arg2[%add3A_11] : memref<640000xi32, #tpu.memory_space<hbm>> -> memref<160xi32, #tpu.memory_space<hbm>>
    tpu.enqueue_dma source(%dma_start3A_17 : memref<160xi32, #tpu.memory_space<hbm>>) target(%dma_start3A_16 : memref<160xi32, #tpu.memory_space<vmem>>) target_semaphore(%arg15 : memref<!tpu.dma_semaphore, #tpu.memory_space<semaphore_mem>>)
    %add3A_18 = arith.constant 320 : i32
    %add3A_19 = arith.addi %mul3A_2, %add3A_18 : i32
    %dma_start3A_20 = arith.constant 320 : i32
    %dma_start3A_21 = tpu.memref_slice %arg8[%dma_start3A_20] : memref<816xi32, #tpu.memory_space<vmem>> -> memref<160xi32, #tpu.memory_space<vmem>>
    %dma_start3A_22 = tpu.memref_slice %arg2[%add3A_19] : memref<640000xi32, #tpu.memory_space<hbm>> -> memref<160xi32, #tpu.memory_space<hbm>>
    %dma_start3A_23 = arith.constant 320 : i32
    %dma_start3A_24 = tpu.memref_slice %arg8[%dma_start3A_23] : memref<816xi32, #tpu.memory_space<vmem>> -> memref<160xi32, #tpu.memory_space<vmem>>
    %dma_start3A_25 = tpu.memref_slice %arg2[%add3A_19] : memref<640000xi32, #tpu.memory_space<hbm>> -> memref<160xi32, #tpu.memory_space<hbm>>
    tpu.enqueue_dma source(%dma_start3A_25 : memref<160xi32, #tpu.memory_space<hbm>>) target(%dma_start3A_24 : memref<160xi32, #tpu.memory_space<vmem>>) target_semaphore(%arg16 : memref<!tpu.dma_semaphore, #tpu.memory_space<semaphore_mem>>)
    %add3A_26 = arith.constant 480 : i32
    %add3A_27 = arith.addi %mul3A_2, %add3A_26 : i32
    %dma_start3A_28 = arith.constant 480 : i32
    %dma_start3A_29 = tpu.memref_slice %arg8[%dma_start3A_28] : memref<816xi32, #tpu.memory_space<vmem>> -> memref<160xi32, #tpu.memory_space<vmem>>
    %dma_start3A_30 = tpu.memref_slice %arg2[%add3A_27] : memref<640000xi32, #tpu.memory_space<hbm>> -> memref<160xi32, #tpu.memory_space<hbm>>
    %dma_start3A_31 = arith.constant 480 : i32
    %dma_start3A_32 = tpu.memref_slice %arg8[%dma_start3A_31] : memref<816xi32, #tpu.memory_space<vmem>> -> memref<160xi32, #tpu.memory_space<vmem>>
    %dma_start3A_33 = tpu.memref_slice %arg2[%add3A_27] : memref<640000xi32, #tpu.memory_space<hbm>> -> memref<160xi32, #tpu.memory_space<hbm>>
    tpu.enqueue_dma source(%dma_start3A_33 : memref<160xi32, #tpu.memory_space<hbm>>) target(%dma_start3A_32 : memref<160xi32, #tpu.memory_space<vmem>>) target_semaphore(%arg17 : memref<!tpu.dma_semaphore, #tpu.memory_space<semaphore_mem>>)
    %add3A_34 = arith.constant 640 : i32
    %add3A_35 = arith.addi %mul3A_2, %add3A_34 : i32
    %dma_start3A_36 = arith.constant 640 : i32
    %dma_start3A_37 = tpu.memref_slice %arg8[%dma_start3A_36] : memref<816xi32, #tpu.memory_space<vmem>> -> memref<160xi32, #tpu.memory_space<vmem>>
    %dma_start3A_38 = tpu.memref_slice %arg2[%add3A_35] : memref<640000xi32, #tpu.memory_space<hbm>> -> memref<160xi32, #tpu.memory_space<hbm>>
    %dma_start3A_39 = arith.constant 640 : i32
    %dma_start3A_40 = tpu.memref_slice %arg8[%dma_start3A_39] : memref<816xi32, #tpu.memory_space<vmem>> -> memref<160xi32, #tpu.memory_space<vmem>>
    %dma_start3A_41 = tpu.memref_slice %arg2[%add3A_35] : memref<640000xi32, #tpu.memory_space<hbm>> -> memref<160xi32, #tpu.memory_space<hbm>>
    tpu.enqueue_dma source(%dma_start3A_41 : memref<160xi32, #tpu.memory_space<hbm>>) target(%dma_start3A_40 : memref<160xi32, #tpu.memory_space<vmem>>) target_semaphore(%arg18 : memref<!tpu.dma_semaphore, #tpu.memory_space<semaphore_mem>>)
    "tpu.region"() ({
      %run_scoped3A = tpu.sem_alloc : memref<!tpu.dma_semaphore, #tpu.memory_space<semaphore_mem>>
      %dma_start3A_82 = arith.constant 0 : i32
      %dma_start3A_83 = arith.constant 0 : i32
      %dma_start3A_84 = tpu.memref_slice %arg9[%dma_start3A_82, %dma_start3A_83] : memref<160x128xf32, #tpu.memory_space<vmem>> -> memref<6x128xf32, #tpu.memory_space<vmem>>
      %dma_start3A_85 = arith.constant 0 : i32
      %dma_start3A_86 = arith.constant 0 : i32
      %dma_start3A_87 = tpu.memref_slice %arg9[%dma_start3A_85, %dma_start3A_86] : memref<160x128xf32, #tpu.memory_space<vmem>> -> memref<6x128xf32, #tpu.memory_space<vmem>>
      tpu.enqueue_dma source(%arg3 : memref<6x128xf32, #tpu.memory_space<hbm>>) target(%dma_start3A_87 : memref<6x128xf32, #tpu.memory_space<vmem>>) target_semaphore(%run_scoped3A : memref<!tpu.dma_semaphore, #tpu.memory_space<semaphore_mem>>)
      %dma_wait3A_88 = arith.constant 0 : i32
      %dma_wait3A_89 = arith.constant 0 : i32
      %dma_wait3A_90 = tpu.memref_slice %arg9[%dma_wait3A_88, %dma_wait3A_89] : memref<160x128xf32, #tpu.memory_space<vmem>> -> memref<6x128xf32, #tpu.memory_space<vmem>>
      %dma_wait3A_91 = arith.constant 0 : i32
      %dma_wait3A_92 = arith.constant 0 : i32
      %dma_wait3A_93 = tpu.memref_slice %arg9[%dma_wait3A_91, %dma_wait3A_92] : memref<160x128xf32, #tpu.memory_space<vmem>> -> memref<6x128xf32, #tpu.memory_space<vmem>>
      tpu.wait_dma2 semaphore(%run_scoped3A : memref<!tpu.dma_semaphore, #tpu.memory_space<semaphore_mem>>) src(%arg3 : memref<6x128xf32, #tpu.memory_space<hbm>>) dst(%dma_wait3A_93 : memref<6x128xf32, #tpu.memory_space<vmem>>)
      tpu.yield
    }) : () -> ()
    "tpu.region"() ({
      %run_scoped3A = tpu.sem_alloc : memref<!tpu.dma_semaphore, #tpu.memory_space<semaphore_mem>>
      %dma_start3A_82 = arith.constant 6 : i32
      %dma_start3A_83 = arith.constant 0 : i32
      %dma_start3A_84 = tpu.memref_slice %arg9[%dma_start3A_82, %dma_start3A_83] : memref<160x128xf32, #tpu.memory_space<vmem>> -> memref<6x128xf32, #tpu.memory_space<vmem>>
      %dma_start3A_85 = arith.constant 6 : i32
      %dma_start3A_86 = arith.constant 0 : i32
      %dma_start3A_87 = tpu.memref_slice %arg9[%dma_start3A_85, %dma_start3A_86] : memref<160x128xf32, #tpu.memory_space<vmem>> -> memref<6x128xf32, #tpu.memory_space<vmem>>
      tpu.enqueue_dma source(%arg4 : memref<6x128xf32, #tpu.memory_space<hbm>>) target(%dma_start3A_87 : memref<6x128xf32, #tpu.memory_space<vmem>>) target_semaphore(%run_scoped3A : memref<!tpu.dma_semaphore, #tpu.memory_space<semaphore_mem>>)
      %dma_wait3A_88 = arith.constant 6 : i32
      %dma_wait3A_89 = arith.constant 0 : i32
      %dma_wait3A_90 = tpu.memref_slice %arg9[%dma_wait3A_88, %dma_wait3A_89] : memref<160x128xf32, #tpu.memory_space<vmem>> -> memref<6x128xf32, #tpu.memory_space<vmem>>
      %dma_wait3A_91 = arith.constant 6 : i32
      %dma_wait3A_92 = arith.constant 0 : i32
      %dma_wait3A_93 = tpu.memref_slice %arg9[%dma_wait3A_91, %dma_wait3A_92] : memref<160x128xf32, #tpu.memory_space<vmem>> -> memref<6x128xf32, #tpu.memory_space<vmem>>
      tpu.wait_dma2 semaphore(%run_scoped3A : memref<!tpu.dma_semaphore, #tpu.memory_space<semaphore_mem>>) src(%arg4 : memref<6x128xf32, #tpu.memory_space<hbm>>) dst(%dma_wait3A_93 : memref<6x128xf32, #tpu.memory_space<vmem>>)
      tpu.yield
    }) : () -> ()
    "tpu.region"() ({
      %run_scoped3A = tpu.sem_alloc : memref<!tpu.dma_semaphore, #tpu.memory_space<semaphore_mem>>
      %dma_start3A_82 = arith.constant 12 : i32
      %dma_start3A_83 = arith.constant 0 : i32
      %dma_start3A_84 = tpu.memref_slice %arg9[%dma_start3A_82, %dma_start3A_83] : memref<160x128xf32, #tpu.memory_space<vmem>> -> memref<6x128xf32, #tpu.memory_space<vmem>>
      %dma_start3A_85 = arith.constant 12 : i32
      %dma_start3A_86 = arith.constant 0 : i32
      %dma_start3A_87 = tpu.memref_slice %arg9[%dma_start3A_85, %dma_start3A_86] : memref<160x128xf32, #tpu.memory_space<vmem>> -> memref<6x128xf32, #tpu.memory_space<vmem>>
      tpu.enqueue_dma source(%arg5 : memref<6x128xf32, #tpu.memory_space<hbm>>) target(%dma_start3A_87 : memref<6x128xf32, #tpu.memory_space<vmem>>) target_semaphore(%run_scoped3A : memref<!tpu.dma_semaphore, #tpu.memory_space<semaphore_mem>>)
      %dma_wait3A_88 = arith.constant 12 : i32
      %dma_wait3A_89 = arith.constant 0 : i32
      %dma_wait3A_90 = tpu.memref_slice %arg9[%dma_wait3A_88, %dma_wait3A_89] : memref<160x128xf32, #tpu.memory_space<vmem>> -> memref<6x128xf32, #tpu.memory_space<vmem>>
      %dma_wait3A_91 = arith.constant 12 : i32
      %dma_wait3A_92 = arith.constant 0 : i32
      %dma_wait3A_93 = tpu.memref_slice %arg9[%dma_wait3A_91, %dma_wait3A_92] : memref<160x128xf32, #tpu.memory_space<vmem>> -> memref<6x128xf32, #tpu.memory_space<vmem>>
      tpu.wait_dma2 semaphore(%run_scoped3A : memref<!tpu.dma_semaphore, #tpu.memory_space<semaphore_mem>>) src(%arg5 : memref<6x128xf32, #tpu.memory_space<hbm>>) dst(%dma_wait3A_93 : memref<6x128xf32, #tpu.memory_space<vmem>>)
      tpu.yield
    }) : () -> ()
    %scan3A = arith.constant 0 : i32
    %scan3A_42 = arith.constant 0 : i32
    %scan3A_43 = arith.constant 6 : i32
    %scan3A_44 = arith.addi %scan3A_42, %scan3A_43 : i32
    %scan3A_45 = arith.constant 1 : i32
    scf.for %scan3A_82 = %scan3A_42 to %scan3A_44 step %scan3A_45  : i32 {
      %scan3A_83 = arith.constant 0 : i32
      %scan3A_84 = arith.constant 6 : i32
      %scan3A_85 = arith.addi %scan3A_83, %scan3A_84 : i32
      %scan3A_86 = arith.constant 1 : i32
      scf.for %scan3A_88 = %scan3A_83 to %scan3A_85 step %scan3A_86  : i32 {
        %scan3A_89 = arith.constant 0 : i32
        %scan3A_90 = arith.constant 6 : i32
        %scan3A_91 = arith.addi %scan3A_89, %scan3A_90 : i32
        %scan3A_92 = arith.constant 1 : i32
        scf.for %scan3A_94 = %scan3A_89 to %scan3A_91 step %scan3A_92  : i32 {
          %mul3A_95 = arith.constant 36 : i32
          %mul3A_96 = arith.muli %scan3A_82, %mul3A_95 : i32
          %mul3A_97 = arith.constant 6 : i32
          %mul3A_98 = arith.muli %scan3A_88, %mul3A_97 : i32
          %add3A_99 = arith.addi %mul3A_96, %mul3A_98 : i32
          %add3A_100 = arith.addi %add3A_99, %scan3A_94 : i32
          %mul3A_101 = arith.constant 128 : i32
          %mul3A_102 = arith.muli %add3A_100, %mul3A_101 : i32
          %get3A = arith.index_cast %scan3A_82 : i32 to index
          %get3A_103 = arith.constant 0 : index
          %get3A_104 = tpu.vector_load %arg9[%get3A, %get3A_103] {strides = array<i32>} : memref<160x128xf32, #tpu.memory_space<vmem>>, vector<16xf32>,
          %add3A_105 = arith.constant 6 : i32
          %add3A_106 = arith.addi %add3A_105, %scan3A_88 : i32
          %get3A_107 = arith.index_cast %add3A_106 : i32 to index
          %get3A_108 = arith.constant 0 : index
          %get3A_109 = tpu.vector_load %arg9[%get3A_107, %get3A_108] {strides = array<i32>} : memref<160x128xf32, #tpu.memory_space<vmem>>, vector<16xf32>,
          %add3A_110 = arith.addf %get3A_104, %get3A_109 : vector<16xf32>
          %add3A_111 = arith.constant 12 : i32
          %add3A_112 = arith.addi %add3A_111, %scan3A_94 : i32
          %get3A_113 = arith.index_cast %add3A_112 : i32 to index
          %get3A_114 = arith.constant 0 : index
          %get3A_115 = tpu.vector_load %arg9[%get3A_113, %get3A_114] {strides = array<i32>} : memref<160x128xf32, #tpu.memory_space<vmem>>, vector<16xf32>,
          %add3A_116 = arith.addf %add3A_110, %get3A_115 : vector<16xf32>
          %add3A_117 = arith.constant 0 : i32
          %add3A_118 = arith.addi %mul3A_102, %add3A_117 : i32
          %swap3A = arith.index_cast %add3A_118 : i32 to index
          %swap3A_119 = tpu.vector_load %arg7[%swap3A] {strides = array<i32>} : memref<27648xf32, #tpu.memory_space<vmem>>, vector<16xf32>,
          tpu.vector_store %arg7[%swap3A], %add3A_116 {strides = array<i32>} : memref<27648xf32, #tpu.memory_space<vmem>>, vector<16xf32>,
          %get3A_120 = arith.index_cast %scan3A_82 : i32 to index
          %get3A_121 = arith.constant 16 : index
          %get3A_122 = tpu.vector_load %arg9[%get3A_120, %get3A_121] {strides = array<i32>} : memref<160x128xf32, #tpu.memory_space<vmem>>, vector<16xf32>,
          %add3A_123 = arith.constant 6 : i32
          %add3A_124 = arith.addi %add3A_123, %scan3A_88 : i32
          %get3A_125 = arith.index_cast %add3A_124 : i32 to index
          %get3A_126 = arith.constant 16 : index
          %get3A_127 = tpu.vector_load %arg9[%get3A_125, %get3A_126] {strides = array<i32>} : memref<160x128xf32, #tpu.memory_space<vmem>>, vector<16xf32>,
          %add3A_128 = arith.addf %get3A_122, %get3A_127 : vector<16xf32>
          %add3A_129 = arith.constant 12 : i32
          %add3A_130 = arith.addi %add3A_129, %scan3A_94 : i32
          %get3A_131 = arith.index_cast %add3A_130 : i32 to index
          %get3A_132 = arith.constant 16 : index
          %get3A_133 = tpu.vector_load %arg9[%get3A_131, %get3A_132] {strides = array<i32>} : memref<160x128xf32, #tpu.memory_space<vmem>>, vector<16xf32>,
          %add3A_134 = arith.addf %add3A_128, %get3A_133 : vector<16xf32>
          %add3A_135 = arith.constant 16 : i32
          %add3A_136 = arith.addi %mul3A_102, %add3A_135 : i32
          %swap3A_137 = arith.index_cast %add3A_136 : i32 to index
          %swap3A_138 = tpu.vector_load %arg7[%swap3A_137] {strides = array<i32>} : memref<27648xf32, #tpu.memory_space<vmem>>, vector<16xf32>,
          tpu.vector_store %arg7[%swap3A_137], %add3A_134 {strides = array<i32>} : memref<27648xf32, #tpu.memory_space<vmem>>, vector<16xf32>,
          %get3A_139 = arith.index_cast %scan3A_82 : i32 to index
          %get3A_140 = arith.constant 32 : index
          %get3A_141 = tpu.vector_load %arg9[%get3A_139, %get3A_140] {strides = array<i32>} : memref<160x128xf32, #tpu.memory_space<vmem>>, vector<16xf32>,
          %add3A_142 = arith.constant 6 : i32
          %add3A_143 = arith.addi %add3A_142, %scan3A_88 : i32
          %get3A_144 = arith.index_cast %add3A_143 : i32 to index
          %get3A_145 = arith.constant 32 : index
          %get3A_146 = tpu.vector_load %arg9[%get3A_144, %get3A_145] {strides = array<i32>} : memref<160x128xf32, #tpu.memory_space<vmem>>, vector<16xf32>,
          %add3A_147 = arith.addf %get3A_141, %get3A_146 : vector<16xf32>
          %add3A_148 = arith.constant 12 : i32
          %add3A_149 = arith.addi %add3A_148, %scan3A_94 : i32
          %get3A_150 = arith.index_cast %add3A_149 : i32 to index
          %get3A_151 = arith.constant 32 : index
          %get3A_152 = tpu.vector_load %arg9[%get3A_150, %get3A_151] {strides = array<i32>} : memref<160x128xf32, #tpu.memory_space<vmem>>, vector<16xf32>,
          %add3A_153 = arith.addf %add3A_147, %get3A_152 : vector<16xf32>
          %add3A_154 = arith.constant 32 : i32
          %add3A_155 = arith.addi %mul3A_102, %add3A_154 : i32
          %swap3A_156 = arith.index_cast %add3A_155 : i32 to index
          %swap3A_157 = tpu.vector_load %arg7[%swap3A_156] {strides = array<i32>} : memref<27648xf32, #tpu.memory_space<vmem>>, vector<16xf32>,
          tpu.vector_store %arg7[%swap3A_156], %add3A_153 {strides = array<i32>} : memref<27648xf32, #tpu.memory_space<vmem>>, vector<16xf32>,
          %get3A_158 = arith.index_cast %scan3A_82 : i32 to index
          %get3A_159 = arith.constant 48 : index
          %get3A_160 = tpu.vector_load %arg9[%get3A_158, %get3A_159] {strides = array<i32>} : memref<160x128xf32, #tpu.memory_space<vmem>>, vector<16xf32>,
          %add3A_161 = arith.constant 6 : i32
          %add3A_162 = arith.addi %add3A_161, %scan3A_88 : i32
          %get3A_163 = arith.index_cast %add3A_162 : i32 to index
          %get3A_164 = arith.constant 48 : index
          %get3A_165 = tpu.vector_load %arg9[%get3A_163, %get3A_164] {strides = array<i32>} : memref<160x128xf32, #tpu.memory_space<vmem>>, vector<16xf32>,
          %add3A_166 = arith.addf %get3A_160, %get3A_165 : vector<16xf32>
          %add3A_167 = arith.constant 12 : i32
          %add3A_168 = arith.addi %add3A_167, %scan3A_94 : i32
          %get3A_169 = arith.index_cast %add3A_168 : i32 to index
          %get3A_170 = arith.constant 48 : index
          %get3A_171 = tpu.vector_load %arg9[%get3A_169, %get3A_170] {strides = array<i32>} : memref<160x128xf32, #tpu.memory_space<vmem>>, vector<16xf32>,
          %add3A_172 = arith.addf %add3A_166, %get3A_171 : vector<16xf32>
          %add3A_173 = arith.constant 48 : i32
          %add3A_174 = arith.addi %mul3A_102, %add3A_173 : i32
          %swap3A_175 = arith.index_cast %add3A_174 : i32 to index
          %swap3A_176 = tpu.vector_load %arg7[%swap3A_175] {strides = array<i32>} : memref<27648xf32, #tpu.memory_space<vmem>>, vector<16xf32>,
          tpu.vector_store %arg7[%swap3A_175], %add3A_172 {strides = array<i32>} : memref<27648xf32, #tpu.memory_space<vmem>>, vector<16xf32>,
          %get3A_177 = arith.index_cast %scan3A_82 : i32 to index
          %get3A_178 = arith.constant 64 : index
          %get3A_179 = tpu.vector_load %arg9[%get3A_177, %get3A_178] {strides = array<i32>} : memref<160x128xf32, #tpu.memory_space<vmem>>, vector<16xf32>,
          %add3A_180 = arith.constant 6 : i32
          %add3A_181 = arith.addi %add3A_180, %scan3A_88 : i32
          %get3A_182 = arith.index_cast %add3A_181 : i32 to index
          %get3A_183 = arith.constant 64 : index
          %get3A_184 = tpu.vector_load %arg9[%get3A_182, %get3A_183] {strides = array<i32>} : memref<160x128xf32, #tpu.memory_space<vmem>>, vector<16xf32>,
          %add3A_185 = arith.addf %get3A_179, %get3A_184 : vector<16xf32>
          %add3A_186 = arith.constant 12 : i32
          %add3A_187 = arith.addi %add3A_186, %scan3A_94 : i32
          %get3A_188 = arith.index_cast %add3A_187 : i32 to index
          %get3A_189 = arith.constant 64 : index
          %get3A_190 = tpu.vector_load %arg9[%get3A_188, %get3A_189] {strides = array<i32>} : memref<160x128xf32, #tpu.memory_space<vmem>>, vector<16xf32>,
          %add3A_191 = arith.addf %add3A_185, %get3A_190 : vector<16xf32>
          %add3A_192 = arith.constant 64 : i32
          %add3A_193 = arith.addi %mul3A_102, %add3A_192 : i32
          %swap3A_194 = arith.index_cast %add3A_193 : i32 to index
          %swap3A_195 = tpu.vector_load %arg7[%swap3A_194] {strides = array<i32>} : memref<27648xf32, #tpu.memory_space<vmem>>, vector<16xf32>,
          tpu.vector_store %arg7[%swap3A_194], %add3A_191 {strides = array<i32>} : memref<27648xf32, #tpu.memory_space<vmem>>, vector<16xf32>,
          %get3A_196 = arith.index_cast %scan3A_82 : i32 to index
          %get3A_197 = arith.constant 80 : index
          %get3A_198 = tpu.vector_load %arg9[%get3A_196, %get3A_197] {strides = array<i32>} : memref<160x128xf32, #tpu.memory_space<vmem>>, vector<16xf32>,
          %add3A_199 = arith.constant 6 : i32
          %add3A_200 = arith.addi %add3A_199, %scan3A_88 : i32
          %get3A_201 = arith.index_cast %add3A_200 : i32 to index
          %get3A_202 = arith.constant 80 : index
          %get3A_203 = tpu.vector_load %arg9[%get3A_201, %get3A_202] {strides = array<i32>} : memref<160x128xf32, #tpu.memory_space<vmem>>, vector<16xf32>,
          %add3A_204 = arith.addf %get3A_198, %get3A_203 : vector<16xf32>
          %add3A_205 = arith.constant 12 : i32
          %add3A_206 = arith.addi %add3A_205, %scan3A_94 : i32
          %get3A_207 = arith.index_cast %add3A_206 : i32 to index
          %get3A_208 = arith.constant 80 : index
          %get3A_209 = tpu.vector_load %arg9[%get3A_207, %get3A_208] {strides = array<i32>} : memref<160x128xf32, #tpu.memory_space<vmem>>, vector<16xf32>,
          %add3A_210 = arith.addf %add3A_204, %get3A_209 : vector<16xf32>
          %add3A_211 = arith.constant 80 : i32
          %add3A_212 = arith.addi %mul3A_102, %add3A_211 : i32
          %swap3A_213 = arith.index_cast %add3A_212 : i32 to index
          %swap3A_214 = tpu.vector_load %arg7[%swap3A_213] {strides = array<i32>} : memref<27648xf32, #tpu.memory_space<vmem>>, vector<16xf32>,
          tpu.vector_store %arg7[%swap3A_213], %add3A_210 {strides = array<i32>} : memref<27648xf32, #tpu.memory_space<vmem>>, vector<16xf32>,
          %get3A_215 = arith.index_cast %scan3A_82 : i32 to index
          %get3A_216 = arith.constant 96 : index
          %get3A_217 = tpu.vector_load %arg9[%get3A_215, %get3A_216] {strides = array<i32>} : memref<160x128xf32, #tpu.memory_space<vmem>>, vector<16xf32>,
          %add3A_218 = arith.constant 6 : i32
          %add3A_219 = arith.addi %add3A_218, %scan3A_88 : i32
          %get3A_220 = arith.index_cast %add3A_219 : i32 to index
          %get3A_221 = arith.constant 96 : index
          %get3A_222 = tpu.vector_load %arg9[%get3A_220, %get3A_221] {strides = array<i32>} : memref<160x128xf32, #tpu.memory_space<vmem>>, vector<16xf32>,
          %add3A_223 = arith.addf %get3A_217, %get3A_222 : vector<16xf32>
          %add3A_224 = arith.constant 12 : i32
          %add3A_225 = arith.addi %add3A_224, %scan3A_94 : i32
          %get3A_226 = arith.index_cast %add3A_225 : i32 to index
          %get3A_227 = arith.constant 96 : index
          %get3A_228 = tpu.vector_load %arg9[%get3A_226, %get3A_227] {strides = array<i32>} : memref<160x128xf32, #tpu.memory_space<vmem>>, vector<16xf32>,
          %add3A_229 = arith.addf %add3A_223, %get3A_228 : vector<16xf32>
          %add3A_230 = arith.constant 96 : i32
          %add3A_231 = arith.addi %mul3A_102, %add3A_230 : i32
          %swap3A_232 = arith.index_cast %add3A_231 : i32 to index
          %swap3A_233 = tpu.vector_load %arg7[%swap3A_232] {strides = array<i32>} : memref<27648xf32, #tpu.memory_space<vmem>>, vector<16xf32>,
          tpu.vector_store %arg7[%swap3A_232], %add3A_229 {strides = array<i32>} : memref<27648xf32, #tpu.memory_space<vmem>>, vector<16xf32>,
          %get3A_234 = arith.index_cast %scan3A_82 : i32 to index
          %get3A_235 = arith.constant 112 : index
          %get3A_236 = tpu.vector_load %arg9[%get3A_234, %get3A_235] {strides = array<i32>} : memref<160x128xf32, #tpu.memory_space<vmem>>, vector<16xf32>,
          %add3A_237 = arith.constant 6 : i32
          %add3A_238 = arith.addi %add3A_237, %scan3A_88 : i32
          %get3A_239 = arith.index_cast %add3A_238 : i32 to index
          %get3A_240 = arith.constant 112 : index
          %get3A_241 = tpu.vector_load %arg9[%get3A_239, %get3A_240] {strides = array<i32>} : memref<160x128xf32, #tpu.memory_space<vmem>>, vector<16xf32>,
          %add3A_242 = arith.addf %get3A_236, %get3A_241 : vector<16xf32>
          %add3A_243 = arith.constant 12 : i32
          %add3A_244 = arith.addi %add3A_243, %scan3A_94 : i32
          %get3A_245 = arith.index_cast %add3A_244 : i32 to index
          %get3A_246 = arith.constant 112 : index
          %get3A_247 = tpu.vector_load %arg9[%get3A_245, %get3A_246] {strides = array<i32>} : memref<160x128xf32, #tpu.memory_space<vmem>>, vector<16xf32>,
          %add3A_248 = arith.addf %add3A_242, %get3A_247 : vector<16xf32>
          %add3A_249 = arith.constant 112 : i32
          %add3A_250 = arith.addi %mul3A_102, %add3A_249 : i32
          %swap3A_251 = arith.index_cast %add3A_250 : i32 to index
          %swap3A_252 = tpu.vector_load %arg7[%swap3A_251] {strides = array<i32>} : memref<27648xf32, #tpu.memory_space<vmem>>, vector<16xf32>,
          tpu.vector_store %arg7[%swap3A_251], %add3A_248 {strides = array<i32>} : memref<27648xf32, #tpu.memory_space<vmem>>, vector<16xf32>,
        }
        %scan3A_93 = arith.constant 6 : i32
      }
      %scan3A_87 = arith.constant 6 : i32
    }
    %scan3A_46 = arith.constant 6 : i32
    %scan3A_47 = arith.constant 0 : i32
    %scan3A_48 = arith.constant 0 : i32
    %scan3A_49 = arith.constant 25 : i32
    %scan3A_50 = arith.addi %scan3A_48, %scan3A_49 : i32
    %scan3A_51 = arith.constant 1 : i32
    scf.for %scan3A_82 = %scan3A_48 to %scan3A_50 step %scan3A_51  : i32 {
      %mul3A_83 = arith.constant 5 : i32
      %mul3A_84 = arith.muli %scan3A_82, %mul3A_83 : i32
      %add3A_85 = arith.constant 0 : i32
      %add3A_86 = arith.addi %mul3A_84, %add3A_85 : i32
      %mul3A_87 = arith.constant 160 : i32
      %mul3A_88 = arith.muli %add3A_86, %mul3A_87 : i32
      %add3A_89 = arith.addi %mul3A_2, %mul3A_88 : i32
      %dma_wait3A_90 = arith.constant 0 : i32
      %dma_wait3A_91 = tpu.memref_slice %arg8[%dma_wait3A_90] : memref<816xi32, #tpu.memory_space<vmem>> -> memref<160xi32, #tpu.memory_space<vmem>>
      %dma_wait3A_92 = arith.constant 0 : i32
      %dma_wait3A_93 = tpu.memref_slice %arg2[%dma_wait3A_92] : memref<640000xi32, #tpu.memory_space<hbm>> -> memref<160xi32, #tpu.memory_space<hbm>>
      %dma_wait3A_94 = arith.constant 0 : i32
      %dma_wait3A_95 = tpu.memref_slice %arg8[%dma_wait3A_94] : memref<816xi32, #tpu.memory_space<vmem>> -> memref<160xi32, #tpu.memory_space<vmem>>
      %dma_wait3A_96 = arith.constant 0 : i32
      %dma_wait3A_97 = tpu.memref_slice %arg2[%dma_wait3A_96] : memref<640000xi32, #tpu.memory_space<hbm>> -> memref<160xi32, #tpu.memory_space<hbm>>
      tpu.wait_dma2 semaphore(%arg14 : memref<!tpu.dma_semaphore, #tpu.memory_space<semaphore_mem>>) src(%dma_wait3A_97 : memref<160xi32, #tpu.memory_space<hbm>>) dst(%dma_wait3A_95 : memref<160xi32, #tpu.memory_space<vmem>>)
      %gt3A = arith.constant 0 : i32
      %gt3A_98 = arith.cmpi sgt, %scan3A_82, %gt3A : i32
      %convert_element_type3A = arith.extui %gt3A_98 : i1 to i32
      %cond3A = arith.constant 0 : i32
      %cond3A_99 = arith.cmpi ne, %convert_element_type3A, %cond3A : i32
      scf.if %cond3A_99 {
        %dma_wait3A_238 = arith.constant 0 : i32
        %dma_wait3A_239 = arith.constant 0 : i32
        %dma_wait3A_240 = tpu.memref_slice %arg6[%dma_wait3A_238, %dma_wait3A_239] : memref<640000x128xf32, #tpu.memory_space<hbm>> -> memref<160x128xf32, #tpu.memory_space<hbm>>
        %dma_wait3A_241 = arith.constant 0 : i32
        %dma_wait3A_242 = arith.constant 0 : i32
        %dma_wait3A_243 = tpu.memref_slice %arg6[%dma_wait3A_241, %dma_wait3A_242] : memref<640000x128xf32, #tpu.memory_space<hbm>> -> memref<160x128xf32, #tpu.memory_space<hbm>>
        tpu.wait_dma2 semaphore(%arg19 : memref<!tpu.dma_semaphore, #tpu.memory_space<semaphore_mem>>) src(%arg9 : memref<160x128xf32, #tpu.memory_space<vmem>>) dst(%dma_wait3A_243 : memref<160x128xf32, #tpu.memory_space<hbm>>)
      } else {
      }
      %parallel_loop3A = arith.constant 0 : i32
      %parallel_loop3A_100 = arith.constant 160 : i32
      %parallel_loop3A_101 = arith.constant 1 : i32
      scf.for %parallel_loop3A_238 = %parallel_loop3A to %parallel_loop3A_100 step %parallel_loop3A_101  : i32 {
        %parallel_loop3A_239 = arith.constant 0 : i32
        %parallel_loop3A_240 = arith.addi %parallel_loop3A_239, %parallel_loop3A_238 : i32
        %parallel_loop3A_241 = arith.index_cast %parallel_loop3A_240 : i32 to index
        %parallel_loop3A_242 = tpu.vector_load %arg8[%parallel_loop3A_241] {strides = array<i32>} : memref<816xi32, #tpu.memory_space<vmem>>, vector<16xi32>,
        %parallel_loop3A_243 = vector.extract_strided_slice %parallel_loop3A_242 {offsets = [0], sizes = [1], strides = [1]} : vector<16xi32> to vector<1xi32>
        %parallel_loop3A_244 = vector.extract %parallel_loop3A_243[0] : i32 from vector<1xi32>
        %parallel_loop3A_245 = arith.constant 8 : i32
        %parallel_loop3A_246 = arith.shrsi %parallel_loop3A_244, %parallel_loop3A_245 : i32
        %parallel_loop3A_247 = arith.constant 4 : i32
        %parallel_loop3A_248 = arith.shrsi %parallel_loop3A_244, %parallel_loop3A_247 : i32
        %parallel_loop3A_249 = arith.constant 15 : i32
        %parallel_loop3A_250 = arith.andi %parallel_loop3A_248, %parallel_loop3A_249 : i32
        %parallel_loop3A_251 = arith.constant 15 : i32
        %parallel_loop3A_252 = arith.andi %parallel_loop3A_244, %parallel_loop3A_251 : i32
        %parallel_loop3A_253 = arith.constant 36 : i32
        %parallel_loop3A_254 = arith.muli %parallel_loop3A_246, %parallel_loop3A_253 : i32
        %parallel_loop3A_255 = arith.constant 6 : i32
        %parallel_loop3A_256 = arith.muli %parallel_loop3A_250, %parallel_loop3A_255 : i32
        %parallel_loop3A_257 = arith.addi %parallel_loop3A_254, %parallel_loop3A_256 : i32
        %parallel_loop3A_258 = arith.addi %parallel_loop3A_257, %parallel_loop3A_252 : i32
        %parallel_loop3A_259 = arith.constant 128 : i32
        %parallel_loop3A_260 = arith.muli %parallel_loop3A_258, %parallel_loop3A_259 : i32
        %parallel_loop3A_261 = arith.constant 0 : i32
        %parallel_loop3A_262 = arith.addi %parallel_loop3A_260, %parallel_loop3A_261 : i32
        %parallel_loop3A_263 = arith.index_cast %parallel_loop3A_262 : i32 to index
        %parallel_loop3A_264 = tpu.vector_load %arg7[%parallel_loop3A_263] {strides = array<i32>} : memref<27648xf32, #tpu.memory_space<vmem>>, vector<16xf32>,
        %parallel_loop3A_265 = arith.index_cast %parallel_loop3A_238 : i32 to index
        %parallel_loop3A_266 = arith.constant 0 : index
        %parallel_loop3A_267 = tpu.vector_load %arg9[%parallel_loop3A_265, %parallel_loop3A_266] {strides = array<i32>} : memref<160x128xf32, #tpu.memory_space<vmem>>, vector<16xf32>,
        tpu.vector_store %arg9[%parallel_loop3A_265, %parallel_loop3A_266], %parallel_loop3A_264 {strides = array<i32>} : memref<160x128xf32, #tpu.memory_space<vmem>>, vector<16xf32>,
        %parallel_loop3A_268 = arith.constant 16 : i32
        %parallel_loop3A_269 = arith.addi %parallel_loop3A_260, %parallel_loop3A_268 : i32
        %parallel_loop3A_270 = arith.index_cast %parallel_loop3A_269 : i32 to index
        %parallel_loop3A_271 = tpu.vector_load %arg7[%parallel_loop3A_270] {strides = array<i32>} : memref<27648xf32, #tpu.memory_space<vmem>>, vector<16xf32>,
        %parallel_loop3A_272 = arith.index_cast %parallel_loop3A_238 : i32 to index
        %parallel_loop3A_273 = arith.constant 16 : index
        %parallel_loop3A_274 = tpu.vector_load %arg9[%parallel_loop3A_272, %parallel_loop3A_273] {strides = array<i32>} : memref<160x128xf32, #tpu.memory_space<vmem>>, vector<16xf32>,
        tpu.vector_store %arg9[%parallel_loop3A_272, %parallel_loop3A_273], %parallel_loop3A_271 {strides = array<i32>} : memref<160x128xf32, #tpu.memory_space<vmem>>, vector<16xf32>,
        %parallel_loop3A_275 = arith.constant 32 : i32
        %parallel_loop3A_276 = arith.addi %parallel_loop3A_260, %parallel_loop3A_275 : i32
        %parallel_loop3A_277 = arith.index_cast %parallel_loop3A_276 : i32 to index
        %parallel_loop3A_278 = tpu.vector_load %arg7[%parallel_loop3A_277] {strides = array<i32>} : memref<27648xf32, #tpu.memory_space<vmem>>, vector<16xf32>,
        %parallel_loop3A_279 = arith.index_cast %parallel_loop3A_238 : i32 to index
        %parallel_loop3A_280 = arith.constant 32 : index
        %parallel_loop3A_281 = tpu.vector_load %arg9[%parallel_loop3A_279, %parallel_loop3A_280] {strides = array<i32>} : memref<160x128xf32, #tpu.memory_space<vmem>>, vector<16xf32>,
        tpu.vector_store %arg9[%parallel_loop3A_279, %parallel_loop3A_280], %parallel_loop3A_278 {strides = array<i32>} : memref<160x128xf32, #tpu.memory_space<vmem>>, vector<16xf32>,
        %parallel_loop3A_282 = arith.constant 48 : i32
        %parallel_loop3A_283 = arith.addi %parallel_loop3A_260, %parallel_loop3A_282 : i32
        %parallel_loop3A_284 = arith.index_cast %parallel_loop3A_283 : i32 to index
        %parallel_loop3A_285 = tpu.vector_load %arg7[%parallel_loop3A_284] {strides = array<i32>} : memref<27648xf32, #tpu.memory_space<vmem>>, vector<16xf32>,
        %parallel_loop3A_286 = arith.index_cast %parallel_loop3A_238 : i32 to index
        %parallel_loop3A_287 = arith.constant 48 : index
        %parallel_loop3A_288 = tpu.vector_load %arg9[%parallel_loop3A_286, %parallel_loop3A_287] {strides = array<i32>} : memref<160x128xf32, #tpu.memory_space<vmem>>, vector<16xf32>,
        tpu.vector_store %arg9[%parallel_loop3A_286, %parallel_loop3A_287], %parallel_loop3A_285 {strides = array<i32>} : memref<160x128xf32, #tpu.memory_space<vmem>>, vector<16xf32>,
        %parallel_loop3A_289 = arith.constant 64 : i32
        %parallel_loop3A_290 = arith.addi %parallel_loop3A_260, %parallel_loop3A_289 : i32
        %parallel_loop3A_291 = arith.index_cast %parallel_loop3A_290 : i32 to index
        %parallel_loop3A_292 = tpu.vector_load %arg7[%parallel_loop3A_291] {strides = array<i32>} : memref<27648xf32, #tpu.memory_space<vmem>>, vector<16xf32>,
        %parallel_loop3A_293 = arith.index_cast %parallel_loop3A_238 : i32 to index
        %parallel_loop3A_294 = arith.constant 64 : index
        %parallel_loop3A_295 = tpu.vector_load %arg9[%parallel_loop3A_293, %parallel_loop3A_294] {strides = array<i32>} : memref<160x128xf32, #tpu.memory_space<vmem>>, vector<16xf32>,
        tpu.vector_store %arg9[%parallel_loop3A_293, %parallel_loop3A_294], %parallel_loop3A_292 {strides = array<i32>} : memref<160x128xf32, #tpu.memory_space<vmem>>, vector<16xf32>,
        %parallel_loop3A_296 = arith.constant 80 : i32
        %parallel_loop3A_297 = arith.addi %parallel_loop3A_260, %parallel_loop3A_296 : i32
        %parallel_loop3A_298 = arith.index_cast %parallel_loop3A_297 : i32 to index
        %parallel_loop3A_299 = tpu.vector_load %arg7[%parallel_loop3A_298] {strides = array<i32>} : memref<27648xf32, #tpu.memory_space<vmem>>, vector<16xf32>,
        %parallel_loop3A_300 = arith.index_cast %parallel_loop3A_238 : i32 to index
        %parallel_loop3A_301 = arith.constant 80 : index
        %parallel_loop3A_302 = tpu.vector_load %arg9[%parallel_loop3A_300, %parallel_loop3A_301] {strides = array<i32>} : memref<160x128xf32, #tpu.memory_space<vmem>>, vector<16xf32>,
        tpu.vector_store %arg9[%parallel_loop3A_300, %parallel_loop3A_301], %parallel_loop3A_299 {strides = array<i32>} : memref<160x128xf32, #tpu.memory_space<vmem>>, vector<16xf32>,
        %parallel_loop3A_303 = arith.constant 96 : i32
        %parallel_loop3A_304 = arith.addi %parallel_loop3A_260, %parallel_loop3A_303 : i32
        %parallel_loop3A_305 = arith.index_cast %parallel_loop3A_304 : i32 to index
        %parallel_loop3A_306 = tpu.vector_load %arg7[%parallel_loop3A_305] {strides = array<i32>} : memref<27648xf32, #tpu.memory_space<vmem>>, vector<16xf32>,
        %parallel_loop3A_307 = arith.index_cast %parallel_loop3A_238 : i32 to index
        %parallel_loop3A_308 = arith.constant 96 : index
        %parallel_loop3A_309 = tpu.vector_load %arg9[%parallel_loop3A_307, %parallel_loop3A_308] {strides = array<i32>} : memref<160x128xf32, #tpu.memory_space<vmem>>, vector<16xf32>,
        tpu.vector_store %arg9[%parallel_loop3A_307, %parallel_loop3A_308], %parallel_loop3A_306 {strides = array<i32>} : memref<160x128xf32, #tpu.memory_space<vmem>>, vector<16xf32>,
        %parallel_loop3A_310 = arith.constant 112 : i32
        %parallel_loop3A_311 = arith.addi %parallel_loop3A_260, %parallel_loop3A_310 : i32
        %parallel_loop3A_312 = arith.index_cast %parallel_loop3A_311 : i32 to index
        %parallel_loop3A_313 = tpu.vector_load %arg7[%parallel_loop3A_312] {strides = array<i32>} : memref<27648xf32, #tpu.memory_space<vmem>>, vector<16xf32>,
        %parallel_loop3A_314 = arith.index_cast %parallel_loop3A_238 : i32 to index
        %parallel_loop3A_315 = arith.constant 112 : index
        %parallel_loop3A_316 = tpu.vector_load %arg9[%parallel_loop3A_314, %parallel_loop3A_315] {strides = array<i32>} : memref<160x128xf32, #tpu.memory_space<vmem>>, vector<16xf32>,
        tpu.vector_store %arg9[%parallel_loop3A_314, %parallel_loop3A_315], %parallel_loop3A_313 {strides = array<i32>} : memref<160x128xf32, #tpu.memory_space<vmem>>, vector<16xf32>,
      } {sc.loop_unroll_factor = 4 : i64, sc.parallel_access}
      %dma_start3A_102 = arith.constant 0 : i32
      %dma_start3A_103 = tpu.memref_slice %arg6[%add3A_89, %dma_start3A_102] : memref<640000x128xf32, #tpu.memory_space<hbm>> -> memref<160x128xf32, #tpu.memory_space<hbm>>
      %dma_start3A_104 = arith.constant 0 : i32
      %dma_start3A_105 = tpu.memref_slice %arg6[%add3A_89, %dma_start3A_104] : memref<640000x128xf32, #tpu.memory_space<hbm>> -> memref<160x128xf32, #tpu.memory_space<hbm>>
      tpu.enqueue_dma source(%arg9 : memref<160x128xf32, #tpu.memory_space<vmem>>) target(%dma_start3A_105 : memref<160x128xf32, #tpu.memory_space<hbm>>) target_semaphore(%arg19 : memref<!tpu.dma_semaphore, #tpu.memory_space<semaphore_mem>>)
      %lt3A = arith.constant 24 : i32
      %lt3A_106 = arith.cmpi slt, %scan3A_82, %lt3A : i32
      %convert_element_type3A_107 = arith.extui %lt3A_106 : i1 to i32
      %cond3A_108 = arith.constant 0 : i32
      %cond3A_109 = arith.cmpi ne, %convert_element_type3A_107, %cond3A_108 : i32
      scf.if %cond3A_109 {
        %add3A_238 = arith.constant 800 : i32
        %add3A_239 = arith.addi %add3A_89, %add3A_238 : i32
        %dma_start3A_240 = arith.constant 0 : i32
        %dma_start3A_241 = tpu.memref_slice %arg8[%dma_start3A_240] : memref<816xi32, #tpu.memory_space<vmem>> -> memref<160xi32, #tpu.memory_space<vmem>>
        %dma_start3A_242 = tpu.memref_slice %arg2[%add3A_239] : memref<640000xi32, #tpu.memory_space<hbm>> -> memref<160xi32, #tpu.memory_space<hbm>>
        %dma_start3A_243 = arith.constant 0 : i32
        %dma_start3A_244 = tpu.memref_slice %arg8[%dma_start3A_243] : memref<816xi32, #tpu.memory_space<vmem>> -> memref<160xi32, #tpu.memory_space<vmem>>
        %dma_start3A_245 = tpu.memref_slice %arg2[%add3A_239] : memref<640000xi32, #tpu.memory_space<hbm>> -> memref<160xi32, #tpu.memory_space<hbm>>
        tpu.enqueue_dma source(%dma_start3A_245 : memref<160xi32, #tpu.memory_space<hbm>>) target(%dma_start3A_244 : memref<160xi32, #tpu.memory_space<vmem>>) target_semaphore(%arg14 : memref<!tpu.dma_semaphore, #tpu.memory_space<semaphore_mem>>)
      } else {
      }
      %mul3A_110 = arith.constant 5 : i32
      %mul3A_111 = arith.muli %scan3A_82, %mul3A_110 : i32
      %add3A_112 = arith.constant 1 : i32
      %add3A_113 = arith.addi %mul3A_111, %add3A_112 : i32
      %mul3A_114 = arith.constant 160 : i32
      %mul3A_115 = arith.muli %add3A_113, %mul3A_114 : i32
      %add3A_116 = arith.addi %mul3A_2, %mul3A_115 : i32
      %dma_wait3A_117 = arith.constant 160 : i32
      %dma_wait3A_118 = tpu.memref_slice %arg8[%dma_wait3A_117] : memref<816xi32, #tpu.memory_space<vmem>> -> memref<160xi32, #tpu.memory_space<vmem>>
      %dma_wait3A_119 = arith.constant 0 : i32
      %dma_wait3A_120 = tpu.memref_slice %arg2[%dma_wait3A_119] : memref<640000xi32, #tpu.memory_space<hbm>> -> memref<160xi32, #tpu.memory_space<hbm>>
      %dma_wait3A_121 = arith.constant 160 : i32
      %dma_wait3A_122 = tpu.memref_slice %arg8[%dma_wait3A_121] : memref<816xi32, #tpu.memory_space<vmem>> -> memref<160xi32, #tpu.memory_space<vmem>>
      %dma_wait3A_123 = arith.constant 0 : i32
      %dma_wait3A_124 = tpu.memref_slice %arg2[%dma_wait3A_123] : memref<640000xi32, #tpu.memory_space<hbm>> -> memref<160xi32, #tpu.memory_space<hbm>>
      tpu.wait_dma2 semaphore(%arg15 : memref<!tpu.dma_semaphore, #tpu.memory_space<semaphore_mem>>) src(%dma_wait3A_124 : memref<160xi32, #tpu.memory_space<hbm>>) dst(%dma_wait3A_122 : memref<160xi32, #tpu.memory_space<vmem>>)
      %gt3A_125 = arith.constant 0 : i32
      %gt3A_126 = arith.cmpi sgt, %scan3A_82, %gt3A_125 : i32
      %convert_element_type3A_127 = arith.extui %gt3A_126 : i1 to i32
      %cond3A_128 = arith.constant 0 : i32
      %cond3A_129 = arith.cmpi ne, %convert_element_type3A_127, %cond3A_128 : i32
      scf.if %cond3A_129 {
        %dma_wait3A_238 = arith.constant 0 : i32
        %dma_wait3A_239 = arith.constant 0 : i32
        %dma_wait3A_240 = tpu.memref_slice %arg6[%dma_wait3A_238, %dma_wait3A_239] : memref<640000x128xf32, #tpu.memory_space<hbm>> -> memref<160x128xf32, #tpu.memory_space<hbm>>
        %dma_wait3A_241 = arith.constant 0 : i32
        %dma_wait3A_242 = arith.constant 0 : i32
        %dma_wait3A_243 = tpu.memref_slice %arg6[%dma_wait3A_241, %dma_wait3A_242] : memref<640000x128xf32, #tpu.memory_space<hbm>> -> memref<160x128xf32, #tpu.memory_space<hbm>>
        tpu.wait_dma2 semaphore(%arg20 : memref<!tpu.dma_semaphore, #tpu.memory_space<semaphore_mem>>) src(%arg10 : memref<160x128xf32, #tpu.memory_space<vmem>>) dst(%dma_wait3A_243 : memref<160x128xf32, #tpu.memory_space<hbm>>)
      } else {
      }
      %parallel_loop3A_130 = arith.constant 0 : i32
      %parallel_loop3A_131 = arith.constant 160 : i32
      %parallel_loop3A_132 = arith.constant 1 : i32
      scf.for %parallel_loop3A_238 = %parallel_loop3A_130 to %parallel_loop3A_131 step %parallel_loop3A_132  : i32 {
        %parallel_loop3A_239 = arith.constant 160 : i32
        %parallel_loop3A_240 = arith.addi %parallel_loop3A_239, %parallel_loop3A_238 : i32
        %parallel_loop3A_241 = arith.index_cast %parallel_loop3A_240 : i32 to index
        %parallel_loop3A_242 = tpu.vector_load %arg8[%parallel_loop3A_241] {strides = array<i32>} : memref<816xi32, #tpu.memory_space<vmem>>, vector<16xi32>,
        %parallel_loop3A_243 = vector.extract_strided_slice %parallel_loop3A_242 {offsets = [0], sizes = [1], strides = [1]} : vector<16xi32> to vector<1xi32>
        %parallel_loop3A_244 = vector.extract %parallel_loop3A_243[0] : i32 from vector<1xi32>
        %parallel_loop3A_245 = arith.constant 8 : i32
        %parallel_loop3A_246 = arith.shrsi %parallel_loop3A_244, %parallel_loop3A_245 : i32
        %parallel_loop3A_247 = arith.constant 4 : i32
        %parallel_loop3A_248 = arith.shrsi %parallel_loop3A_244, %parallel_loop3A_247 : i32
        %parallel_loop3A_249 = arith.constant 15 : i32
        %parallel_loop3A_250 = arith.andi %parallel_loop3A_248, %parallel_loop3A_249 : i32
        %parallel_loop3A_251 = arith.constant 15 : i32
        %parallel_loop3A_252 = arith.andi %parallel_loop3A_244, %parallel_loop3A_251 : i32
        %parallel_loop3A_253 = arith.constant 36 : i32
        %parallel_loop3A_254 = arith.muli %parallel_loop3A_246, %parallel_loop3A_253 : i32
        %parallel_loop3A_255 = arith.constant 6 : i32
        %parallel_loop3A_256 = arith.muli %parallel_loop3A_250, %parallel_loop3A_255 : i32
        %parallel_loop3A_257 = arith.addi %parallel_loop3A_254, %parallel_loop3A_256 : i32
        %parallel_loop3A_258 = arith.addi %parallel_loop3A_257, %parallel_loop3A_252 : i32
        %parallel_loop3A_259 = arith.constant 128 : i32
        %parallel_loop3A_260 = arith.muli %parallel_loop3A_258, %parallel_loop3A_259 : i32
        %parallel_loop3A_261 = arith.constant 0 : i32
        %parallel_loop3A_262 = arith.addi %parallel_loop3A_260, %parallel_loop3A_261 : i32
        %parallel_loop3A_263 = arith.index_cast %parallel_loop3A_262 : i32 to index
        %parallel_loop3A_264 = tpu.vector_load %arg7[%parallel_loop3A_263] {strides = array<i32>} : memref<27648xf32, #tpu.memory_space<vmem>>, vector<16xf32>,
        %parallel_loop3A_265 = arith.index_cast %parallel_loop3A_238 : i32 to index
        %parallel_loop3A_266 = arith.constant 0 : index
        %parallel_loop3A_267 = tpu.vector_load %arg10[%parallel_loop3A_265, %parallel_loop3A_266] {strides = array<i32>} : memref<160x128xf32, #tpu.memory_space<vmem>>, vector<16xf32>,
        tpu.vector_store %arg10[%parallel_loop3A_265, %parallel_loop3A_266], %parallel_loop3A_264 {strides = array<i32>} : memref<160x128xf32, #tpu.memory_space<vmem>>, vector<16xf32>,
        %parallel_loop3A_268 = arith.constant 16 : i32
        %parallel_loop3A_269 = arith.addi %parallel_loop3A_260, %parallel_loop3A_268 : i32
        %parallel_loop3A_270 = arith.index_cast %parallel_loop3A_269 : i32 to index
        %parallel_loop3A_271 = tpu.vector_load %arg7[%parallel_loop3A_270] {strides = array<i32>} : memref<27648xf32, #tpu.memory_space<vmem>>, vector<16xf32>,
        %parallel_loop3A_272 = arith.index_cast %parallel_loop3A_238 : i32 to index
        %parallel_loop3A_273 = arith.constant 16 : index
        %parallel_loop3A_274 = tpu.vector_load %arg10[%parallel_loop3A_272, %parallel_loop3A_273] {strides = array<i32>} : memref<160x128xf32, #tpu.memory_space<vmem>>, vector<16xf32>,
        tpu.vector_store %arg10[%parallel_loop3A_272, %parallel_loop3A_273], %parallel_loop3A_271 {strides = array<i32>} : memref<160x128xf32, #tpu.memory_space<vmem>>, vector<16xf32>,
        %parallel_loop3A_275 = arith.constant 32 : i32
        %parallel_loop3A_276 = arith.addi %parallel_loop3A_260, %parallel_loop3A_275 : i32
        %parallel_loop3A_277 = arith.index_cast %parallel_loop3A_276 : i32 to index
        %parallel_loop3A_278 = tpu.vector_load %arg7[%parallel_loop3A_277] {strides = array<i32>} : memref<27648xf32, #tpu.memory_space<vmem>>, vector<16xf32>,
        %parallel_loop3A_279 = arith.index_cast %parallel_loop3A_238 : i32 to index
        %parallel_loop3A_280 = arith.constant 32 : index
        %parallel_loop3A_281 = tpu.vector_load %arg10[%parallel_loop3A_279, %parallel_loop3A_280] {strides = array<i32>} : memref<160x128xf32, #tpu.memory_space<vmem>>, vector<16xf32>,
        tpu.vector_store %arg10[%parallel_loop3A_279, %parallel_loop3A_280], %parallel_loop3A_278 {strides = array<i32>} : memref<160x128xf32, #tpu.memory_space<vmem>>, vector<16xf32>,
        %parallel_loop3A_282 = arith.constant 48 : i32
        %parallel_loop3A_283 = arith.addi %parallel_loop3A_260, %parallel_loop3A_282 : i32
        %parallel_loop3A_284 = arith.index_cast %parallel_loop3A_283 : i32 to index
        %parallel_loop3A_285 = tpu.vector_load %arg7[%parallel_loop3A_284] {strides = array<i32>} : memref<27648xf32, #tpu.memory_space<vmem>>, vector<16xf32>,
        %parallel_loop3A_286 = arith.index_cast %parallel_loop3A_238 : i32 to index
        %parallel_loop3A_287 = arith.constant 48 : index
        %parallel_loop3A_288 = tpu.vector_load %arg10[%parallel_loop3A_286, %parallel_loop3A_287] {strides = array<i32>} : memref<160x128xf32, #tpu.memory_space<vmem>>, vector<16xf32>,
        tpu.vector_store %arg10[%parallel_loop3A_286, %parallel_loop3A_287], %parallel_loop3A_285 {strides = array<i32>} : memref<160x128xf32, #tpu.memory_space<vmem>>, vector<16xf32>,
        %parallel_loop3A_289 = arith.constant 64 : i32
        %parallel_loop3A_290 = arith.addi %parallel_loop3A_260, %parallel_loop3A_289 : i32
        %parallel_loop3A_291 = arith.index_cast %parallel_loop3A_290 : i32 to index
        %parallel_loop3A_292 = tpu.vector_load %arg7[%parallel_loop3A_291] {strides = array<i32>} : memref<27648xf32, #tpu.memory_space<vmem>>, vector<16xf32>,
        %parallel_loop3A_293 = arith.index_cast %parallel_loop3A_238 : i32 to index
        %parallel_loop3A_294 = arith.constant 64 : index
        %parallel_loop3A_295 = tpu.vector_load %arg10[%parallel_loop3A_293, %parallel_loop3A_294] {strides = array<i32>} : memref<160x128xf32, #tpu.memory_space<vmem>>, vector<16xf32>,
        tpu.vector_store %arg10[%parallel_loop3A_293, %parallel_loop3A_294], %parallel_loop3A_292 {strides = array<i32>} : memref<160x128xf32, #tpu.memory_space<vmem>>, vector<16xf32>,
        %parallel_loop3A_296 = arith.constant 80 : i32
        %parallel_loop3A_297 = arith.addi %parallel_loop3A_260, %parallel_loop3A_296 : i32
        %parallel_loop3A_298 = arith.index_cast %parallel_loop3A_297 : i32 to index
        %parallel_loop3A_299 = tpu.vector_load %arg7[%parallel_loop3A_298] {strides = array<i32>} : memref<27648xf32, #tpu.memory_space<vmem>>, vector<16xf32>,
        %parallel_loop3A_300 = arith.index_cast %parallel_loop3A_238 : i32 to index
        %parallel_loop3A_301 = arith.constant 80 : index
        %parallel_loop3A_302 = tpu.vector_load %arg10[%parallel_loop3A_300, %parallel_loop3A_301] {strides = array<i32>} : memref<160x128xf32, #tpu.memory_space<vmem>>, vector<16xf32>,
        tpu.vector_store %arg10[%parallel_loop3A_300, %parallel_loop3A_301], %parallel_loop3A_299 {strides = array<i32>} : memref<160x128xf32, #tpu.memory_space<vmem>>, vector<16xf32>,
        %parallel_loop3A_303 = arith.constant 96 : i32
        %parallel_loop3A_304 = arith.addi %parallel_loop3A_260, %parallel_loop3A_303 : i32
        %parallel_loop3A_305 = arith.index_cast %parallel_loop3A_304 : i32 to index
        %parallel_loop3A_306 = tpu.vector_load %arg7[%parallel_loop3A_305] {strides = array<i32>} : memref<27648xf32, #tpu.memory_space<vmem>>, vector<16xf32>,
        %parallel_loop3A_307 = arith.index_cast %parallel_loop3A_238 : i32 to index
        %parallel_loop3A_308 = arith.constant 96 : index
        %parallel_loop3A_309 = tpu.vector_load %arg10[%parallel_loop3A_307, %parallel_loop3A_308] {strides = array<i32>} : memref<160x128xf32, #tpu.memory_space<vmem>>, vector<16xf32>,
        tpu.vector_store %arg10[%parallel_loop3A_307, %parallel_loop3A_308], %parallel_loop3A_306 {strides = array<i32>} : memref<160x128xf32, #tpu.memory_space<vmem>>, vector<16xf32>,
        %parallel_loop3A_310 = arith.constant 112 : i32
        %parallel_loop3A_311 = arith.addi %parallel_loop3A_260, %parallel_loop3A_310 : i32
        %parallel_loop3A_312 = arith.index_cast %parallel_loop3A_311 : i32 to index
        %parallel_loop3A_313 = tpu.vector_load %arg7[%parallel_loop3A_312] {strides = array<i32>} : memref<27648xf32, #tpu.memory_space<vmem>>, vector<16xf32>,
        %parallel_loop3A_314 = arith.index_cast %parallel_loop3A_238 : i32 to index
        %parallel_loop3A_315 = arith.constant 112 : index
        %parallel_loop3A_316 = tpu.vector_load %arg10[%parallel_loop3A_314, %parallel_loop3A_315] {strides = array<i32>} : memref<160x128xf32, #tpu.memory_space<vmem>>, vector<16xf32>,
        tpu.vector_store %arg10[%parallel_loop3A_314, %parallel_loop3A_315], %parallel_loop3A_313 {strides = array<i32>} : memref<160x128xf32, #tpu.memory_space<vmem>>, vector<16xf32>,
      } {sc.loop_unroll_factor = 4 : i64, sc.parallel_access}
      %dma_start3A_133 = arith.constant 0 : i32
      %dma_start3A_134 = tpu.memref_slice %arg6[%add3A_116, %dma_start3A_133] : memref<640000x128xf32, #tpu.memory_space<hbm>> -> memref<160x128xf32, #tpu.memory_space<hbm>>
      %dma_start3A_135 = arith.constant 0 : i32
      %dma_start3A_136 = tpu.memref_slice %arg6[%add3A_116, %dma_start3A_135] : memref<640000x128xf32, #tpu.memory_space<hbm>> -> memref<160x128xf32, #tpu.memory_space<hbm>>
      tpu.enqueue_dma source(%arg10 : memref<160x128xf32, #tpu.memory_space<vmem>>) target(%dma_start3A_136 : memref<160x128xf32, #tpu.memory_space<hbm>>) target_semaphore(%arg20 : memref<!tpu.dma_semaphore, #tpu.memory_space<semaphore_mem>>)
      %lt3A_137 = arith.constant 24 : i32
      %lt3A_138 = arith.cmpi slt, %scan3A_82, %lt3A_137 : i32
      %convert_element_type3A_139 = arith.extui %lt3A_138 : i1 to i32
      %cond3A_140 = arith.constant 0 : i32
      %cond3A_141 = arith.cmpi ne, %convert_element_type3A_139, %cond3A_140 : i32
      scf.if %cond3A_141 {
        %add3A_238 = arith.constant 800 : i32
        %add3A_239 = arith.addi %add3A_116, %add3A_238 : i32
        %dma_start3A_240 = arith.constant 160 : i32
        %dma_start3A_241 = tpu.memref_slice %arg8[%dma_start3A_240] : memref<816xi32, #tpu.memory_space<vmem>> -> memref<160xi32, #tpu.memory_space<vmem>>
        %dma_start3A_242 = tpu.memref_slice %arg2[%add3A_239] : memref<640000xi32, #tpu.memory_space<hbm>> -> memref<160xi32, #tpu.memory_space<hbm>>
        %dma_start3A_243 = arith.constant 160 : i32
        %dma_start3A_244 = tpu.memref_slice %arg8[%dma_start3A_243] : memref<816xi32, #tpu.memory_space<vmem>> -> memref<160xi32, #tpu.memory_space<vmem>>
        %dma_start3A_245 = tpu.memref_slice %arg2[%add3A_239] : memref<640000xi32, #tpu.memory_space<hbm>> -> memref<160xi32, #tpu.memory_space<hbm>>
        tpu.enqueue_dma source(%dma_start3A_245 : memref<160xi32, #tpu.memory_space<hbm>>) target(%dma_start3A_244 : memref<160xi32, #tpu.memory_space<vmem>>) target_semaphore(%arg15 : memref<!tpu.dma_semaphore, #tpu.memory_space<semaphore_mem>>)
      } else {
      }
      %mul3A_142 = arith.constant 5 : i32
      %mul3A_143 = arith.muli %scan3A_82, %mul3A_142 : i32
      %add3A_144 = arith.constant 2 : i32
      %add3A_145 = arith.addi %mul3A_143, %add3A_144 : i32
      %mul3A_146 = arith.constant 160 : i32
      %mul3A_147 = arith.muli %add3A_145, %mul3A_146 : i32
      %add3A_148 = arith.addi %mul3A_2, %mul3A_147 : i32
      %dma_wait3A_149 = arith.constant 320 : i32
      %dma_wait3A_150 = tpu.memref_slice %arg8[%dma_wait3A_149] : memref<816xi32, #tpu.memory_space<vmem>> -> memref<160xi32, #tpu.memory_space<vmem>>
      %dma_wait3A_151 = arith.constant 0 : i32
      %dma_wait3A_152 = tpu.memref_slice %arg2[%dma_wait3A_151] : memref<640000xi32, #tpu.memory_space<hbm>> -> memref<160xi32, #tpu.memory_space<hbm>>
      %dma_wait3A_153 = arith.constant 320 : i32
      %dma_wait3A_154 = tpu.memref_slice %arg8[%dma_wait3A_153] : memref<816xi32, #tpu.memory_space<vmem>> -> memref<160xi32, #tpu.memory_space<vmem>>
      %dma_wait3A_155 = arith.constant 0 : i32
      %dma_wait3A_156 = tpu.memref_slice %arg2[%dma_wait3A_155] : memref<640000xi32, #tpu.memory_space<hbm>> -> memref<160xi32, #tpu.memory_space<hbm>>
      tpu.wait_dma2 semaphore(%arg16 : memref<!tpu.dma_semaphore, #tpu.memory_space<semaphore_mem>>) src(%dma_wait3A_156 : memref<160xi32, #tpu.memory_space<hbm>>) dst(%dma_wait3A_154 : memref<160xi32, #tpu.memory_space<vmem>>)
      %gt3A_157 = arith.constant 0 : i32
      %gt3A_158 = arith.cmpi sgt, %scan3A_82, %gt3A_157 : i32
      %convert_element_type3A_159 = arith.extui %gt3A_158 : i1 to i32
      %cond3A_160 = arith.constant 0 : i32
      %cond3A_161 = arith.cmpi ne, %convert_element_type3A_159, %cond3A_160 : i32
      scf.if %cond3A_161 {
        %dma_wait3A_238 = arith.constant 0 : i32
        %dma_wait3A_239 = arith.constant 0 : i32
        %dma_wait3A_240 = tpu.memref_slice %arg6[%dma_wait3A_238, %dma_wait3A_239] : memref<640000x128xf32, #tpu.memory_space<hbm>> -> memref<160x128xf32, #tpu.memory_space<hbm>>
        %dma_wait3A_241 = arith.constant 0 : i32
        %dma_wait3A_242 = arith.constant 0 : i32
        %dma_wait3A_243 = tpu.memref_slice %arg6[%dma_wait3A_241, %dma_wait3A_242] : memref<640000x128xf32, #tpu.memory_space<hbm>> -> memref<160x128xf32, #tpu.memory_space<hbm>>
        tpu.wait_dma2 semaphore(%arg21 : memref<!tpu.dma_semaphore, #tpu.memory_space<semaphore_mem>>) src(%arg11 : memref<160x128xf32, #tpu.memory_space<vmem>>) dst(%dma_wait3A_243 : memref<160x128xf32, #tpu.memory_space<hbm>>)
      } else {
      }
      %parallel_loop3A_162 = arith.constant 0 : i32
      %parallel_loop3A_163 = arith.constant 160 : i32
      %parallel_loop3A_164 = arith.constant 1 : i32
      scf.for %parallel_loop3A_238 = %parallel_loop3A_162 to %parallel_loop3A_163 step %parallel_loop3A_164  : i32 {
        %parallel_loop3A_239 = arith.constant 320 : i32
        %parallel_loop3A_240 = arith.addi %parallel_loop3A_239, %parallel_loop3A_238 : i32
        %parallel_loop3A_241 = arith.index_cast %parallel_loop3A_240 : i32 to index
        %parallel_loop3A_242 = tpu.vector_load %arg8[%parallel_loop3A_241] {strides = array<i32>} : memref<816xi32, #tpu.memory_space<vmem>>, vector<16xi32>,
        %parallel_loop3A_243 = vector.extract_strided_slice %parallel_loop3A_242 {offsets = [0], sizes = [1], strides = [1]} : vector<16xi32> to vector<1xi32>
        %parallel_loop3A_244 = vector.extract %parallel_loop3A_243[0] : i32 from vector<1xi32>
        %parallel_loop3A_245 = arith.constant 8 : i32
        %parallel_loop3A_246 = arith.shrsi %parallel_loop3A_244, %parallel_loop3A_245 : i32
        %parallel_loop3A_247 = arith.constant 4 : i32
        %parallel_loop3A_248 = arith.shrsi %parallel_loop3A_244, %parallel_loop3A_247 : i32
        %parallel_loop3A_249 = arith.constant 15 : i32
        %parallel_loop3A_250 = arith.andi %parallel_loop3A_248, %parallel_loop3A_249 : i32
        %parallel_loop3A_251 = arith.constant 15 : i32
        %parallel_loop3A_252 = arith.andi %parallel_loop3A_244, %parallel_loop3A_251 : i32
        %parallel_loop3A_253 = arith.constant 36 : i32
        %parallel_loop3A_254 = arith.muli %parallel_loop3A_246, %parallel_loop3A_253 : i32
        %parallel_loop3A_255 = arith.constant 6 : i32
        %parallel_loop3A_256 = arith.muli %parallel_loop3A_250, %parallel_loop3A_255 : i32
        %parallel_loop3A_257 = arith.addi %parallel_loop3A_254, %parallel_loop3A_256 : i32
        %parallel_loop3A_258 = arith.addi %parallel_loop3A_257, %parallel_loop3A_252 : i32
        %parallel_loop3A_259 = arith.constant 128 : i32
        %parallel_loop3A_260 = arith.muli %parallel_loop3A_258, %parallel_loop3A_259 : i32
        %parallel_loop3A_261 = arith.constant 0 : i32
        %parallel_loop3A_262 = arith.addi %parallel_loop3A_260, %parallel_loop3A_261 : i32
        %parallel_loop3A_263 = arith.index_cast %parallel_loop3A_262 : i32 to index
        %parallel_loop3A_264 = tpu.vector_load %arg7[%parallel_loop3A_263] {strides = array<i32>} : memref<27648xf32, #tpu.memory_space<vmem>>, vector<16xf32>,
        %parallel_loop3A_265 = arith.index_cast %parallel_loop3A_238 : i32 to index
        %parallel_loop3A_266 = arith.constant 0 : index
        %parallel_loop3A_267 = tpu.vector_load %arg11[%parallel_loop3A_265, %parallel_loop3A_266] {strides = array<i32>} : memref<160x128xf32, #tpu.memory_space<vmem>>, vector<16xf32>,
        tpu.vector_store %arg11[%parallel_loop3A_265, %parallel_loop3A_266], %parallel_loop3A_264 {strides = array<i32>} : memref<160x128xf32, #tpu.memory_space<vmem>>, vector<16xf32>,
        %parallel_loop3A_268 = arith.constant 16 : i32
        %parallel_loop3A_269 = arith.addi %parallel_loop3A_260, %parallel_loop3A_268 : i32
        %parallel_loop3A_270 = arith.index_cast %parallel_loop3A_269 : i32 to index
        %parallel_loop3A_271 = tpu.vector_load %arg7[%parallel_loop3A_270] {strides = array<i32>} : memref<27648xf32, #tpu.memory_space<vmem>>, vector<16xf32>,
        %parallel_loop3A_272 = arith.index_cast %parallel_loop3A_238 : i32 to index
        %parallel_loop3A_273 = arith.constant 16 : index
        %parallel_loop3A_274 = tpu.vector_load %arg11[%parallel_loop3A_272, %parallel_loop3A_273] {strides = array<i32>} : memref<160x128xf32, #tpu.memory_space<vmem>>, vector<16xf32>,
        tpu.vector_store %arg11[%parallel_loop3A_272, %parallel_loop3A_273], %parallel_loop3A_271 {strides = array<i32>} : memref<160x128xf32, #tpu.memory_space<vmem>>, vector<16xf32>,
        %parallel_loop3A_275 = arith.constant 32 : i32
        %parallel_loop3A_276 = arith.addi %parallel_loop3A_260, %parallel_loop3A_275 : i32
        %parallel_loop3A_277 = arith.index_cast %parallel_loop3A_276 : i32 to index
        %parallel_loop3A_278 = tpu.vector_load %arg7[%parallel_loop3A_277] {strides = array<i32>} : memref<27648xf32, #tpu.memory_space<vmem>>, vector<16xf32>,
        %parallel_loop3A_279 = arith.index_cast %parallel_loop3A_238 : i32 to index
        %parallel_loop3A_280 = arith.constant 32 : index
        %parallel_loop3A_281 = tpu.vector_load %arg11[%parallel_loop3A_279, %parallel_loop3A_280] {strides = array<i32>} : memref<160x128xf32, #tpu.memory_space<vmem>>, vector<16xf32>,
        tpu.vector_store %arg11[%parallel_loop3A_279, %parallel_loop3A_280], %parallel_loop3A_278 {strides = array<i32>} : memref<160x128xf32, #tpu.memory_space<vmem>>, vector<16xf32>,
        %parallel_loop3A_282 = arith.constant 48 : i32
        %parallel_loop3A_283 = arith.addi %parallel_loop3A_260, %parallel_loop3A_282 : i32
        %parallel_loop3A_284 = arith.index_cast %parallel_loop3A_283 : i32 to index
        %parallel_loop3A_285 = tpu.vector_load %arg7[%parallel_loop3A_284] {strides = array<i32>} : memref<27648xf32, #tpu.memory_space<vmem>>, vector<16xf32>,
        %parallel_loop3A_286 = arith.index_cast %parallel_loop3A_238 : i32 to index
        %parallel_loop3A_287 = arith.constant 48 : index
        %parallel_loop3A_288 = tpu.vector_load %arg11[%parallel_loop3A_286, %parallel_loop3A_287] {strides = array<i32>} : memref<160x128xf32, #tpu.memory_space<vmem>>, vector<16xf32>,
        tpu.vector_store %arg11[%parallel_loop3A_286, %parallel_loop3A_287], %parallel_loop3A_285 {strides = array<i32>} : memref<160x128xf32, #tpu.memory_space<vmem>>, vector<16xf32>,
        %parallel_loop3A_289 = arith.constant 64 : i32
        %parallel_loop3A_290 = arith.addi %parallel_loop3A_260, %parallel_loop3A_289 : i32
        %parallel_loop3A_291 = arith.index_cast %parallel_loop3A_290 : i32 to index
        %parallel_loop3A_292 = tpu.vector_load %arg7[%parallel_loop3A_291] {strides = array<i32>} : memref<27648xf32, #tpu.memory_space<vmem>>, vector<16xf32>,
        %parallel_loop3A_293 = arith.index_cast %parallel_loop3A_238 : i32 to index
        %parallel_loop3A_294 = arith.constant 64 : index
        %parallel_loop3A_295 = tpu.vector_load %arg11[%parallel_loop3A_293, %parallel_loop3A_294] {strides = array<i32>} : memref<160x128xf32, #tpu.memory_space<vmem>>, vector<16xf32>,
        tpu.vector_store %arg11[%parallel_loop3A_293, %parallel_loop3A_294], %parallel_loop3A_292 {strides = array<i32>} : memref<160x128xf32, #tpu.memory_space<vmem>>, vector<16xf32>,
        %parallel_loop3A_296 = arith.constant 80 : i32
        %parallel_loop3A_297 = arith.addi %parallel_loop3A_260, %parallel_loop3A_296 : i32
        %parallel_loop3A_298 = arith.index_cast %parallel_loop3A_297 : i32 to index
        %parallel_loop3A_299 = tpu.vector_load %arg7[%parallel_loop3A_298] {strides = array<i32>} : memref<27648xf32, #tpu.memory_space<vmem>>, vector<16xf32>,
        %parallel_loop3A_300 = arith.index_cast %parallel_loop3A_238 : i32 to index
        %parallel_loop3A_301 = arith.constant 80 : index
        %parallel_loop3A_302 = tpu.vector_load %arg11[%parallel_loop3A_300, %parallel_loop3A_301] {strides = array<i32>} : memref<160x128xf32, #tpu.memory_space<vmem>>, vector<16xf32>,
        tpu.vector_store %arg11[%parallel_loop3A_300, %parallel_loop3A_301], %parallel_loop3A_299 {strides = array<i32>} : memref<160x128xf32, #tpu.memory_space<vmem>>, vector<16xf32>,
        %parallel_loop3A_303 = arith.constant 96 : i32
        %parallel_loop3A_304 = arith.addi %parallel_loop3A_260, %parallel_loop3A_303 : i32
        %parallel_loop3A_305 = arith.index_cast %parallel_loop3A_304 : i32 to index
        %parallel_loop3A_306 = tpu.vector_load %arg7[%parallel_loop3A_305] {strides = array<i32>} : memref<27648xf32, #tpu.memory_space<vmem>>, vector<16xf32>,
        %parallel_loop3A_307 = arith.index_cast %parallel_loop3A_238 : i32 to index
        %parallel_loop3A_308 = arith.constant 96 : index
        %parallel_loop3A_309 = tpu.vector_load %arg11[%parallel_loop3A_307, %parallel_loop3A_308] {strides = array<i32>} : memref<160x128xf32, #tpu.memory_space<vmem>>, vector<16xf32>,
        tpu.vector_store %arg11[%parallel_loop3A_307, %parallel_loop3A_308], %parallel_loop3A_306 {strides = array<i32>} : memref<160x128xf32, #tpu.memory_space<vmem>>, vector<16xf32>,
        %parallel_loop3A_310 = arith.constant 112 : i32
        %parallel_loop3A_311 = arith.addi %parallel_loop3A_260, %parallel_loop3A_310 : i32
        %parallel_loop3A_312 = arith.index_cast %parallel_loop3A_311 : i32 to index
        %parallel_loop3A_313 = tpu.vector_load %arg7[%parallel_loop3A_312] {strides = array<i32>} : memref<27648xf32, #tpu.memory_space<vmem>>, vector<16xf32>,
        %parallel_loop3A_314 = arith.index_cast %parallel_loop3A_238 : i32 to index
        %parallel_loop3A_315 = arith.constant 112 : index
        %parallel_loop3A_316 = tpu.vector_load %arg11[%parallel_loop3A_314, %parallel_loop3A_315] {strides = array<i32>} : memref<160x128xf32, #tpu.memory_space<vmem>>, vector<16xf32>,
        tpu.vector_store %arg11[%parallel_loop3A_314, %parallel_loop3A_315], %parallel_loop3A_313 {strides = array<i32>} : memref<160x128xf32, #tpu.memory_space<vmem>>, vector<16xf32>,
      } {sc.loop_unroll_factor = 4 : i64, sc.parallel_access}
      %dma_start3A_165 = arith.constant 0 : i32
      %dma_start3A_166 = tpu.memref_slice %arg6[%add3A_148, %dma_start3A_165] : memref<640000x128xf32, #tpu.memory_space<hbm>> -> memref<160x128xf32, #tpu.memory_space<hbm>>
      %dma_start3A_167 = arith.constant 0 : i32
      %dma_start3A_168 = tpu.memref_slice %arg6[%add3A_148, %dma_start3A_167] : memref<640000x128xf32, #tpu.memory_space<hbm>> -> memref<160x128xf32, #tpu.memory_space<hbm>>
      tpu.enqueue_dma source(%arg11 : memref<160x128xf32, #tpu.memory_space<vmem>>) target(%dma_start3A_168 : memref<160x128xf32, #tpu.memory_space<hbm>>) target_semaphore(%arg21 : memref<!tpu.dma_semaphore, #tpu.memory_space<semaphore_mem>>)
      %lt3A_169 = arith.constant 24 : i32
      %lt3A_170 = arith.cmpi slt, %scan3A_82, %lt3A_169 : i32
      %convert_element_type3A_171 = arith.extui %lt3A_170 : i1 to i32
      %cond3A_172 = arith.constant 0 : i32
      %cond3A_173 = arith.cmpi ne, %convert_element_type3A_171, %cond3A_172 : i32
      scf.if %cond3A_173 {
        %add3A_238 = arith.constant 800 : i32
        %add3A_239 = arith.addi %add3A_148, %add3A_238 : i32
        %dma_start3A_240 = arith.constant 320 : i32
        %dma_start3A_241 = tpu.memref_slice %arg8[%dma_start3A_240] : memref<816xi32, #tpu.memory_space<vmem>> -> memref<160xi32, #tpu.memory_space<vmem>>
        %dma_start3A_242 = tpu.memref_slice %arg2[%add3A_239] : memref<640000xi32, #tpu.memory_space<hbm>> -> memref<160xi32, #tpu.memory_space<hbm>>
        %dma_start3A_243 = arith.constant 320 : i32
        %dma_start3A_244 = tpu.memref_slice %arg8[%dma_start3A_243] : memref<816xi32, #tpu.memory_space<vmem>> -> memref<160xi32, #tpu.memory_space<vmem>>
        %dma_start3A_245 = tpu.memref_slice %arg2[%add3A_239] : memref<640000xi32, #tpu.memory_space<hbm>> -> memref<160xi32, #tpu.memory_space<hbm>>
        tpu.enqueue_dma source(%dma_start3A_245 : memref<160xi32, #tpu.memory_space<hbm>>) target(%dma_start3A_244 : memref<160xi32, #tpu.memory_space<vmem>>) target_semaphore(%arg16 : memref<!tpu.dma_semaphore, #tpu.memory_space<semaphore_mem>>)
      } else {
      }
      %mul3A_174 = arith.constant 5 : i32
      %mul3A_175 = arith.muli %scan3A_82, %mul3A_174 : i32
      %add3A_176 = arith.constant 3 : i32
      %add3A_177 = arith.addi %mul3A_175, %add3A_176 : i32
      %mul3A_178 = arith.constant 160 : i32
      %mul3A_179 = arith.muli %add3A_177, %mul3A_178 : i32
      %add3A_180 = arith.addi %mul3A_2, %mul3A_179 : i32
      %dma_wait3A_181 = arith.constant 480 : i32
      %dma_wait3A_182 = tpu.memref_slice %arg8[%dma_wait3A_181] : memref<816xi32, #tpu.memory_space<vmem>> -> memref<160xi32, #tpu.memory_space<vmem>>
      %dma_wait3A_183 = arith.constant 0 : i32
      %dma_wait3A_184 = tpu.memref_slice %arg2[%dma_wait3A_183] : memref<640000xi32, #tpu.memory_space<hbm>> -> memref<160xi32, #tpu.memory_space<hbm>>
      %dma_wait3A_185 = arith.constant 480 : i32
      %dma_wait3A_186 = tpu.memref_slice %arg8[%dma_wait3A_185] : memref<816xi32, #tpu.memory_space<vmem>> -> memref<160xi32, #tpu.memory_space<vmem>>
      %dma_wait3A_187 = arith.constant 0 : i32
      %dma_wait3A_188 = tpu.memref_slice %arg2[%dma_wait3A_187] : memref<640000xi32, #tpu.memory_space<hbm>> -> memref<160xi32, #tpu.memory_space<hbm>>
      tpu.wait_dma2 semaphore(%arg17 : memref<!tpu.dma_semaphore, #tpu.memory_space<semaphore_mem>>) src(%dma_wait3A_188 : memref<160xi32, #tpu.memory_space<hbm>>) dst(%dma_wait3A_186 : memref<160xi32, #tpu.memory_space<vmem>>)
      %gt3A_189 = arith.constant 0 : i32
      %gt3A_190 = arith.cmpi sgt, %scan3A_82, %gt3A_189 : i32
      %convert_element_type3A_191 = arith.extui %gt3A_190 : i1 to i32
      %cond3A_192 = arith.constant 0 : i32
      %cond3A_193 = arith.cmpi ne, %convert_element_type3A_191, %cond3A_192 : i32
      scf.if %cond3A_193 {
        %dma_wait3A_238 = arith.constant 0 : i32
        %dma_wait3A_239 = arith.constant 0 : i32
        %dma_wait3A_240 = tpu.memref_slice %arg6[%dma_wait3A_238, %dma_wait3A_239] : memref<640000x128xf32, #tpu.memory_space<hbm>> -> memref<160x128xf32, #tpu.memory_space<hbm>>
        %dma_wait3A_241 = arith.constant 0 : i32
        %dma_wait3A_242 = arith.constant 0 : i32
        %dma_wait3A_243 = tpu.memref_slice %arg6[%dma_wait3A_241, %dma_wait3A_242] : memref<640000x128xf32, #tpu.memory_space<hbm>> -> memref<160x128xf32, #tpu.memory_space<hbm>>
        tpu.wait_dma2 semaphore(%arg22 : memref<!tpu.dma_semaphore, #tpu.memory_space<semaphore_mem>>) src(%arg12 : memref<160x128xf32, #tpu.memory_space<vmem>>) dst(%dma_wait3A_243 : memref<160x128xf32, #tpu.memory_space<hbm>>)
      } else {
      }
      %parallel_loop3A_194 = arith.constant 0 : i32
      %parallel_loop3A_195 = arith.constant 160 : i32
      %parallel_loop3A_196 = arith.constant 1 : i32
      scf.for %parallel_loop3A_238 = %parallel_loop3A_194 to %parallel_loop3A_195 step %parallel_loop3A_196  : i32 {
        %parallel_loop3A_239 = arith.constant 480 : i32
        %parallel_loop3A_240 = arith.addi %parallel_loop3A_239, %parallel_loop3A_238 : i32
        %parallel_loop3A_241 = arith.index_cast %parallel_loop3A_240 : i32 to index
        %parallel_loop3A_242 = tpu.vector_load %arg8[%parallel_loop3A_241] {strides = array<i32>} : memref<816xi32, #tpu.memory_space<vmem>>, vector<16xi32>,
        %parallel_loop3A_243 = vector.extract_strided_slice %parallel_loop3A_242 {offsets = [0], sizes = [1], strides = [1]} : vector<16xi32> to vector<1xi32>
        %parallel_loop3A_244 = vector.extract %parallel_loop3A_243[0] : i32 from vector<1xi32>
        %parallel_loop3A_245 = arith.constant 8 : i32
        %parallel_loop3A_246 = arith.shrsi %parallel_loop3A_244, %parallel_loop3A_245 : i32
        %parallel_loop3A_247 = arith.constant 4 : i32
        %parallel_loop3A_248 = arith.shrsi %parallel_loop3A_244, %parallel_loop3A_247 : i32
        %parallel_loop3A_249 = arith.constant 15 : i32
        %parallel_loop3A_250 = arith.andi %parallel_loop3A_248, %parallel_loop3A_249 : i32
        %parallel_loop3A_251 = arith.constant 15 : i32
        %parallel_loop3A_252 = arith.andi %parallel_loop3A_244, %parallel_loop3A_251 : i32
        %parallel_loop3A_253 = arith.constant 36 : i32
        %parallel_loop3A_254 = arith.muli %parallel_loop3A_246, %parallel_loop3A_253 : i32
        %parallel_loop3A_255 = arith.constant 6 : i32
        %parallel_loop3A_256 = arith.muli %parallel_loop3A_250, %parallel_loop3A_255 : i32
        %parallel_loop3A_257 = arith.addi %parallel_loop3A_254, %parallel_loop3A_256 : i32
        %parallel_loop3A_258 = arith.addi %parallel_loop3A_257, %parallel_loop3A_252 : i32
        %parallel_loop3A_259 = arith.constant 128 : i32
        %parallel_loop3A_260 = arith.muli %parallel_loop3A_258, %parallel_loop3A_259 : i32
        %parallel_loop3A_261 = arith.constant 0 : i32
        %parallel_loop3A_262 = arith.addi %parallel_loop3A_260, %parallel_loop3A_261 : i32
        %parallel_loop3A_263 = arith.index_cast %parallel_loop3A_262 : i32 to index
        %parallel_loop3A_264 = tpu.vector_load %arg7[%parallel_loop3A_263] {strides = array<i32>} : memref<27648xf32, #tpu.memory_space<vmem>>, vector<16xf32>,
        %parallel_loop3A_265 = arith.index_cast %parallel_loop3A_238 : i32 to index
        %parallel_loop3A_266 = arith.constant 0 : index
        %parallel_loop3A_267 = tpu.vector_load %arg12[%parallel_loop3A_265, %parallel_loop3A_266] {strides = array<i32>} : memref<160x128xf32, #tpu.memory_space<vmem>>, vector<16xf32>,
        tpu.vector_store %arg12[%parallel_loop3A_265, %parallel_loop3A_266], %parallel_loop3A_264 {strides = array<i32>} : memref<160x128xf32, #tpu.memory_space<vmem>>, vector<16xf32>,
        %parallel_loop3A_268 = arith.constant 16 : i32
        %parallel_loop3A_269 = arith.addi %parallel_loop3A_260, %parallel_loop3A_268 : i32
        %parallel_loop3A_270 = arith.index_cast %parallel_loop3A_269 : i32 to index
        %parallel_loop3A_271 = tpu.vector_load %arg7[%parallel_loop3A_270] {strides = array<i32>} : memref<27648xf32, #tpu.memory_space<vmem>>, vector<16xf32>,
        %parallel_loop3A_272 = arith.index_cast %parallel_loop3A_238 : i32 to index
        %parallel_loop3A_273 = arith.constant 16 : index
        %parallel_loop3A_274 = tpu.vector_load %arg12[%parallel_loop3A_272, %parallel_loop3A_273] {strides = array<i32>} : memref<160x128xf32, #tpu.memory_space<vmem>>, vector<16xf32>,
        tpu.vector_store %arg12[%parallel_loop3A_272, %parallel_loop3A_273], %parallel_loop3A_271 {strides = array<i32>} : memref<160x128xf32, #tpu.memory_space<vmem>>, vector<16xf32>,
        %parallel_loop3A_275 = arith.constant 32 : i32
        %parallel_loop3A_276 = arith.addi %parallel_loop3A_260, %parallel_loop3A_275 : i32
        %parallel_loop3A_277 = arith.index_cast %parallel_loop3A_276 : i32 to index
        %parallel_loop3A_278 = tpu.vector_load %arg7[%parallel_loop3A_277] {strides = array<i32>} : memref<27648xf32, #tpu.memory_space<vmem>>, vector<16xf32>,
        %parallel_loop3A_279 = arith.index_cast %parallel_loop3A_238 : i32 to index
        %parallel_loop3A_280 = arith.constant 32 : index
        %parallel_loop3A_281 = tpu.vector_load %arg12[%parallel_loop3A_279, %parallel_loop3A_280] {strides = array<i32>} : memref<160x128xf32, #tpu.memory_space<vmem>>, vector<16xf32>,
        tpu.vector_store %arg12[%parallel_loop3A_279, %parallel_loop3A_280], %parallel_loop3A_278 {strides = array<i32>} : memref<160x128xf32, #tpu.memory_space<vmem>>, vector<16xf32>,
        %parallel_loop3A_282 = arith.constant 48 : i32
        %parallel_loop3A_283 = arith.addi %parallel_loop3A_260, %parallel_loop3A_282 : i32
        %parallel_loop3A_284 = arith.index_cast %parallel_loop3A_283 : i32 to index
        %parallel_loop3A_285 = tpu.vector_load %arg7[%parallel_loop3A_284] {strides = array<i32>} : memref<27648xf32, #tpu.memory_space<vmem>>, vector<16xf32>,
        %parallel_loop3A_286 = arith.index_cast %parallel_loop3A_238 : i32 to index
        %parallel_loop3A_287 = arith.constant 48 : index
        %parallel_loop3A_288 = tpu.vector_load %arg12[%parallel_loop3A_286, %parallel_loop3A_287] {strides = array<i32>} : memref<160x128xf32, #tpu.memory_space<vmem>>, vector<16xf32>,
        tpu.vector_store %arg12[%parallel_loop3A_286, %parallel_loop3A_287], %parallel_loop3A_285 {strides = array<i32>} : memref<160x128xf32, #tpu.memory_space<vmem>>, vector<16xf32>,
        %parallel_loop3A_289 = arith.constant 64 : i32
        %parallel_loop3A_290 = arith.addi %parallel_loop3A_260, %parallel_loop3A_289 : i32
        %parallel_loop3A_291 = arith.index_cast %parallel_loop3A_290 : i32 to index
        %parallel_loop3A_292 = tpu.vector_load %arg7[%parallel_loop3A_291] {strides = array<i32>} : memref<27648xf32, #tpu.memory_space<vmem>>, vector<16xf32>,
        %parallel_loop3A_293 = arith.index_cast %parallel_loop3A_238 : i32 to index
        %parallel_loop3A_294 = arith.constant 64 : index
        %parallel_loop3A_295 = tpu.vector_load %arg12[%parallel_loop3A_293, %parallel_loop3A_294] {strides = array<i32>} : memref<160x128xf32, #tpu.memory_space<vmem>>, vector<16xf32>,
        tpu.vector_store %arg12[%parallel_loop3A_293, %parallel_loop3A_294], %parallel_loop3A_292 {strides = array<i32>} : memref<160x128xf32, #tpu.memory_space<vmem>>, vector<16xf32>,
        %parallel_loop3A_296 = arith.constant 80 : i32
        %parallel_loop3A_297 = arith.addi %parallel_loop3A_260, %parallel_loop3A_296 : i32
        %parallel_loop3A_298 = arith.index_cast %parallel_loop3A_297 : i32 to index
        %parallel_loop3A_299 = tpu.vector_load %arg7[%parallel_loop3A_298] {strides = array<i32>} : memref<27648xf32, #tpu.memory_space<vmem>>, vector<16xf32>,
        %parallel_loop3A_300 = arith.index_cast %parallel_loop3A_238 : i32 to index
        %parallel_loop3A_301 = arith.constant 80 : index
        %parallel_loop3A_302 = tpu.vector_load %arg12[%parallel_loop3A_300, %parallel_loop3A_301] {strides = array<i32>} : memref<160x128xf32, #tpu.memory_space<vmem>>, vector<16xf32>,
        tpu.vector_store %arg12[%parallel_loop3A_300, %parallel_loop3A_301], %parallel_loop3A_299 {strides = array<i32>} : memref<160x128xf32, #tpu.memory_space<vmem>>, vector<16xf32>,
        %parallel_loop3A_303 = arith.constant 96 : i32
        %parallel_loop3A_304 = arith.addi %parallel_loop3A_260, %parallel_loop3A_303 : i32
        %parallel_loop3A_305 = arith.index_cast %parallel_loop3A_304 : i32 to index
        %parallel_loop3A_306 = tpu.vector_load %arg7[%parallel_loop3A_305] {strides = array<i32>} : memref<27648xf32, #tpu.memory_space<vmem>>, vector<16xf32>,
        %parallel_loop3A_307 = arith.index_cast %parallel_loop3A_238 : i32 to index
        %parallel_loop3A_308 = arith.constant 96 : index
        %parallel_loop3A_309 = tpu.vector_load %arg12[%parallel_loop3A_307, %parallel_loop3A_308] {strides = array<i32>} : memref<160x128xf32, #tpu.memory_space<vmem>>, vector<16xf32>,
        tpu.vector_store %arg12[%parallel_loop3A_307, %parallel_loop3A_308], %parallel_loop3A_306 {strides = array<i32>} : memref<160x128xf32, #tpu.memory_space<vmem>>, vector<16xf32>,
        %parallel_loop3A_310 = arith.constant 112 : i32
        %parallel_loop3A_311 = arith.addi %parallel_loop3A_260, %parallel_loop3A_310 : i32
        %parallel_loop3A_312 = arith.index_cast %parallel_loop3A_311 : i32 to index
        %parallel_loop3A_313 = tpu.vector_load %arg7[%parallel_loop3A_312] {strides = array<i32>} : memref<27648xf32, #tpu.memory_space<vmem>>, vector<16xf32>,
        %parallel_loop3A_314 = arith.index_cast %parallel_loop3A_238 : i32 to index
        %parallel_loop3A_315 = arith.constant 112 : index
        %parallel_loop3A_316 = tpu.vector_load %arg12[%parallel_loop3A_314, %parallel_loop3A_315] {strides = array<i32>} : memref<160x128xf32, #tpu.memory_space<vmem>>, vector<16xf32>,
        tpu.vector_store %arg12[%parallel_loop3A_314, %parallel_loop3A_315], %parallel_loop3A_313 {strides = array<i32>} : memref<160x128xf32, #tpu.memory_space<vmem>>, vector<16xf32>,
      } {sc.loop_unroll_factor = 4 : i64, sc.parallel_access}
      %dma_start3A_197 = arith.constant 0 : i32
      %dma_start3A_198 = tpu.memref_slice %arg6[%add3A_180, %dma_start3A_197] : memref<640000x128xf32, #tpu.memory_space<hbm>> -> memref<160x128xf32, #tpu.memory_space<hbm>>
      %dma_start3A_199 = arith.constant 0 : i32
      %dma_start3A_200 = tpu.memref_slice %arg6[%add3A_180, %dma_start3A_199] : memref<640000x128xf32, #tpu.memory_space<hbm>> -> memref<160x128xf32, #tpu.memory_space<hbm>>
      tpu.enqueue_dma source(%arg12 : memref<160x128xf32, #tpu.memory_space<vmem>>) target(%dma_start3A_200 : memref<160x128xf32, #tpu.memory_space<hbm>>) target_semaphore(%arg22 : memref<!tpu.dma_semaphore, #tpu.memory_space<semaphore_mem>>)
      %lt3A_201 = arith.constant 24 : i32
      %lt3A_202 = arith.cmpi slt, %scan3A_82, %lt3A_201 : i32
      %convert_element_type3A_203 = arith.extui %lt3A_202 : i1 to i32
      %cond3A_204 = arith.constant 0 : i32
      %cond3A_205 = arith.cmpi ne, %convert_element_type3A_203, %cond3A_204 : i32
      scf.if %cond3A_205 {
        %add3A_238 = arith.constant 800 : i32
        %add3A_239 = arith.addi %add3A_180, %add3A_238 : i32
        %dma_start3A_240 = arith.constant 480 : i32
        %dma_start3A_241 = tpu.memref_slice %arg8[%dma_start3A_240] : memref<816xi32, #tpu.memory_space<vmem>> -> memref<160xi32, #tpu.memory_space<vmem>>
        %dma_start3A_242 = tpu.memref_slice %arg2[%add3A_239] : memref<640000xi32, #tpu.memory_space<hbm>> -> memref<160xi32, #tpu.memory_space<hbm>>
        %dma_start3A_243 = arith.constant 480 : i32
        %dma_start3A_244 = tpu.memref_slice %arg8[%dma_start3A_243] : memref<816xi32, #tpu.memory_space<vmem>> -> memref<160xi32, #tpu.memory_space<vmem>>
        %dma_start3A_245 = tpu.memref_slice %arg2[%add3A_239] : memref<640000xi32, #tpu.memory_space<hbm>> -> memref<160xi32, #tpu.memory_space<hbm>>
        tpu.enqueue_dma source(%dma_start3A_245 : memref<160xi32, #tpu.memory_space<hbm>>) target(%dma_start3A_244 : memref<160xi32, #tpu.memory_space<vmem>>) target_semaphore(%arg17 : memref<!tpu.dma_semaphore, #tpu.memory_space<semaphore_mem>>)
      } else {
      }
      %mul3A_206 = arith.constant 5 : i32
      %mul3A_207 = arith.muli %scan3A_82, %mul3A_206 : i32
      %add3A_208 = arith.constant 4 : i32
      %add3A_209 = arith.addi %mul3A_207, %add3A_208 : i32
      %mul3A_210 = arith.constant 160 : i32
      %mul3A_211 = arith.muli %add3A_209, %mul3A_210 : i32
      %add3A_212 = arith.addi %mul3A_2, %mul3A_211 : i32
      %dma_wait3A_213 = arith.constant 640 : i32
      %dma_wait3A_214 = tpu.memref_slice %arg8[%dma_wait3A_213] : memref<816xi32, #tpu.memory_space<vmem>> -> memref<160xi32, #tpu.memory_space<vmem>>
      %dma_wait3A_215 = arith.constant 0 : i32
      %dma_wait3A_216 = tpu.memref_slice %arg2[%dma_wait3A_215] : memref<640000xi32, #tpu.memory_space<hbm>> -> memref<160xi32, #tpu.memory_space<hbm>>
      %dma_wait3A_217 = arith.constant 640 : i32
      %dma_wait3A_218 = tpu.memref_slice %arg8[%dma_wait3A_217] : memref<816xi32, #tpu.memory_space<vmem>> -> memref<160xi32, #tpu.memory_space<vmem>>
      %dma_wait3A_219 = arith.constant 0 : i32
      %dma_wait3A_220 = tpu.memref_slice %arg2[%dma_wait3A_219] : memref<640000xi32, #tpu.memory_space<hbm>> -> memref<160xi32, #tpu.memory_space<hbm>>
      tpu.wait_dma2 semaphore(%arg18 : memref<!tpu.dma_semaphore, #tpu.memory_space<semaphore_mem>>) src(%dma_wait3A_220 : memref<160xi32, #tpu.memory_space<hbm>>) dst(%dma_wait3A_218 : memref<160xi32, #tpu.memory_space<vmem>>)
      %gt3A_221 = arith.constant 0 : i32
      %gt3A_222 = arith.cmpi sgt, %scan3A_82, %gt3A_221 : i32
      %convert_element_type3A_223 = arith.extui %gt3A_222 : i1 to i32
      %cond3A_224 = arith.constant 0 : i32
      %cond3A_225 = arith.cmpi ne, %convert_element_type3A_223, %cond3A_224 : i32
      scf.if %cond3A_225 {
        %dma_wait3A_238 = arith.constant 0 : i32
        %dma_wait3A_239 = arith.constant 0 : i32
        %dma_wait3A_240 = tpu.memref_slice %arg6[%dma_wait3A_238, %dma_wait3A_239] : memref<640000x128xf32, #tpu.memory_space<hbm>> -> memref<160x128xf32, #tpu.memory_space<hbm>>
        %dma_wait3A_241 = arith.constant 0 : i32
        %dma_wait3A_242 = arith.constant 0 : i32
        %dma_wait3A_243 = tpu.memref_slice %arg6[%dma_wait3A_241, %dma_wait3A_242] : memref<640000x128xf32, #tpu.memory_space<hbm>> -> memref<160x128xf32, #tpu.memory_space<hbm>>
        tpu.wait_dma2 semaphore(%arg23 : memref<!tpu.dma_semaphore, #tpu.memory_space<semaphore_mem>>) src(%arg13 : memref<160x128xf32, #tpu.memory_space<vmem>>) dst(%dma_wait3A_243 : memref<160x128xf32, #tpu.memory_space<hbm>>)
      } else {
      }
      %parallel_loop3A_226 = arith.constant 0 : i32
      %parallel_loop3A_227 = arith.constant 160 : i32
      %parallel_loop3A_228 = arith.constant 1 : i32
      scf.for %parallel_loop3A_238 = %parallel_loop3A_226 to %parallel_loop3A_227 step %parallel_loop3A_228  : i32 {
        %parallel_loop3A_239 = arith.constant 640 : i32
        %parallel_loop3A_240 = arith.addi %parallel_loop3A_239, %parallel_loop3A_238 : i32
        %parallel_loop3A_241 = arith.index_cast %parallel_loop3A_240 : i32 to index
        %parallel_loop3A_242 = tpu.vector_load %arg8[%parallel_loop3A_241] {strides = array<i32>} : memref<816xi32, #tpu.memory_space<vmem>>, vector<16xi32>,
        %parallel_loop3A_243 = vector.extract_strided_slice %parallel_loop3A_242 {offsets = [0], sizes = [1], strides = [1]} : vector<16xi32> to vector<1xi32>
        %parallel_loop3A_244 = vector.extract %parallel_loop3A_243[0] : i32 from vector<1xi32>
        %parallel_loop3A_245 = arith.constant 8 : i32
        %parallel_loop3A_246 = arith.shrsi %parallel_loop3A_244, %parallel_loop3A_245 : i32
        %parallel_loop3A_247 = arith.constant 4 : i32
        %parallel_loop3A_248 = arith.shrsi %parallel_loop3A_244, %parallel_loop3A_247 : i32
        %parallel_loop3A_249 = arith.constant 15 : i32
        %parallel_loop3A_250 = arith.andi %parallel_loop3A_248, %parallel_loop3A_249 : i32
        %parallel_loop3A_251 = arith.constant 15 : i32
        %parallel_loop3A_252 = arith.andi %parallel_loop3A_244, %parallel_loop3A_251 : i32
        %parallel_loop3A_253 = arith.constant 36 : i32
        %parallel_loop3A_254 = arith.muli %parallel_loop3A_246, %parallel_loop3A_253 : i32
        %parallel_loop3A_255 = arith.constant 6 : i32
        %parallel_loop3A_256 = arith.muli %parallel_loop3A_250, %parallel_loop3A_255 : i32
        %parallel_loop3A_257 = arith.addi %parallel_loop3A_254, %parallel_loop3A_256 : i32
        %parallel_loop3A_258 = arith.addi %parallel_loop3A_257, %parallel_loop3A_252 : i32
        %parallel_loop3A_259 = arith.constant 128 : i32
        %parallel_loop3A_260 = arith.muli %parallel_loop3A_258, %parallel_loop3A_259 : i32
        %parallel_loop3A_261 = arith.constant 0 : i32
        %parallel_loop3A_262 = arith.addi %parallel_loop3A_260, %parallel_loop3A_261 : i32
        %parallel_loop3A_263 = arith.index_cast %parallel_loop3A_262 : i32 to index
        %parallel_loop3A_264 = tpu.vector_load %arg7[%parallel_loop3A_263] {strides = array<i32>} : memref<27648xf32, #tpu.memory_space<vmem>>, vector<16xf32>,
        %parallel_loop3A_265 = arith.index_cast %parallel_loop3A_238 : i32 to index
        %parallel_loop3A_266 = arith.constant 0 : index
        %parallel_loop3A_267 = tpu.vector_load %arg13[%parallel_loop3A_265, %parallel_loop3A_266] {strides = array<i32>} : memref<160x128xf32, #tpu.memory_space<vmem>>, vector<16xf32>,
        tpu.vector_store %arg13[%parallel_loop3A_265, %parallel_loop3A_266], %parallel_loop3A_264 {strides = array<i32>} : memref<160x128xf32, #tpu.memory_space<vmem>>, vector<16xf32>,
        %parallel_loop3A_268 = arith.constant 16 : i32
        %parallel_loop3A_269 = arith.addi %parallel_loop3A_260, %parallel_loop3A_268 : i32
        %parallel_loop3A_270 = arith.index_cast %parallel_loop3A_269 : i32 to index
        %parallel_loop3A_271 = tpu.vector_load %arg7[%parallel_loop3A_270] {strides = array<i32>} : memref<27648xf32, #tpu.memory_space<vmem>>, vector<16xf32>,
        %parallel_loop3A_272 = arith.index_cast %parallel_loop3A_238 : i32 to index
        %parallel_loop3A_273 = arith.constant 16 : index
        %parallel_loop3A_274 = tpu.vector_load %arg13[%parallel_loop3A_272, %parallel_loop3A_273] {strides = array<i32>} : memref<160x128xf32, #tpu.memory_space<vmem>>, vector<16xf32>,
        tpu.vector_store %arg13[%parallel_loop3A_272, %parallel_loop3A_273], %parallel_loop3A_271 {strides = array<i32>} : memref<160x128xf32, #tpu.memory_space<vmem>>, vector<16xf32>,
        %parallel_loop3A_275 = arith.constant 32 : i32
        %parallel_loop3A_276 = arith.addi %parallel_loop3A_260, %parallel_loop3A_275 : i32
        %parallel_loop3A_277 = arith.index_cast %parallel_loop3A_276 : i32 to index
        %parallel_loop3A_278 = tpu.vector_load %arg7[%parallel_loop3A_277] {strides = array<i32>} : memref<27648xf32, #tpu.memory_space<vmem>>, vector<16xf32>,
        %parallel_loop3A_279 = arith.index_cast %parallel_loop3A_238 : i32 to index
        %parallel_loop3A_280 = arith.constant 32 : index
        %parallel_loop3A_281 = tpu.vector_load %arg13[%parallel_loop3A_279, %parallel_loop3A_280] {strides = array<i32>} : memref<160x128xf32, #tpu.memory_space<vmem>>, vector<16xf32>,
        tpu.vector_store %arg13[%parallel_loop3A_279, %parallel_loop3A_280], %parallel_loop3A_278 {strides = array<i32>} : memref<160x128xf32, #tpu.memory_space<vmem>>, vector<16xf32>,
        %parallel_loop3A_282 = arith.constant 48 : i32
        %parallel_loop3A_283 = arith.addi %parallel_loop3A_260, %parallel_loop3A_282 : i32
        %parallel_loop3A_284 = arith.index_cast %parallel_loop3A_283 : i32 to index
        %parallel_loop3A_285 = tpu.vector_load %arg7[%parallel_loop3A_284] {strides = array<i32>} : memref<27648xf32, #tpu.memory_space<vmem>>, vector<16xf32>,
        %parallel_loop3A_286 = arith.index_cast %parallel_loop3A_238 : i32 to index
        %parallel_loop3A_287 = arith.constant 48 : index
        %parallel_loop3A_288 = tpu.vector_load %arg13[%parallel_loop3A_286, %parallel_loop3A_287] {strides = array<i32>} : memref<160x128xf32, #tpu.memory_space<vmem>>, vector<16xf32>,
        tpu.vector_store %arg13[%parallel_loop3A_286, %parallel_loop3A_287], %parallel_loop3A_285 {strides = array<i32>} : memref<160x128xf32, #tpu.memory_space<vmem>>, vector<16xf32>,
        %parallel_loop3A_289 = arith.constant 64 : i32
        %parallel_loop3A_290 = arith.addi %parallel_loop3A_260, %parallel_loop3A_289 : i32
        %parallel_loop3A_291 = arith.index_cast %parallel_loop3A_290 : i32 to index
        %parallel_loop3A_292 = tpu.vector_load %arg7[%parallel_loop3A_291] {strides = array<i32>} : memref<27648xf32, #tpu.memory_space<vmem>>, vector<16xf32>,
        %parallel_loop3A_293 = arith.index_cast %parallel_loop3A_238 : i32 to index
        %parallel_loop3A_294 = arith.constant 64 : index
        %parallel_loop3A_295 = tpu.vector_load %arg13[%parallel_loop3A_293, %parallel_loop3A_294] {strides = array<i32>} : memref<160x128xf32, #tpu.memory_space<vmem>>, vector<16xf32>,
        tpu.vector_store %arg13[%parallel_loop3A_293, %parallel_loop3A_294], %parallel_loop3A_292 {strides = array<i32>} : memref<160x128xf32, #tpu.memory_space<vmem>>, vector<16xf32>,
        %parallel_loop3A_296 = arith.constant 80 : i32
        %parallel_loop3A_297 = arith.addi %parallel_loop3A_260, %parallel_loop3A_296 : i32
        %parallel_loop3A_298 = arith.index_cast %parallel_loop3A_297 : i32 to index
        %parallel_loop3A_299 = tpu.vector_load %arg7[%parallel_loop3A_298] {strides = array<i32>} : memref<27648xf32, #tpu.memory_space<vmem>>, vector<16xf32>,
        %parallel_loop3A_300 = arith.index_cast %parallel_loop3A_238 : i32 to index
        %parallel_loop3A_301 = arith.constant 80 : index
        %parallel_loop3A_302 = tpu.vector_load %arg13[%parallel_loop3A_300, %parallel_loop3A_301] {strides = array<i32>} : memref<160x128xf32, #tpu.memory_space<vmem>>, vector<16xf32>,
        tpu.vector_store %arg13[%parallel_loop3A_300, %parallel_loop3A_301], %parallel_loop3A_299 {strides = array<i32>} : memref<160x128xf32, #tpu.memory_space<vmem>>, vector<16xf32>,
        %parallel_loop3A_303 = arith.constant 96 : i32
        %parallel_loop3A_304 = arith.addi %parallel_loop3A_260, %parallel_loop3A_303 : i32
        %parallel_loop3A_305 = arith.index_cast %parallel_loop3A_304 : i32 to index
        %parallel_loop3A_306 = tpu.vector_load %arg7[%parallel_loop3A_305] {strides = array<i32>} : memref<27648xf32, #tpu.memory_space<vmem>>, vector<16xf32>,
        %parallel_loop3A_307 = arith.index_cast %parallel_loop3A_238 : i32 to index
        %parallel_loop3A_308 = arith.constant 96 : index
        %parallel_loop3A_309 = tpu.vector_load %arg13[%parallel_loop3A_307, %parallel_loop3A_308] {strides = array<i32>} : memref<160x128xf32, #tpu.memory_space<vmem>>, vector<16xf32>,
        tpu.vector_store %arg13[%parallel_loop3A_307, %parallel_loop3A_308], %parallel_loop3A_306 {strides = array<i32>} : memref<160x128xf32, #tpu.memory_space<vmem>>, vector<16xf32>,
        %parallel_loop3A_310 = arith.constant 112 : i32
        %parallel_loop3A_311 = arith.addi %parallel_loop3A_260, %parallel_loop3A_310 : i32
        %parallel_loop3A_312 = arith.index_cast %parallel_loop3A_311 : i32 to index
        %parallel_loop3A_313 = tpu.vector_load %arg7[%parallel_loop3A_312] {strides = array<i32>} : memref<27648xf32, #tpu.memory_space<vmem>>, vector<16xf32>,
        %parallel_loop3A_314 = arith.index_cast %parallel_loop3A_238 : i32 to index
        %parallel_loop3A_315 = arith.constant 112 : index
        %parallel_loop3A_316 = tpu.vector_load %arg13[%parallel_loop3A_314, %parallel_loop3A_315] {strides = array<i32>} : memref<160x128xf32, #tpu.memory_space<vmem>>, vector<16xf32>,
        tpu.vector_store %arg13[%parallel_loop3A_314, %parallel_loop3A_315], %parallel_loop3A_313 {strides = array<i32>} : memref<160x128xf32, #tpu.memory_space<vmem>>, vector<16xf32>,
      } {sc.loop_unroll_factor = 4 : i64, sc.parallel_access}
      %dma_start3A_229 = arith.constant 0 : i32
      %dma_start3A_230 = tpu.memref_slice %arg6[%add3A_212, %dma_start3A_229] : memref<640000x128xf32, #tpu.memory_space<hbm>> -> memref<160x128xf32, #tpu.memory_space<hbm>>
      %dma_start3A_231 = arith.constant 0 : i32
      %dma_start3A_232 = tpu.memref_slice %arg6[%add3A_212, %dma_start3A_231] : memref<640000x128xf32, #tpu.memory_space<hbm>> -> memref<160x128xf32, #tpu.memory_space<hbm>>
      tpu.enqueue_dma source(%arg13 : memref<160x128xf32, #tpu.memory_space<vmem>>) target(%dma_start3A_232 : memref<160x128xf32, #tpu.memory_space<hbm>>) target_semaphore(%arg23 : memref<!tpu.dma_semaphore, #tpu.memory_space<semaphore_mem>>)
      %lt3A_233 = arith.constant 24 : i32
      %lt3A_234 = arith.cmpi slt, %scan3A_82, %lt3A_233 : i32
      %convert_element_type3A_235 = arith.extui %lt3A_234 : i1 to i32
      %cond3A_236 = arith.constant 0 : i32
      %cond3A_237 = arith.cmpi ne, %convert_element_type3A_235, %cond3A_236 : i32
      scf.if %cond3A_237 {
        %add3A_238 = arith.constant 800 : i32
        %add3A_239 = arith.addi %add3A_212, %add3A_238 : i32
        %dma_start3A_240 = arith.constant 640 : i32
        %dma_start3A_241 = tpu.memref_slice %arg8[%dma_start3A_240] : memref<816xi32, #tpu.memory_space<vmem>> -> memref<160xi32, #tpu.memory_space<vmem>>
        %dma_start3A_242 = tpu.memref_slice %arg2[%add3A_239] : memref<640000xi32, #tpu.memory_space<hbm>> -> memref<160xi32, #tpu.memory_space<hbm>>
        %dma_start3A_243 = arith.constant 640 : i32
        %dma_start3A_244 = tpu.memref_slice %arg8[%dma_start3A_243] : memref<816xi32, #tpu.memory_space<vmem>> -> memref<160xi32, #tpu.memory_space<vmem>>
        %dma_start3A_245 = tpu.memref_slice %arg2[%add3A_239] : memref<640000xi32, #tpu.memory_space<hbm>> -> memref<160xi32, #tpu.memory_space<hbm>>
        tpu.enqueue_dma source(%dma_start3A_245 : memref<160xi32, #tpu.memory_space<hbm>>) target(%dma_start3A_244 : memref<160xi32, #tpu.memory_space<vmem>>) target_semaphore(%arg18 : memref<!tpu.dma_semaphore, #tpu.memory_space<semaphore_mem>>)
      } else {
      }
    }
    %scan3A_52 = arith.constant 25 : i32
    %dma_wait3A = arith.constant 0 : i32
    %dma_wait3A_53 = arith.constant 0 : i32
    %dma_wait3A_54 = tpu.memref_slice %arg6[%dma_wait3A, %dma_wait3A_53] : memref<640000x128xf32, #tpu.memory_space<hbm>> -> memref<160x128xf32, #tpu.memory_space<hbm>>
    %dma_wait3A_55 = arith.constant 0 : i32
    %dma_wait3A_56 = arith.constant 0 : i32
    %dma_wait3A_57 = tpu.memref_slice %arg6[%dma_wait3A_55, %dma_wait3A_56] : memref<640000x128xf32, #tpu.memory_space<hbm>> -> memref<160x128xf32, #tpu.memory_space<hbm>>
    tpu.wait_dma2 semaphore(%arg19 : memref<!tpu.dma_semaphore, #tpu.memory_space<semaphore_mem>>) src(%arg9 : memref<160x128xf32, #tpu.memory_space<vmem>>) dst(%dma_wait3A_57 : memref<160x128xf32, #tpu.memory_space<hbm>>)
    %dma_wait3A_58 = arith.constant 0 : i32
    %dma_wait3A_59 = arith.constant 0 : i32
    %dma_wait3A_60 = tpu.memref_slice %arg6[%dma_wait3A_58, %dma_wait3A_59] : memref<640000x128xf32, #tpu.memory_space<hbm>> -> memref<160x128xf32, #tpu.memory_space<hbm>>
    %dma_wait3A_61 = arith.constant 0 : i32
    %dma_wait3A_62 = arith.constant 0 : i32
    %dma_wait3A_63 = tpu.memref_slice %arg6[%dma_wait3A_61, %dma_wait3A_62] : memref<640000x128xf32, #tpu.memory_space<hbm>> -> memref<160x128xf32, #tpu.memory_space<hbm>>
    tpu.wait_dma2 semaphore(%arg20 : memref<!tpu.dma_semaphore, #tpu.memory_space<semaphore_mem>>) src(%arg10 : memref<160x128xf32, #tpu.memory_space<vmem>>) dst(%dma_wait3A_63 : memref<160x128xf32, #tpu.memory_space<hbm>>)
    %dma_wait3A_64 = arith.constant 0 : i32
    %dma_wait3A_65 = arith.constant 0 : i32
    %dma_wait3A_66 = tpu.memref_slice %arg6[%dma_wait3A_64, %dma_wait3A_65] : memref<640000x128xf32, #tpu.memory_space<hbm>> -> memref<160x128xf32, #tpu.memory_space<hbm>>
    %dma_wait3A_67 = arith.constant 0 : i32
    %dma_wait3A_68 = arith.constant 0 : i32
    %dma_wait3A_69 = tpu.memref_slice %arg6[%dma_wait3A_67, %dma_wait3A_68] : memref<640000x128xf32, #tpu.memory_space<hbm>> -> memref<160x128xf32, #tpu.memory_space<hbm>>
    tpu.wait_dma2 semaphore(%arg21 : memref<!tpu.dma_semaphore, #tpu.memory_space<semaphore_mem>>) src(%arg11 : memref<160x128xf32, #tpu.memory_space<vmem>>) dst(%dma_wait3A_69 : memref<160x128xf32, #tpu.memory_space<hbm>>)
    %dma_wait3A_70 = arith.constant 0 : i32
    %dma_wait3A_71 = arith.constant 0 : i32
    %dma_wait3A_72 = tpu.memref_slice %arg6[%dma_wait3A_70, %dma_wait3A_71] : memref<640000x128xf32, #tpu.memory_space<hbm>> -> memref<160x128xf32, #tpu.memory_space<hbm>>
    %dma_wait3A_73 = arith.constant 0 : i32
    %dma_wait3A_74 = arith.constant 0 : i32
    %dma_wait3A_75 = tpu.memref_slice %arg6[%dma_wait3A_73, %dma_wait3A_74] : memref<640000x128xf32, #tpu.memory_space<hbm>> -> memref<160x128xf32, #tpu.memory_space<hbm>>
    tpu.wait_dma2 semaphore(%arg22 : memref<!tpu.dma_semaphore, #tpu.memory_space<semaphore_mem>>) src(%arg12 : memref<160x128xf32, #tpu.memory_space<vmem>>) dst(%dma_wait3A_75 : memref<160x128xf32, #tpu.memory_space<hbm>>)
    %dma_wait3A_76 = arith.constant 0 : i32
    %dma_wait3A_77 = arith.constant 0 : i32
    %dma_wait3A_78 = tpu.memref_slice %arg6[%dma_wait3A_76, %dma_wait3A_77] : memref<640000x128xf32, #tpu.memory_space<hbm>> -> memref<160x128xf32, #tpu.memory_space<hbm>>
    %dma_wait3A_79 = arith.constant 0 : i32
    %dma_wait3A_80 = arith.constant 0 : i32
    %dma_wait3A_81 = tpu.memref_slice %arg6[%dma_wait3A_79, %dma_wait3A_80] : memref<640000x128xf32, #tpu.memory_space<hbm>> -> memref<160x128xf32, #tpu.memory_space<hbm>>
    tpu.wait_dma2 semaphore(%arg23 : memref<!tpu.dma_semaphore, #tpu.memory_space<semaphore_mem>>) src(%arg13 : memref<160x128xf32, #tpu.memory_space<vmem>>) dst(%dma_wait3A_81 : memref<160x128xf32, #tpu.memory_space<hbm>>)
    return
  }
}

</mosaic_0001>

<sc_bundles>
// kernel: kernel.3.cloned.1.call-start
scs
__scs_entry_jumppad:
0x0: {  	(pc) =	sbr.rel $0x88, $3  }
0x1: {  	(tag) =	ssettag $0x0;
	lr =	simm.s32 $0x1  }
0x2: {  	[smem:$0x3F9D] =	sst lr;
	_ =	strace $0xD0000000  }
0x3: {  	_ = 	snop  }
0x4: {  	_ = 	snop  }
0x5: {  	_ = 	snop  }
0x6: {  	_ = 	snop  }
0x7: {  	_ = 	snop  }
__scs_overlays_trampoline_lowered:
0x8: {  	[smem:$0x3FAC] =	sst s0  }
0x9: {  	[smem:$0x3FAD] =	sst s1  }
0xa: {  	[smem:$0x3FAE] =	sst s2  }
0xb: {  	[smem:$0x3FAF] =	sst s3  }
0xc: {  	[smem:$0x3FB0] =	sst s4  }
0xd: {  	[smem:$0x3FB1] =	sst s5  }
0xe: {  	[smem:$0x3FB2] =	sst s6  }
0xf: {  	[smem:$0x3FB3] =	sst s7  }
0x10: {  	[smem:$0x3FB4] =	sst s8  }
0x11: {  	[smem:$0x3FB5] =	sst s9;
	s0 =	simm.s32 @!p0 $0x0  }
0x12: {  	s1 =	sld [smem:$0x3F9B];
	s0 =	simm.s32 @p0 $0x1  }
0x13: {  	[smem:$0x3FB6] =	sst s0;
	s0 =	simm.s32 @!p1 $0x0  }
0x14: {  	s2 =	sld [smem:$0x3F9A];
	s0 =	simm.s32 @p1 $0x1  }
0x15: {  	[smem:$0x3FB7] =	sst s0;
	s0 =	simm.s32 @!p2 $0x0  }
0x16: {  	s3 =	sld [smem:$0x3FDB];
	s0 =	simm.s32 @p2 $0x1  }
0x17: {  	s4 =	simm.s32 $0x1BF5;
	[smem:$0x3FB9] =	sst s0  }
0x18: {  	s0 =	sld [smem:$0x3F9C];
	_ =	swait.ge [sflag:s4], $0x0  }
0x19: {  	s7 =	sld [smem:$0x3F9D]  }
0x1a: {  	s8 =	sadd.s32 $0xFFFFE003, lr  }
0x1b: {  	s9 =	sadd.s32 $0xFFFFFEF7, lr;
	s5 =	simm.s32 $0xFFFFFFFF;
	p2 =	slt.u32 s8, $0xFFFFF086  }
0x1c: {  	p1 =	slt.u32 s9, $0xF7A;
	s5 =	simm.s32 @!p2 $0x0  }
0x1d: {  	s5 =	simm.s32 @p1 $0x1;
	p0 =	seq.s32 s7, s2  }
0x1e: {  	s7 =	smul.u32 @!p0 $0xF7A, s2;
	p2 =	seq.s32 @!p0 s5, $0x0  }
0x1f: {  	s9 =	smul.u32 $0xF7A, s1;
	s8 =	simm.s32 @!p0 $0x1BF5;
	p2 =	por !p2, p0  }
0x20: {  	[sflag:s8] =	ssyncset.s32 @!p0 $0xFFFFF086;
	s6 =	sadd.s32 @!p0 s3, s7;
	s7 =	simm.s32 @!p0 $0x108  }
0x21: {  	s3 =	sadd.s32 s3, s9;
	s6 =	sadd.s32 @!p0 $0x88, s6;
	s7 =	simm.s32 @p2 $0x1082  }
0x22: {  	[simem:s7], [sflag:s8] =	dma.local @!p0 [hbm:s6], $0xF7A  }
0x23: {  	s9 =	sor.u32 $0xD0000000, s2;
	s6 =	simm.s32 $0x108;
	_ =	swait.ge @!p0 [sflag:s8], $0x0  }
0x24: {  	s3 =	sadd.s32 $0x88, s3;
	s6 =	simm.s32 @!p1 $0x1082;
	[sflag:s4] =	ssyncset.s32 $0xFFFFF086  }
0x25: {  	[simem:s6], [sflag:s4] =	dma.local [hbm:s3], $0xF7A  }
0x26: {  	[smem:$0x3F9D] =	sst s1;
	(tag) =	ssettag s2;
	_ =	strace s9  }
0x27: {  	s1 =	sld [smem:$0x3FAD]  }
0x28: {  	s2 =	sld [smem:$0x3FAE]  }
0x29: {  	s4 =	sld [smem:$0x3FB0]  }
0x2a: {  	p0 =	seq.s32 s5, $0x0;
	s5 =	sld [smem:$0x3FB1]  }
0x2b: {  	s6 =	sld [smem:$0x3FB2]  }
0x2c: {  	s7 =	sld [smem:$0x3FB3]  }
0x2d: {  	s3 =	simm.s32 $0x108;
	s8 =	sld [smem:$0x3FB4]  }
0x2e: {  	s3 =	simm.s32 @!p0 $0x1082;
	s9 =	sld [smem:$0x3FB5]  }
0x2f: {  	lr =	sadd.s32 s0, s3;
	s0 =	sld [smem:$0x3FAC]  }
0x30: {  	s3 =	sld [smem:$0x3FAF]  }
0x31: {  	[smem:$0x3FB8] =	sst s10  }
0x32: {  	s10 =	sld [smem:$0x3FB6];
	_ =	sdelay $0x3  }
0x33: {  	p0 =	seq.s32 s10, $0x1;
	s10 =	sld [smem:$0x3FB8];
	_ =	sdelay $0x3  }
0x34: {  	[smem:$0x3FB8] =	sst s10  }
0x35: {  	s10 =	sld [smem:$0x3FB7];
	_ =	sdelay $0x3  }
0x36: {  	p1 =	seq.s32 s10, $0x1;
	s10 =	sld [smem:$0x3FB8];
	_ =	sdelay $0x3  }
0x37: {  	[smem:$0x3FB8] =	sst s10  }
0x38: {  	s10 =	sld [smem:$0x3FB9]  }
0x39: {  	_ = 	snop;
	(pc) =	sbr.ind lr, $3  }
0x3a: {  	_ = 	snop  }
0x3b: {  	_ = 	snop  }
0x3c: {  	p2 =	seq.s32 s10, $0x1;
	s10 =	sld [smem:$0x3FB8]  }
0x3d: {  	_ =	shalt  }
0x3e: {  	_ =	shalt  }
0x3f: {  	_ =	shalt  }
0x40: {  	_ =	shalt  }
0x41: {  	_ =	shalt  }
0x42: {  	_ =	shalt  }
0x43: {  	_ =	shalt  }
0x44: {  	_ =	shalt  }
0x45: {  	_ =	shalt  }
0x46: {  	_ =	shalt  }
0x47: {  	_ =	shalt  }
0x48: {  	_ =	shalt  }
0x49: {  	_ =	shalt  }
0x4a: {  	_ =	shalt  }
0x4b: {  	_ =	shalt  }
0x4c: {  	_ =	shalt  }
0x4d: {  	_ =	shalt  }
0x4e: {  	_ =	shalt  }
0x4f: {  	_ =	shalt  }
0x50: {  	_ =	shalt  }
0x51: {  	_ =	shalt  }
0x52: {  	_ =	shalt  }
0x53: {  	_ =	shalt  }
0x54: {  	_ =	shalt  }
0x55: {  	_ =	shalt  }
0x56: {  	_ =	shalt  }
0x57: {  	_ =	shalt  }
0x58: {  	_ =	shalt  }
0x59: {  	_ =	shalt  }
0x5a: {  	_ =	shalt  }
0x5b: {  	_ =	shalt  }
0x5c: {  	_ =	shalt  }
0x5d: {  	_ =	shalt  }
0x5e: {  	_ =	shalt  }
0x5f: {  	_ =	shalt  }
0x60: {  	_ =	shalt  }
0x61: {  	_ =	shalt  }
0x62: {  	_ =	shalt  }
0x63: {  	_ =	shalt  }
0x64: {  	_ =	shalt  }
0x65: {  	_ =	shalt  }
0x66: {  	_ =	shalt  }
0x67: {  	_ =	shalt  }
0x68: {  	_ =	shalt  }
0x69: {  	_ =	shalt  }
0x6a: {  	_ =	shalt  }
0x6b: {  	_ =	shalt  }
0x6c: {  	_ =	shalt  }
0x6d: {  	_ =	shalt  }
0x6e: {  	_ =	shalt  }
0x6f: {  	_ =	shalt  }
0x70: {  	_ =	shalt  }
0x71: {  	_ =	shalt  }
0x72: {  	_ =	shalt  }
0x73: {  	_ =	shalt  }
0x74: {  	_ =	shalt  }
0x75: {  	_ =	shalt  }
0x76: {  	_ =	shalt  }
0x77: {  	_ =	shalt  }
0x78: {  	_ =	shalt  }
0x79: {  	_ =	shalt  }
0x7a: {  	_ =	shalt  }
0x7b: {  	_ =	shalt  }
0x7c: {  	_ =	shalt  }
0x7d: {  	_ =	shalt  }
0x7e: {  	_ =	shalt  }
0x7f: {  	_ =	shalt  }
0x80: {  	_ =	shalt  }
0x81: {  	_ =	shalt  }
0x82: {  	_ =	shalt  }
0x83: {  	_ =	shalt  }
0x84: {  	_ =	shalt  }
0x85: {  	_ =	shalt  }
0x86: {  	_ =	shalt  }
0x87: {  	_ =	shalt  }
.Lfunc_end0:
.L_simem_size_0:
called_computation_lowered:
.L_overlay_start_0:
0x88: {  	s2 =	sld [smem:$0x3FD9]  }
0x89: {  	s3 =	sld [smem:$0x3FFE];
	_ =	sdelay $0x1  }
0x8a: {  	s1 =	srdreg.scid  }
0x8b: {  	s0 =	sand.u32 $0x1, s1  }
0x8c: {  	s17 =	sshll.u32 s0, $0xA;
	s2 =	sadd.s32 s3, s2  }
0x8d: {  	s2 =	sadd.s32 s2, s17  }
0x8e: {  	[smem:$0x3FC4] =	sst s2  }
0x8f: {  	_ = 	snop  }
0x90: {  	s2 =	sld [smem:$0x3FC8]  }
0x91: {  	s18 =	sld [smem:$0x3FC7]  }
0x92: {  	s4 =	sld [smem:$0x3FC6]  }
0x93: {  	s5 =	sld [smem:$0x3FD0];
	(tm) =	ssettm $0x1  }
0x94: {  	s6 =	sld [smem:$0x3FFB];
	_ =	sdelay $0x3  }
0x95: {  	_ =	strace s6  }
0x96: {  	s6 =	sld [smem:$0x3FFC];
	_ =	sdelay $0x3  }
0x97: {  	_ =	strace s6  }
0x98: {  	s6 =	sld [smem:$0x3FFD];
	_ =	sdelay $0x3  }
0x99: {  	_ =	strace s6  }
0x9a: {  	_ =	strace $0x8FFFFFFF  }
0x9b: {  	s19 =	sld [smem:$0x3FDB];
	_ =	sdelay $0x1  }
0x9c: {  	s7 =	simm.s32 $_scs_section_size  }
0x9d: {  	s8 =	simm.s32 $_size__tile_overlayer_lowered;
	s9 =	simm.s32 $_tile_overlayer_lowered  }
0x9e: {  	s22 =	simm.s32 $0x1BFF;
	s21 =	sshll.u32 s9, $0x1;
	s6 =	sadd.s32 s7, s19  }
0x9f: {  	s10 =	simm.s32 $0x0;
	s20 =	sshll.u32 s8, $0x1;
	s8 =	sadd.s32 s21, s6  }
0xa0: {  	[timem:s10], [sflag:s22] =	dma.local [hbm:s8], s20  }
0xa1: {  	_ =	swait.ge [sflag:s22], s20  }
0xa2: {  	s7 =	ssub.s32 $0x0, s20;
	[sflag:s22] =	ssyncset.done $0x0  }
0xa3: {  	[sflag:s22] =	ssyncadd.s32 s7;
	_ =	sdelay $0x1  }
0xa4: {  	s23 =	simm.s32 $0x1B8B  }
0xa5: {  	_ =	swait.ge [sflag:s23], $0x1  }
0xa6: {  	[sflag:s23] =	ssyncset.done $0x0  }
0xa7: {  	s25 =	simm.s32 $0x1B8E;
	s24 =	sld [smem:$0x3FFE];
	[sflag:s23] =	ssyncadd.s32 $0xFFFFFFFF  }
0xa8: {  	s26 =	simm.s32 $execute0_lowered;
	[smem:$0x3FD2] =	sst s25  }
0xa9: {  	s8 =	sshll.u32 s26, $0x1;
	_ =	strace $0x80000046;
	[dreg:$0x1] =	wrdreg $0xFFFFFFFF  }
0xaa: {  	s28 =	simm.s32 $_size_execute0_lowered;
	s6 =	sadd.s32 s6, s8;
	[dreg:$0x0] =	wrdreg $0x0  }
0xab: {  	s8 =	sshll.u32 s28, $0x1;
	[dreg:$0x2] =	wrdreg s6  }
0xac: {  	[dreg:$0x3] =	wrdreg s8  }
0xad: {  	[dreg:$0x4] =	wrdreg $0xC0  }
0xae: {  	_ =	task [dreg:s10], $0x5FFFF  }
0xaf: {  	[dreg:$0x1] =	wrdreg $0xFFFFFFFF  }
0xb0: {  	[dreg:$0x0] =	wrdreg $0x60  }
0xb1: {  	[dreg:$0x2] =	wrdreg s24  }
0xb2: {  	[dreg:$0x3] =	wrdreg s2  }
0xb3: {  	[dreg:$0x4] =	wrdreg s18  }
0xb4: {  	[dreg:$0x5] =	wrdreg s4  }
0xb5: {  	[dreg:$0x6] =	wrdreg s5  }
0xb6: {  	[dreg:$0x7] =	wrdreg $0x9  }
0xb7: {  	_ =	task.clear_ibuf [dreg:s10], $0x8FFFF;
	_ =	strace $0x90000046  }
0xb8: {  	s29 =	simm.s32 $0x9;
	_ =	strace $0x80000048  }
0xb9: {  	_ =	swait.ge [sflag:s29], $0x1  }
0xba: {  	[sflag:s29] =	ssyncadd.s32 $0xFFFFFFFF  }
0xbb: {  	_ =	strace $0x90000048  }
0xbc: {  	_ =	sfence  }
0xbd: {  	s30 =	sld [smem:$0x0];
	_ =	sdelay $0x2  }
0xbe: {  	s31 =	sshll.u32 s1, $0xD;
	s1 =	sshrl.u32 s1, $0x2  }
0xbf: {  	s3 =	sand.u32 $0x4000, s31;
	s1 =	sadd.s32 s1, s30  }
0xc0: {  	s0 =	sor.u32 s3, s0;
	s1 =	sshll.u32 s1, $0x11  }
0xc1: {  	s0 =	sor.u32 s1, s0  }
0xc2: {  	s0 =	sadd.s32 $0x8F2B, s0  }
0xc3: {  	[sflag:s0] =	ssyncadd.remote.s32 $0x1  }
0xc4: {  	_ =	sfence.sel $0xFFFF  }
0xc5: {  	[dreg:$0x0] =	wrdreg $0xFFFFFFFF;
	(pc) =	sbr.abs _section_cstart, $3  }
0xc6: {  	[dreg:$0x1] =	wrdreg $0xFFFFFFFF  }
0xc7: {  	_ =	task.clear_ibuf [dreg:s10], $0x2FFFF;
	_ =	strace $0x9FFFFFFF  }
0xc8: {  	(tm) =	ssettm $0x7FFFFFFF  }
0xc9: {  	_ =	shalt  }
tec
execute0_lowered:
.L_overlay_start_1:
0x0: {  	(tag) =	ssettag $0x1  }
0x1: {  	s1 =	srdreg.scid;
	s2 =	stileid.u32  }
0x2: {  	s0 =	rddreg [dreg:$0x0];
	s1 =	sand.u32 $0x1, s1;
	s2 =	sshll.u32 s2, $0x1  }
0x3: {  	s5 =	rddreg [dreg:$0x4];
	s6 =	simm.s32 $0x0;
	s2 =	sor.u32 s1, s2  }
0x4: {  	[smem:$0x7FF] =	sst s6;
	s3 =	smul.u32 $0x4E20, s2  }
0x5: {  	s4 =	simm.s32 $0x5;
	s8 =	sadd.s32 $0x400, s0;
	_ =	strace $0x80000047  }
0x6: {  	s1 =	ssub.s32 $0x2, s1;
	s2 =	sadd.s32 $0xA0, s3;
	[dreg:$0x6] =	wrdreg s3  }
0x7: {  	s23 =	sshrl.u32 s1, $0x1;
	s26 =	sadd.s32 $0x140, s3;
	[dreg:$0x7] =	wrdreg s2  }
0x8: {  	s0 =	ssub.s32 s1, s23;
	s28 =	sadd.s32 $0x1E0, s3;
	[dreg:$0xa] =	wrdreg s26  }
0x9: {  	s24 =	sshrl.u32 s3, $0x3;
	s3 =	sadd.s32 $0x280, s3;
	[dreg:$0xb] =	wrdreg s28  }
0xa: {  	s0 =	smax.u32 s0, $0x1;
	s2 =	sshrl.u32 s2, $0x3;
	[dreg:$0xc] =	wrdreg s3  }
0xb: {  	s1 =	sadd.s32 s8, s24;
	s30 =	sshrl.u32 s3, $0x3;
	[dreg:$0x10] =	wrdreg s0  }
.Ltmp0:
0xc: {  	[dreg:$0x8] =	wrdreg s1;
	s25 =	sadd.s32 s8, s2;
	(pc) =	sbr.rel .LBB2_1-.Ltmp0, $4  }
0xd: {  	s1 =	sshrl.u32 s26, $0x3;
	s31 =	sadd.s32 s8, s30;
	[dreg:$0x9] =	wrdreg s25  }
0xe: {  	s29 =	sshrl.u32 s28, $0x3;
	s1 =	sadd.s32 s8, s1;
	[dreg:$0xf] =	wrdreg s31  }
0xf: {  	s7 =	simm.s32 $0x0;
	[dreg:$0xd] =	wrdreg s1;
	s1 =	sadd.s32 s8, s29  }
0x10: {  	s3 =	simm.s32 $0x3;
	[dreg:$0xe] =	wrdreg s1;
	s1 =	simm.s32 $0x4  }
.LBB2_20:
0x11: {  	s0 =	simm.s32 $0x6  }
0x12: {  	_ =	swait.ge [sflag:s0], $0x5000  }
0x13: {  	[sflag:s0] =	ssyncset.done $0x0  }
0x14: {  	s28 =	simm.s32 $0x7;
	[sflag:s0] =	ssyncadd.s32 $0xFFFFB000  }
0x15: {  	_ =	swait.ge [sflag:s28], $0x5000  }
0x16: {  	[sflag:s28] =	ssyncset.done $0x0  }
0x17: {  	s29 =	simm.s32 $0x8;
	[sflag:s28] =	ssyncadd.s32 $0xFFFFB000  }
0x18: {  	_ =	swait.ge [sflag:s29], $0x5000  }
0x19: {  	[sflag:s29] =	ssyncset.done $0x0  }
0x1a: {  	s30 =	simm.s32 $0x9;
	[sflag:s29] =	ssyncadd.s32 $0xFFFFB000  }
0x1b: {  	_ =	swait.ge [sflag:s30], $0x5000  }
0x1c: {  	[sflag:s30] =	ssyncset.done $0x0  }
0x1d: {  	s2 =	simm.s32 $0xA;
	[sflag:s30] =	ssyncadd.s32 $0xFFFFB000  }
0x1e: {  	_ =	swait.ge [sflag:s2], $0x5000  }
0x1f: {  	s7 =	rddreg [dreg:$0x11]  }
0x20: {  	s31 =	rddreg [dreg:$0x10];
	s7 =	sadd.s32 $0x1, s7  }
0x21: {  	p0 =	sne.s32 s7, s31  }
.Ltmp1:
0x22: {  	_ = 	snop;
	(pc) =	sbr.rel @!p0 .LBB2_21-.Ltmp1, $3  }
0x23: {  	_ =	sdelay $0x1  }
0x24: {  	[sflag:s2] =	ssyncset.done $0x0  }
0x25: {  	[sflag:s2] =	ssyncadd.s32 $0xFFFFB000  }
.LBB2_1:
0x26: {  	[dreg:$0x11] =	wrdreg s7  }
0x27: {  	s0 =	rddreg [dreg:$0x8];
	s2 =	simm.s32 $0x6C00  }
0x28: {  	[tilespmem:s2], [sflag:$0x1] =	stream.linear.gather [hbm4b:s0+s6], $0xA0, $0x38;
	[tilespmem:$0x1FF80] =	vst v63  }
0x29: {  	s16 =	rddreg [dreg:$0x9];
	s17 =	simm.s32 $0x6CA0  }
0x2a: {  	[tilespmem:s17], [sflag:$0x2] =	stream.linear.gather [hbm4b:s16+s6], $0xA0, $0x38;
	[tilespmem:$0x1FF80] =	vst v63  }
0x2b: {  	s18 =	rddreg [dreg:$0xd];
	s19 =	simm.s32 $0x6D40  }
0x2c: {  	[tilespmem:s19], [sflag:$0x3] =	stream.linear.gather [hbm4b:s18+s6], $0xA0, $0x38;
	[tilespmem:$0x1FF80] =	vst v63  }
0x2d: {  	s20 =	rddreg [dreg:$0xe];
	s21 =	simm.s32 $0x6DE0  }
0x2e: {  	[tilespmem:s21], [sflag:$0x4] =	stream.linear.gather [hbm4b:s20+s6], $0xA0, $0x38;
	[tilespmem:$0x1FF80] =	vst v63  }
0x2f: {  	s22 =	rddreg [dreg:$0xf];
	s23 =	simm.s32 $0x6E80  }
0x30: {  	[tilespmem:s23], [sflag:$0x5] =	stream.linear.gather [hbm4b:s22+s6], $0xA0, $0x38;
	[tilespmem:$0x1FF80] =	vst v63  }
0x31: {  	s24 =	rddreg [dreg:$0x1];
	s25 =	simm.s32 $0x6F80;
	s26 =	simm.s32 $0xB  }
0x32: {  	[tilespmem:s25], [sflag:$0xB] =	stream.linear.gather [hbm4b:s24+s6], $0x300, $0x38;
	[tilespmem:$0x1FF80] =	vst v63  }
0x33: {  	_ =	swait.ge [sflag:s26], $0x300  }
0x34: {  	[sflag:s26] =	ssyncset.done $0x0  }
0x35: {  	[sflag:s26] =	ssyncadd.s32 $0xFFFFFD00  }
0x36: {  	s29 =	simm.s32 $0x7280;
	s28 =	rddreg [dreg:$0x2]  }
0x37: {  	[tilespmem:s29], [sflag:$0xB] =	stream.linear.gather [hbm4b:s28+s6], $0x300, $0x38;
	[tilespmem:$0x1FF80] =	vst v63  }
0x38: {  	_ =	swait.ge [sflag:s26], $0x300  }
0x39: {  	[sflag:s26] =	ssyncset.done $0x0  }
0x3a: {  	[sflag:s26] =	ssyncadd.s32 $0xFFFFFD00  }
0x3b: {  	s31 =	simm.s32 $0x7580;
	s30 =	rddreg [dreg:$0x3]  }
0x3c: {  	[tilespmem:s31], [sflag:$0xB] =	stream.linear.gather [hbm4b:s30+s6], $0x300, $0x38;
	[tilespmem:$0x1FF80] =	vst v63  }
0x3d: {  	_ =	swait.ge [sflag:s26], $0x300  }
0x3e: {  	[sflag:s26] =	ssyncset.done $0x0  }
0x3f: {  	s11 =	simm.s32 $0x40;
	s15 =	simm.s32 $0x0;
	[sflag:s26] =	ssyncadd.s32 $0xFFFFFD00  }
.LBB2_2:
0x40: {  	s0 =	sshll.u32 s15, $0x7  }
0x41: {  	s17 =	simm.s32 $0x0;
	s18 =	smov.u32 s11;
	s16 =	sand.u32 $0x3FFFFF80, s0  }
.LBB2_3:
0x42: {  	s0 =	sshll.u32 s17, $0x7  }
0x43: {  	v2 =	vld [tilespmem:s16+$0x6F80];
	s20 =	sand.u32 $0x3FFFFF80, s0  }
0x44: {  	v1 =	vld [tilespmem:s20+$0x7280]  }
0x45: {  	s21 =	simm.s32 $0x0  }
0x46: {  	v3 =	vld [tilespmem:s21+$0x7580];
	_ =	sdelay $0x1  }
0x47: {  	v0 =	vmov s18  }
0x48: {  	v1 =	vadd.f32 v1, v2;
	_ =	sdelay $0x1  }
0x49: {  	v1 =	vadd.f32 v3, v1;
	_ =	sdelay $0x1  }
0x4a: {  	[tilespmem:v0+s21+$0xFFFFFFC0 ss:$0x1] =	vst.idx.msk $0xffff, v1  }
0x4b: {  	v1 =	vld [tilespmem:s16+$0x6F90]  }
0x4c: {  	v2 =	vld [tilespmem:s20+$0x7290];
	_ =	sdelay $0x1  }
0x4d: {  	v3 =	vld [tilespmem:s21+$0x7590];
	_ =	sdelay $0x2  }
0x4e: {  	v1 =	vadd.f32 v2, v1;
	_ =	sdelay $0x1  }
0x4f: {  	v1 =	vadd.f32 v3, v1;
	_ =	sdelay $0x1  }
0x50: {  	[tilespmem:v0+s21+$0xFFFFFFD0 ss:$0x1] =	vst.idx.msk $0xffff, v1  }
0x51: {  	v1 =	vld [tilespmem:s16+$0x6FA0]  }
0x52: {  	v2 =	vld [tilespmem:s20+$0x72A0];
	_ =	sdelay $0x1  }
0x53: {  	v3 =	vld [tilespmem:s21+$0x75A0];
	_ =	sdelay $0x2  }
0x54: {  	v1 =	vadd.f32 v2, v1;
	_ =	sdelay $0x1  }
0x55: {  	v1 =	vadd.f32 v3, v1;
	_ =	sdelay $0x1  }
0x56: {  	[tilespmem:v0+s21+$0xFFFFFFE0 ss:$0x1] =	vst.idx.msk $0xffff, v1  }
0x57: {  	v1 =	vld [tilespmem:s16+$0x6FB0]  }
0x58: {  	v2 =	vld [tilespmem:s20+$0x72B0];
	_ =	sdelay $0x1  }
0x59: {  	v3 =	vld [tilespmem:s21+$0x75B0];
	_ =	sdelay $0x2  }
0x5a: {  	v1 =	vadd.f32 v2, v1;
	_ =	sdelay $0x1  }
0x5b: {  	v1 =	vadd.f32 v3, v1;
	_ =	sdelay $0x1  }
0x5c: {  	[tilespmem:v0+s21+$0xFFFFFFF0 ss:$0x1] =	vst.idx.msk $0xffff, v1  }
0x5d: {  	v1 =	vld [tilespmem:s16+$0x6FC0]  }
0x5e: {  	v2 =	vld [tilespmem:s20+$0x72C0];
	_ =	sdelay $0x1  }
0x5f: {  	v3 =	vld [tilespmem:s21+$0x75C0];
	_ =	sdelay $0x2  }
0x60: {  	v1 =	vadd.f32 v2, v1;
	_ =	sdelay $0x1  }
0x61: {  	v1 =	vadd.f32 v3, v1;
	_ =	sdelay $0x1  }
0x62: {  	[tilespmem:v0+s21+$0x0 ss:$0x1] =	vst.idx.msk $0xffff, v1  }
0x63: {  	v1 =	vld [tilespmem:s16+$0x6FD0]  }
0x64: {  	v2 =	vld [tilespmem:s20+$0x72D0];
	_ =	sdelay $0x1  }
0x65: {  	v3 =	vld [tilespmem:s21+$0x75D0];
	_ =	sdelay $0x2  }
0x66: {  	v1 =	vadd.f32 v2, v1;
	_ =	sdelay $0x1  }
0x67: {  	v1 =	vadd.f32 v3, v1;
	_ =	sdelay $0x1  }
0x68: {  	[tilespmem:v0+s21+$0x10 ss:$0x1] =	vst.idx.msk $0xffff, v1  }
0x69: {  	v1 =	vld [tilespmem:s16+$0x6FE0]  }
0x6a: {  	v2 =	vld [tilespmem:s20+$0x72E0];
	_ =	sdelay $0x1  }
0x6b: {  	v3 =	vld [tilespmem:s21+$0x75E0];
	_ =	sdelay $0x2  }
0x6c: {  	v1 =	vadd.f32 v2, v1;
	_ =	sdelay $0x1  }
0x6d: {  	v1 =	vadd.f32 v3, v1;
	_ =	sdelay $0x1  }
0x6e: {  	[tilespmem:v0+s21+$0x20 ss:$0x1] =	vst.idx.msk $0xffff, v1  }
0x6f: {  	v1 =	vld [tilespmem:s16+$0x6FF0]  }
0x70: {  	s10 =	simm.s32 $0x200;
	v2 =	vld [tilespmem:s20+$0x72F0]  }
.LBB2_4:
0x71: {  	p0 =	sne.s32 s10, $0xA00;
	v3 =	vld [tilespmem:s21+$0x75F0];
	s0 =	smov.u32 s10;
	s10 =	sadd.s32 $0x200, s10  }
0x72: {  	_ =	sdelay $0x2  }
0x73: {  	v1 =	vadd.f32 v2, v1;
	_ =	sdelay $0x1  }
0x74: {  	v1 =	vadd.f32 v3, v1;
	_ =	sdelay $0x1  }
0x75: {  	[tilespmem:v0+s21+$0x30 ss:$0x1] =	vst.idx.msk $0xffff, v1  }
0x76: {  	v1 =	vld [tilespmem:s20+$0x7280]  }
0x77: {  	s21 =	sshra.s32 s0, $0x2;
	v2 =	vld [tilespmem:s16+$0x6F80]  }
0x78: {  	v3 =	vld [tilespmem:s21+$0x7580];
	_ =	sdelay $0x3  }
0x79: {  	v1 =	vadd.f32 v1, v2;
	_ =	sdelay $0x1  }
0x7a: {  	v1 =	vadd.f32 v3, v1;
	_ =	sdelay $0x1  }
0x7b: {  	[tilespmem:v0+s21+$0xFFFFFFC0 ss:$0x1] =	vst.idx.msk $0xffff, v1  }
0x7c: {  	v1 =	vld [tilespmem:s16+$0x6F90]  }
0x7d: {  	v2 =	vld [tilespmem:s20+$0x7290];
	_ =	sdelay $0x1  }
0x7e: {  	v3 =	vld [tilespmem:s21+$0x7590];
	_ =	sdelay $0x2  }
0x7f: {  	v1 =	vadd.f32 v2, v1;
	_ =	sdelay $0x1  }
0x80: {  	v1 =	vadd.f32 v3, v1;
	_ =	sdelay $0x1  }
0x81: {  	[tilespmem:v0+s21+$0xFFFFFFD0 ss:$0x1] =	vst.idx.msk $0xffff, v1  }
0x82: {  	v1 =	vld [tilespmem:s16+$0x6FA0]  }
0x83: {  	v2 =	vld [tilespmem:s20+$0x72A0];
	_ =	sdelay $0x1  }
0x84: {  	v3 =	vld [tilespmem:s21+$0x75A0];
	_ =	sdelay $0x2  }
0x85: {  	v1 =	vadd.f32 v2, v1;
	_ =	sdelay $0x1  }
0x86: {  	v1 =	vadd.f32 v3, v1;
	_ =	sdelay $0x1  }
0x87: {  	[tilespmem:v0+s21+$0xFFFFFFE0 ss:$0x1] =	vst.idx.msk $0xffff, v1  }
0x88: {  	v1 =	vld [tilespmem:s16+$0x6FB0]  }
0x89: {  	v2 =	vld [tilespmem:s20+$0x72B0]  }
0x8a: {  	v3 =	vld [tilespmem:s21+$0x75B0];
	_ =	sdelay $0x3  }
0x8b: {  	v1 =	vadd.f32 v2, v1;
	_ =	sdelay $0x1  }
0x8c: {  	v1 =	vadd.f32 v3, v1;
	_ =	sdelay $0x1  }
0x8d: {  	[tilespmem:v0+s21+$0xFFFFFFF0 ss:$0x1] =	vst.idx.msk $0xffff, v1  }
0x8e: {  	v1 =	vld [tilespmem:s16+$0x6FC0]  }
0x8f: {  	v2 =	vld [tilespmem:s20+$0x72C0]  }
0x90: {  	v3 =	vld [tilespmem:s21+$0x75C0];
	_ =	sdelay $0x3  }
0x91: {  	v1 =	vadd.f32 v2, v1;
	_ =	sdelay $0x1  }
0x92: {  	v1 =	vadd.f32 v3, v1;
	_ =	sdelay $0x1  }
0x93: {  	[tilespmem:v0+s21+$0x0 ss:$0x1] =	vst.idx.msk $0xffff, v1  }
0x94: {  	v1 =	vld [tilespmem:s16+$0x6FD0]  }
0x95: {  	v2 =	vld [tilespmem:s20+$0x72D0]  }
0x96: {  	v3 =	vld [tilespmem:s21+$0x75D0];
	_ =	sdelay $0x3  }
0x97: {  	v1 =	vadd.f32 v2, v1;
	_ =	sdelay $0x1  }
0x98: {  	v1 =	vadd.f32 v3, v1;
	_ =	sdelay $0x1  }
0x99: {  	[tilespmem:v0+s21+$0x10 ss:$0x1] =	vst.idx.msk $0xffff, v1  }
0x9a: {  	v1 =	vld [tilespmem:s16+$0x6FE0]  }
0x9b: {  	v2 =	vld [tilespmem:s20+$0x72E0]  }
0x9c: {  	v3 =	vld [tilespmem:s21+$0x75E0];
	_ =	sdelay $0x3  }
0x9d: {  	v1 =	vadd.f32 v2, v1;
	_ =	sdelay $0x1  }
.Ltmp2:
0x9e: {  	v1 =	vadd.f32 v3, v1;
	(pc) =	sbr.rel @p0 .LBB2_4-.Ltmp2, $4  }
0x9f: {  	_ = 	snop  }
0xa0: {  	[tilespmem:v0+s21+$0x20 ss:$0x1] =	vst.idx.msk $0xffff, v1  }
0xa1: {  	v1 =	vld [tilespmem:s16+$0x6FF0]  }
0xa2: {  	v2 =	vld [tilespmem:s20+$0x72F0]  }
0xa3: {  	_ = 	snop  }
0xa4: {  	v3 =	vld [tilespmem:s21+$0x75F0]  }
0xa5: {  	s17 =	sadd.s32 $0x1, s17  }
0xa6: {  	p0 =	sne.s32 s17, $0x6  }
.Ltmp3:
0xa7: {  	v1 =	vadd.f32 v2, v1;
	(pc) =	sbr.rel @p0 .LBB2_3-.Ltmp3, $3  }
0xa8: {  	_ = 	snop  }
0xa9: {  	v1 =	vadd.f32 v3, v1;
	_ =	sdelay $0x1  }
0xaa: {  	s18 =	sadd.s32 $0x300, s18;
	[tilespmem:v0+s21+$0x30 ss:$0x1] =	vst.idx.msk $0xffff, v1  }
0xab: {  	s15 =	sadd.s32 $0x1, s15  }
0xac: {  	p0 =	sne.s32 s15, $0x6  }
.Ltmp4:
0xad: {  	_ = 	snop;
	(pc) =	sbr.rel @p0 .LBB2_2-.Ltmp4, $2  }
0xae: {  	_ =	sdelay $0x2  }
0xaf: {  	s11 =	sadd.s32 $0x1200, s11  }
0xb0: {  	s11 =	simm.s32 $0x0  }
.LBB2_8:
0xb1: {  	s0 =	simm.s32 $0x1  }
0xb2: {  	_ =	swait.ge [sflag:s0], $0xA0  }
0xb3: {  	p0 =	seq.s32 s11, $0x0;
	[sflag:s0] =	ssyncset.done $0x0  }
0xb4: {  	[sflag:s0] =	ssyncadd.s32 $0xFFFFFF60;
	s0 =	simm.s32 @!p0 $0x6  }
0xb5: {  	_ =	swait.ge @!p0 [sflag:s0], $0x5000  }
0xb6: {  	[sflag:s0] =	ssyncset.done @!p0 $0x0  }
0xb7: {  	s22 =	simm.s32 $0x6C02;
	[sflag:s0] =	ssyncadd.s32 @!p0 $0xFFFFB000  }
0xb8: {  	v0 =	vld [tilespmem:s22+$0x1];
	_ =	sdelay $0x4  }
0xb9: {  	(v2sf) =	vpush v0, $0x0;
	_ =	sdelay $0x5  }
0xba: {  	v0 =	vld [tilespmem:s22+$0xFFFFFFFF]  }
0xbb: {  	v1 =	vld [tilespmem:s22+$0x0]  }
0xbc: {  	v2 =	vld [tilespmem:s22+$0xFFFFFFFE];
	_ =	sdelay $0x2  }
0xbd: {  	(v2sf) =	vpush v0, $0x0  }
0xbe: {  	(v2sf) =	vpush v1, $0x0  }
0xbf: {  	(v2sf) =	vpush v2, $0x0;
	_ =	sdelay $0x1  }
0xc0: {  	s23 =	spop (v2sf)  }
0xc1: {  	s2 =	sshrl.u32 s23, $0x8;
	s10 =	sshrl.u32 s23, $0x4  }
0xc2: {  	s10 =	sand.u32 $0xF, s10;
	s2 =	smul.u32 $0x24, s2  }
0xc3: {  	s0 =	sand.u32 $0xF, s23;
	s10 =	smul.u32 $0x6, s10  }
0xc4: {  	s22 =	simm.s32 $0x6C06;
	s0 =	sadd.s32 s0, s2  }
0xc5: {  	v1 =	vld [tilespmem:s22+$0x1];
	s0 =	sadd.s32 s10, s0  }
0xc6: {  	s0 =	sshll.u32 s0, $0x9  }
0xc7: {  	s15 =	sshra.s32 s0, $0x2  }
0xc8: {  	v0 =	vld [tilespmem:s15+$0x0];
	_ =	sdelay $0x1  }
0xc9: {  	(v2sf) =	vpush v1, $0x0  }
0xca: {  	s24 =	spop (v2sf)  }
0xcb: {  	s16 =	simm.s32 $0x7080;
	s25 =	spop (v2sf);
	s19 =	sshrl.u32 s24, $0x8  }
0xcc: {  	s20 =	sshrl.u32 s24, $0x4;
	s26 =	spop (v2sf);
	s21 =	sshrl.u32 s25, $0x8;
	[tilespmem:s16+$0x80] =	vst v0  }
0xcd: {  	s23 =	sshrl.u32 s25, $0x4;
	s19 =	smul.u32 $0x24, s19;
	s20 =	sand.u32 $0xF, s20;
	v0 =	vld [tilespmem:s15+$0x10]  }
0xce: {  	v2 =	vld [tilespmem:s22+$0xFFFFFFFF];
	s17 =	sshrl.u32 s26, $0x8;
	s18 =	sshrl.u32 s26, $0x4;
	s21 =	smul.u32 $0x24, s21  }
0xcf: {  	v1 =	vld [tilespmem:s22+$0x0];
	s0 =	sand.u32 $0xF, s24;
	s17 =	smul.u32 $0x24, s17;
	s18 =	sand.u32 $0xF, s18  }
0xd0: {  	v6 =	vld [tilespmem:s22+$0xFFFFFFFE];
	s2 =	sand.u32 $0xF, s25;
	s10 =	sand.u32 $0xF, s26;
	s18 =	smul.u32 $0x6, s18  }
0xd1: {  	s23 =	sand.u32 $0xF, s23;
	s29 =	smul.u32 $0x6, s20;
	s10 =	sadd.s32 s10, s17  }
0xd2: {  	s0 =	sadd.s32 s0, s19;
	s30 =	smul.u32 $0x6, s23;
	s10 =	sadd.s32 s18, s10;
	[tilespmem:s16+$0x90] =	vst v0  }
0xd3: {  	(v2sf) =	vpush v2, $0x0;
	s2 =	sadd.s32 s2, s21;
	s0 =	sadd.s32 s29, s0;
	s10 =	sshll.u32 s10, $0x9;
	v0 =	vld [tilespmem:s15+$0x20]  }
0xd4: {  	(v2sf) =	vpush v1, $0x0;
	s0 =	sshll.u32 s0, $0x9;
	s2 =	sadd.s32 s30, s2;
	s10 =	sshra.s32 s10, $0x2  }
0xd5: {  	(v2sf) =	vpush v6, $0x0;
	s26 =	sshra.s32 s0, $0x2;
	s7 =	sshll.u32 s2, $0x9;
	v3 =	vld [tilespmem:s10+$0x0]  }
0xd6: {  	s25 =	sshra.s32 s7, $0x2;
	v4 =	vld [tilespmem:s26+$0x0]  }
0xd7: {  	v5 =	vld [tilespmem:s25+$0x0]  }
0xd8: {  	s9 =	spop (v2sf);
	[tilespmem:s16+$0xA0] =	vst v0  }
0xd9: {  	s12 =	sshrl.u32 s9, $0x8;
	s13 =	sshrl.u32 s9, $0x4;
	v0 =	vld [tilespmem:s15+$0x30]  }
0xda: {  	s17 =	sand.u32 $0xF, s13;
	s2 =	smul.u32 $0x24, s12;
	[tilespmem:s16+$0xFFFFFF00] =	vst v3  }
0xdb: {  	s0 =	sand.u32 $0xF, s9;
	[tilespmem:s16+$0xFFFFFF80] =	vst v4;
	s17 =	smul.u32 $0x6, s17;
	v2 =	vld [tilespmem:s10+$0x10]  }
0xdc: {  	v1 =	vld [tilespmem:s26+$0x10];
	[tilespmem:s16+$0x0] =	vst v5;
	s0 =	sadd.s32 s0, s2  }
0xdd: {  	s24 =	simm.s32 $0x6C0A;
	v3 =	vld [tilespmem:s25+$0x10];
	s0 =	sadd.s32 s17, s0  }
0xde: {  	v6 =	vld [tilespmem:s24+$0xFFFFFFFF];
	s0 =	sshll.u32 s0, $0x9;
	[tilespmem:s16+$0xB0] =	vst v0  }
0xdf: {  	s23 =	sshra.s32 s0, $0x2;
	v0 =	vld [tilespmem:s15+$0x40]  }
0xe0: {  	v4 =	vld [tilespmem:s23+$0x0];
	[tilespmem:s16+$0xFFFFFF10] =	vst v2  }
0xe1: {  	[tilespmem:s16+$0xFFFFFF90] =	vst v1;
	v2 =	vld [tilespmem:s10+$0x20]  }
0xe2: {  	s14 =	spop (v2sf);
	v1 =	vld [tilespmem:s26+$0x20];
	[tilespmem:s16+$0x10] =	vst v3  }
0xe3: {  	s29 =	spop (v2sf);
	v3 =	vld [tilespmem:s25+$0x20]  }
0xe4: {  	v7 =	vld [tilespmem:s24+$0x0];
	s17 =	simm.s32 $0x7280;
	s30 =	spop (v2sf);
	[tilespmem:s16+$0xC0] =	vst v0  }
0xe5: {  	s7 =	sshrl.u32 s30, $0x8;
	s9 =	sshrl.u32 s30, $0x4;
	[tilespmem:s17+$0x80] =	vst v4;
	v0 =	vld [tilespmem:s15+$0x50]  }
0xe6: {  	s20 =	sand.u32 $0xF, s9;
	s19 =	smul.u32 $0x24, s7;
	v4 =	vld [tilespmem:s23+$0x10];
	[tilespmem:s16+$0xFFFFFF20] =	vst v2  }
0xe7: {  	s18 =	sand.u32 $0xF, s30;
	s20 =	smul.u32 $0x6, s20;
	[tilespmem:s16+$0xFFFFFFA0] =	vst v1;
	v2 =	vld [tilespmem:s10+$0x30]  }
0xe8: {  	s18 =	sadd.s32 s18, s19;
	v1 =	vld [tilespmem:s26+$0x30];
	[tilespmem:s16+$0x20] =	vst v3  }
0xe9: {  	s18 =	sadd.s32 s20, s18;
	v3 =	vld [tilespmem:s25+$0x30]  }
0xea: {  	v5 =	vld [tilespmem:s24+$0x1];
	s18 =	sshll.u32 s18, $0x9;
	[tilespmem:s16+$0xD0] =	vst v0  }
0xeb: {  	s12 =	sshrl.u32 s14, $0x8;
	s13 =	sshrl.u32 s14, $0x4;
	s20 =	sshra.s32 s18, $0x2;
	[tilespmem:s17+$0x90] =	vst v4;
	v0 =	vld [tilespmem:s15+$0x60]  }
0xec: {  	s28 =	sshrl.u32 s29, $0x8;
	s31 =	sshrl.u32 s29, $0x4;
	s21 =	smul.u32 $0x24, s12;
	v4 =	vld [tilespmem:s20+$0x0];
	[tilespmem:s16+$0xFFFFFF30] =	vst v2  }
0xed: {  	s22 =	sand.u32 $0xF, s13;
	s0 =	sand.u32 $0xF, s14;
	s14 =	smul.u32 $0x24, s28;
	[tilespmem:s16+$0xFFFFFFB0] =	vst v1;
	v1 =	vld [tilespmem:s10+$0x40]  }
0xee: {  	s2 =	sand.u32 $0xF, s29;
	s31 =	sand.u32 $0xF, s31;
	s29 =	smul.u32 $0x6, s22;
	[tilespmem:s16+$0x30] =	vst v3;
	v2 =	vld [tilespmem:s26+$0x40]  }
0xef: {  	s0 =	sadd.s32 s0, s21;
	s30 =	smul.u32 $0x6, s31;
	v3 =	vld [tilespmem:s25+$0x40]  }
0xf0: {  	v8 =	vld [tilespmem:s24+$0xFFFFFFFE];
	s2 =	sadd.s32 s2, s14;
	s0 =	sadd.s32 s29, s0;
	[tilespmem:s16+$0xE0] =	vst v0  }
0xf1: {  	(v2sf) =	vpush v5, $0x0;
	s0 =	sshll.u32 s0, $0x9;
	s2 =	sadd.s32 s30, s2;
	[tilespmem:s17+$0xFFFFFF00] =	vst v4;
	v0 =	vld [tilespmem:s15+$0x70]  }
0xf2: {  	s21 =	sshra.s32 s0, $0x2;
	s7 =	sshll.u32 s2, $0x9;
	[tilespmem:s16+$0xFFFFFF40] =	vst v1;
	v1 =	vld [tilespmem:s23+$0x20]  }
0xf3: {  	(v2sf) =	vpush v6, $0x0;
	s18 =	sshra.s32 s7, $0x2;
	[tilespmem:s16+$0xFFFFFFC0] =	vst v2;
	v2 =	vld [tilespmem:s21+$0x0]  }
0xf4: {  	(v2sf) =	vpush v7, $0x0;
	[tilespmem:s16+$0x40] =	vst v3;
	v3 =	vld [tilespmem:s18+$0x0]  }
0xf5: {  	v5 =	vld [tilespmem:s20+$0x10]  }
0xf6: {  	[tilespmem:s16+$0xF0] =	vst v0;
	v0 =	vld [tilespmem:s10+$0x50]  }
0xf7: {  	v4 =	vld [tilespmem:s26+$0x50];
	[tilespmem:s17+$0xA0] =	vst v1  }
0xf8: {  	(v2sf) =	vpush v8, $0x0;
	[tilespmem:s17+$0xFFFFFF80] =	vst v2;
	v1 =	vld [tilespmem:s23+$0x30]  }
0xf9: {  	[tilespmem:s17+$0x0] =	vst v3;
	v2 =	vld [tilespmem:s21+$0x10]  }
0xfa: {  	[tilespmem:s17+$0xFFFFFF10] =	vst v5;
	v3 =	vld [tilespmem:s18+$0x10]  }
0xfb: {  	[tilespmem:s16+$0xFFFFFF50] =	vst v0;
	v0 =	vld [tilespmem:s25+$0x50]  }
0xfc: {  	[tilespmem:s16+$0xFFFFFFD0] =	vst v4;
	v4 =	vld [tilespmem:s10+$0x60]  }
0xfd: {  	v5 =	vld [tilespmem:s20+$0x20];
	[tilespmem:s17+$0xB0] =	vst v1  }
0xfe: {  	[tilespmem:s17+$0xFFFFFF90] =	vst v2;
	v1 =	vld [tilespmem:s23+$0x40]  }
0xff: {  	[tilespmem:s17+$0x10] =	vst v3;
	v2 =	vld [tilespmem:s21+$0x20]  }
0x100: {  	s12 =	spop (v2sf);
	v3 =	vld [tilespmem:s18+$0x20];
	[tilespmem:s16+$0x50] =	vst v0  }
0x101: {  	s28 =	simm.s32 $0x8;
	s13 =	sshrl.u32 s12, $0x8;
	v0 =	vld [tilespmem:s26+$0x60];
	s9 =	rddreg [dreg:$0x6];
	[tilespmem:s16+$0xFFFFFF60] =	vst v4  }
0x102: {  	s14 =	sshrl.u32 s12, $0x4;
	s24 =	spop (v2sf);
	s0 =	sand.u32 $0xF, s12;
	[tilespmem:s17+$0xFFFFFF20] =	vst v5;
	v4 =	vld [tilespmem:s25+$0x60]  }
0x103: {  	s19 =	sand.u32 $0xF, s14;
	s2 =	smul.u32 $0x24, s13;
	s31 =	spop (v2sf);
	[tilespmem:s17+$0xC0] =	vst v1;
	v5 =	vld [tilespmem:s20+$0x30]  }
0x104: {  	s7 =	sshrl.u32 s24, $0x8;
	s30 =	sshrl.u32 s24, $0x4;
	s19 =	smul.u32 $0x6, s19;
	[tilespmem:s17+$0xFFFFFFA0] =	vst v2;
	v1 =	vld [tilespmem:s23+$0x50]  }
0x105: {  	s13 =	sshrl.u32 s31, $0x8;
	s0 =	sadd.s32 s0, s2;
	s15 =	smul.u32 $0x320, s11;
	[tilespmem:s17+$0x20] =	vst v3;
	v2 =	vld [tilespmem:s21+$0x30]  }
0x106: {  	s14 =	sshrl.u32 s31, $0x4;
	s7 =	smul.u32 $0x24, s7;
	s0 =	sadd.s32 s19, s0;
	v3 =	vld [tilespmem:s18+$0x30];
	[tilespmem:s16+$0xFFFFFFE0] =	vst v0  }
0x107: {  	s0 =	sshll.u32 s0, $0x9;
	s22 =	sadd.s32 s9, s15;
	s9 =	spop (v2sf);
	v0 =	vld [tilespmem:s10+$0x70];
	[tilespmem:s16+$0x60] =	vst v4  }
0x108: {  	s13 =	smul.u32 $0x24, s13;
	s12 =	sshrl.u32 s9, $0x8;
	s10 =	sshra.s32 s0, $0x2;
	v4 =	vld [tilespmem:s26+$0x70];
	[tilespmem:s17+$0xFFFFFF30] =	vst v5  }
0x109: {  	s14 =	sand.u32 $0xF, s14;
	s29 =	sshrl.u32 s9, $0x4;
	s12 =	smul.u32 $0x24, s12;
	v5 =	vld [tilespmem:s10+$0x0];
	[tilespmem:s17+$0xD0] =	vst v1  }
0x10a: {  	s2 =	sand.u32 $0xF, s29;
	s29 =	sand.u32 $0xF, s24;
	s24 =	smul.u32 $0x6, s14;
	[tilespmem:s17+$0xFFFFFFB0] =	vst v2;
	v6 =	vld [tilespmem:s23+$0x60]  }
0x10b: {  	s9 =	sand.u32 $0xF, s9;
	s0 =	smul.u32 $0x6, s2;
	s26 =	sand.u32 $0xF, s30;
	[tilespmem:s17+$0x30] =	vst v3;
	v7 =	vld [tilespmem:s20+$0x40]  }
0x10c: {  	s7 =	sadd.s32 s29, s7;
	s9 =	sadd.s32 s9, s12;
	s2 =	smul.u32 $0x6, s26;
	v1 =	vld [tilespmem:s21+$0x40];
	[tilespmem:s16+$0xFFFFFF70] =	vst v0  }
0x10d: {  	s30 =	sand.u32 $0xF, s31;
	s0 =	sadd.s32 s0, s9;
	s26 =	simm.s32 $0x7480;
	v0 =	vld [tilespmem:s18+$0x40];
	[tilespmem:s16+$0xFFFFFFF0] =	vst v4  }
0x10e: {  	s12 =	sadd.s32 s30, s13;
	v2 =	vld [tilespmem:s25+$0x70];
	s25 =	simm.s32 $0x6C0E;
	s7 =	sadd.s32 s2, s7;
	[tilespmem:s26+$0x80] =	vst v5  }
0x10f: {  	s0 =	sshll.u32 s0, $0x9;
	s30 =	sadd.s32 s24, s12;
	s29 =	sshll.u32 s7, $0x9;
	v4 =	vld [tilespmem:s10+$0x10];
	[tilespmem:s17+$0xE0] =	vst v6  }
0x110: {  	s2 =	sshra.s32 s0, $0x2;
	s31 =	sshll.u32 s30, $0x9;
	s0 =	sshra.s32 s29, $0x2;
	[tilespmem:s17+$0xFFFFFF40] =	vst v7;
	v3 =	vld [tilespmem:s23+$0x70]  }
.LBB2_9:
0x111: {  	v5 =	vld [tilespmem:s25+$0x1];
	s31 =	sshra.s32 s31, $0x2;
	[tilespmem:s17+$0xFFFFFFC0] =	vst v1;
	s23 =	smov.u32 s10;
	s10 =	smov.u32 s20  }
0x112: {  	s28 =	sadd.s32 $0x4, s28;
	s20 =	smov.u32 s2;
	s2 =	smov.u32 s21;
	v1 =	vld [tilespmem:s25+$0xFFFFFFFF];
	[tilespmem:s17+$0x40] =	vst v0  }
0x113: {  	p1 =	slt.u32 s28, $0x9C;
	v0 =	vld [tilespmem:s25+$0x0];
	[tilespmem:s16+$0x70] =	vst v2;
	s16 =	smov.u32 s17;
	s17 =	smov.u32 s26  }
0x114: {  	s21 =	smov.u32 s0;
	v2 =	vld [tilespmem:s25+$0xFFFFFFFE];
	[tilespmem:s26+$0x90] =	vst v4  }
0x115: {  	v4 =	vld [tilespmem:s20+$0x0];
	[tilespmem:s16+$0xF0] =	vst v3  }
0x116: {  	(v2sf) =	vpush v5, $0x0;
	v3 =	vld [tilespmem:s23+$0x20]  }
0x117: {  	(v2sf) =	vpush v1, $0x0;
	v1 =	vld [tilespmem:s21+$0x0]  }
0x118: {  	(v2sf) =	vpush v0, $0x0;
	v0 =	vld [tilespmem:s31+$0x0]  }
0x119: {  	(v2sf) =	vpush v2, $0x0;
	v2 =	vld [tilespmem:s10+$0x50]  }
0x11a: {  	[tilespmem:s26+$0xFFFFFF00] =	vst v4;
	v4 =	vld [tilespmem:s2+$0x50]  }
0x11b: {  	v5 =	vld [tilespmem:s20+$0x10];
	[tilespmem:s26+$0xA0] =	vst v3  }
0x11c: {  	[tilespmem:s26+$0xFFFFFF80] =	vst v1;
	v1 =	vld [tilespmem:s23+$0x30]  }
0x11d: {  	v3 =	vld [tilespmem:s21+$0x10];
	[tilespmem:s26+$0x0] =	vst v0  }
0x11e: {  	v0 =	vld [tilespmem:s31+$0x10];
	[tilespmem:s16+$0xFFFFFF50] =	vst v2  }
0x11f: {  	[tilespmem:s16+$0xFFFFFFD0] =	vst v4;
	v2 =	vld [tilespmem:s18+$0x50]  }
0x120: {  	[tilespmem:s26+$0xFFFFFF10] =	vst v5;
	v4 =	vld [tilespmem:s10+$0x60]  }
0x121: {  	v5 =	vld [tilespmem:s20+$0x20];
	[tilespmem:s26+$0xB0] =	vst v1  }
0x122: {  	[tilespmem:s26+$0xFFFFFF90] =	vst v3;
	v1 =	vld [tilespmem:s23+$0x40]  }
0x123: {  	v3 =	vld [tilespmem:s21+$0x20];
	[tilespmem:s26+$0x10] =	vst v0  }
0x124: {  	v0 =	vld [tilespmem:s31+$0x20];
	[tilespmem:s16+$0x50] =	vst v2  }
0x125: {  	s0 =	spop (v2sf)  }
0x126: {  	[tilespmem:s16+$0xFFFFFF60] =	vst v4;
	v2 =	vld [tilespmem:s2+$0x60];
	s7 =	sshrl.u32 s0, $0x8  }
0x127: {  	s9 =	sshrl.u32 s0, $0x4;
	s12 =	spop (v2sf);
	[tilespmem:s26+$0xFFFFFF20] =	vst v5;
	v4 =	vld [tilespmem:s18+$0x60];
	s0 =	sand.u32 $0xF, s0  }
0x128: {  	s9 =	sand.u32 $0xF, s9;
	s7 =	smul.u32 $0x24, s7;
	s13 =	spop (v2sf);
	v5 =	vld [tilespmem:s20+$0x30];
	[tilespmem:s26+$0xC0] =	vst v1  }
0x129: {  	s29 =	sshrl.u32 s12, $0x4;
	s9 =	smul.u32 $0x6, s9;
	s14 =	spop (v2sf);
	[tilespmem:s26+$0xFFFFFFA0] =	vst v3;
	v1 =	vld [tilespmem:s23+$0x50]  }
0x12a: {  	s19 =	sshrl.u32 s14, $0x8;
	s24 =	sshrl.u32 s14, $0x4;
	s0 =	sadd.s32 s0, s7;
	v3 =	vld [tilespmem:s21+$0x30];
	[tilespmem:s26+$0x20] =	vst v0  }
0x12b: {  	s30 =	sshrl.u32 s13, $0x4;
	s7 =	sshrl.u32 s12, $0x8;
	s0 =	sadd.s32 s9, s0;
	v0 =	vld [tilespmem:s31+$0x30];
	[tilespmem:s16+$0xFFFFFFE0] =	vst v2  }
0x12c: {  	s9 =	sshrl.u32 s13, $0x8;
	s19 =	smul.u32 $0x24, s19;
	s0 =	sshll.u32 s0, $0x9;
	v2 =	vld [tilespmem:s10+$0x70];
	[tilespmem:s16+$0x60] =	vst v4  }
0x12d: {  	s24 =	sand.u32 $0xF, s24;
	s9 =	smul.u32 $0x24, s9;
	s10 =	sshra.s32 s0, $0x2;
	[tilespmem:s26+$0xFFFFFF30] =	vst v5;
	v4 =	vld [tilespmem:s2+$0x70]  }
0x12e: {  	s0 =	sand.u32 $0xF, s29;
	s2 =	smul.u32 $0x24, s7;
	s7 =	sand.u32 $0xF, s30;
	v5 =	vld [tilespmem:s10+$0x0];
	[tilespmem:s26+$0xD0] =	vst v1  }
0x12f: {  	s14 =	sand.u32 $0xF, s14;
	s12 =	sand.u32 $0xF, s12;
	s24 =	smul.u32 $0x6, s24;
	[tilespmem:s26+$0xFFFFFFB0] =	vst v3;
	v3 =	vld [tilespmem:s23+$0x60]  }
0x130: {  	s13 =	sand.u32 $0xF, s13;
	s14 =	sadd.s32 s14, s19;
	s0 =	smul.u32 $0x6, s0;
	v6 =	vld [tilespmem:s20+$0x40];
	[tilespmem:s26+$0x30] =	vst v0  }
.Ltmp5:
0x131: {  	s9 =	sadd.s32 s13, s9;
	s2 =	sadd.s32 s12, s2;
	v1 =	vld [tilespmem:s21+$0x40];
	[tilespmem:s16+$0xFFFFFF70] =	vst v2;
	(pc) =	sbr.rel @p1 .LBB2_9-.Ltmp5, $4  }
0x132: {  	s7 =	smul.u32 $0x6, s7;
	s12 =	sadd.s32 s24, s14;
	s26 =	sadd.s32 $0x200, s26;
	v0 =	vld [tilespmem:s31+$0x40];
	[tilespmem:s16+$0xFFFFFFF0] =	vst v4  }
0x133: {  	s12 =	sshll.u32 s12, $0x9;
	s0 =	sadd.s32 s0, s2;
	[tilespmem:s26+$0x80] =	vst v5;
	v2 =	vld [tilespmem:s18+$0x70];
	s18 =	smov.u32 s31  }
0x134: {  	s7 =	sadd.s32 s7, s9;
	s2 =	sshra.s32 s12, $0x2;
	s0 =	sshll.u32 s0, $0x9;
	v4 =	vld [tilespmem:s10+$0x10];
	[tilespmem:s17+$0xE0] =	vst v3  }
0x135: {  	s25 =	sadd.s32 $0x4, s25;
	s0 =	sshra.s32 s0, $0x2;
	s31 =	sshll.u32 s7, $0x9;
	[tilespmem:s17+$0xFFFFFF40] =	vst v6;
	v3 =	vld [tilespmem:s23+$0x70]  }
0x136: {  	v5 =	vld [tilespmem:s2+$0x0]  }
0x137: {  	s23 =	sshra.s32 s31, $0x2;
	v6 =	vld [tilespmem:s0+$0x0]  }
0x138: {  	v7 =	vld [tilespmem:s23+$0x0];
	_ =	sdelay $0x2  }
0x139: {  	[tilespmem:s26+$0xFFFFFF00] =	vst v5  }
0x13a: {  	[tilespmem:s26+$0xFFFFFF80] =	vst v6;
	v5 =	vld [tilespmem:s2+$0x10]  }
0x13b: {  	v6 =	vld [tilespmem:s0+$0x10];
	[tilespmem:s26+$0x0] =	vst v7  }
0x13c: {  	[tilespmem:s26+$0x90] =	vst v4;
	v7 =	vld [tilespmem:s23+$0x10]  }
0x13d: {  	[tilespmem:s17+$0xFFFFFFC0] =	vst v1;
	v1 =	vld [tilespmem:s10+$0x20]  }
0x13e: {  	[tilespmem:s17+$0x40] =	vst v0  }
0x13f: {  	[tilespmem:s26+$0xFFFFFF10] =	vst v5  }
0x140: {  	[tilespmem:s26+$0xFFFFFF90] =	vst v6;
	v4 =	vld [tilespmem:s2+$0x20]  }
0x141: {  	v5 =	vld [tilespmem:s0+$0x20];
	[tilespmem:s26+$0x10] =	vst v7  }
0x142: {  	[tilespmem:s26+$0xA0] =	vst v1;
	v0 =	vld [tilespmem:s23+$0x20]  }
0x143: {  	[tilespmem:s16+$0x70] =	vst v2;
	v1 =	vld [tilespmem:s10+$0x30]  }
0x144: {  	v2 =	vld [tilespmem:s20+$0x50];
	[tilespmem:s17+$0xF0] =	vst v3  }
0x145: {  	v3 =	vld [tilespmem:s21+$0x50];
	[tilespmem:s26+$0xFFFFFF20] =	vst v4  }
0x146: {  	[tilespmem:s26+$0xFFFFFFA0] =	vst v5;
	v4 =	vld [tilespmem:s2+$0x30]  }
0x147: {  	v5 =	vld [tilespmem:s0+$0x30];
	[tilespmem:s26+$0x20] =	vst v0  }
0x148: {  	[tilespmem:s26+$0xB0] =	vst v1;
	v0 =	vld [tilespmem:s23+$0x30]  }
0x149: {  	[tilespmem:s17+$0xFFFFFF50] =	vst v2;
	v1 =	vld [tilespmem:s10+$0x40]  }
0x14a: {  	[tilespmem:s17+$0xFFFFFFD0] =	vst v3  }
0x14b: {  	v2 =	vld [tilespmem:s18+$0x50];
	[tilespmem:s26+$0xFFFFFF30] =	vst v4  }
0x14c: {  	[tilespmem:s26+$0xFFFFFFB0] =	vst v5;
	v4 =	vld [tilespmem:s2+$0x40]  }
0x14d: {  	[tilespmem:s26+$0x30] =	vst v0;
	v0 =	vld [tilespmem:s0+$0x40]  }
0x14e: {  	[tilespmem:s26+$0xC0] =	vst v1;
	v3 =	vld [tilespmem:s23+$0x40]  }
0x14f: {  	v1 =	vld [tilespmem:s10+$0x50]  }
0x150: {  	[tilespmem:s17+$0x50] =	vst v2;
	v5 =	vld [tilespmem:s20+$0x60]  }
0x151: {  	v2 =	vld [tilespmem:s21+$0x60];
	[tilespmem:s26+$0xFFFFFF40] =	vst v4  }
0x152: {  	[tilespmem:s26+$0xFFFFFFC0] =	vst v0;
	v0 =	vld [tilespmem:s2+$0x50]  }
0x153: {  	[tilespmem:s26+$0x40] =	vst v3;
	v3 =	vld [tilespmem:s0+$0x50]  }
0x154: {  	[tilespmem:s26+$0xD0] =	vst v1;
	v4 =	vld [tilespmem:s23+$0x50]  }
0x155: {  	[tilespmem:s17+$0xFFFFFF60] =	vst v5;
	v5 =	vld [tilespmem:s18+$0x60]  }
0x156: {  	[tilespmem:s17+$0xFFFFFFE0] =	vst v2;
	v1 =	vld [tilespmem:s10+$0x60]  }
0x157: {  	v2 =	vld [tilespmem:s20+$0x70];
	[tilespmem:s26+$0xFFFFFF50] =	vst v0  }
0x158: {  	[tilespmem:s26+$0xFFFFFFD0] =	vst v3;
	v0 =	vld [tilespmem:s2+$0x60]  }
0x159: {  	[tilespmem:s26+$0x50] =	vst v4;
	v3 =	vld [tilespmem:s0+$0x60]  }
0x15a: {  	[tilespmem:s17+$0x60] =	vst v5;
	v4 =	vld [tilespmem:s23+$0x60]  }
0x15b: {  	v5 =	vld [tilespmem:s21+$0x70];
	[tilespmem:s26+$0xE0] =	vst v1  }
0x15c: {  	[tilespmem:s17+$0xFFFFFF70] =	vst v2;
	v2 =	vld [tilespmem:s18+$0x70]  }
0x15d: {  	v1 =	vld [tilespmem:s10+$0x70];
	[tilespmem:s26+$0xFFFFFF60] =	vst v0  }
0x15e: {  	[tilespmem:s26+$0xFFFFFFE0] =	vst v3;
	v0 =	vld [tilespmem:s2+$0x70]  }
0x15f: {  	[tilespmem:s26+$0x60] =	vst v4;
	v3 =	vld [tilespmem:s0+$0x70]  }
0x160: {  	[tilespmem:s17+$0xFFFFFFF0] =	vst v5;
	v4 =	vld [tilespmem:s23+$0x70]  }
0x161: {  	[tilespmem:s17+$0x70] =	vst v2  }
0x162: {  	[tilespmem:s26+$0xF0] =	vst v1  }
0x163: {  	[tilespmem:s26+$0xFFFFFF70] =	vst v0  }
0x164: {  	s20 =	sshll.u32 s22, $0x4;
	[tilespmem:s26+$0xFFFFFFF0] =	vst v3  }
0x165: {  	p1 =	seq.s32 s11, $0x18;
	s21 =	simm.s32 $0x6F80;
	s0 =	sadd.s32 s5, s20;
	[tilespmem:s26+$0x70] =	vst v4  }
0x166: {  	[hbm4b:s0+s6] =	stream.linear.scatter [tilespmem:s21], [sflag:$0x6], $0x5000, $0x38;
	[tilespmem:$0x1FF80] =	vst v63  }
0x167: {  	s0 =	sshrl.u32 @!p1 s22, $0x3  }
0x168: {  	s7 =	simm.s32 @!p1 $0x6C00;
	s0 =	sadd.s32 @!p1 s8, s0  }
0x169: {  	s2 =	simm.s32 @!p1 $0x0;
	s22 =	simm.s32 $0x2;
	s0 =	sadd.s32 @!p1 $0x64, s0  }
0x16a: {  	[tilespmem:s7], [sflag:$0x1] =	stream.linear.gather @!p1 [hbm4b:s0+s2], $0xA0, $0x38;
	[tilespmem:$0x1FF80] =	vst v63  }
0x16b: {  	_ =	swait.ge [sflag:s22], $0xA0  }
0x16c: {  	[sflag:s22] =	ssyncset.done $0x0  }
0x16d: {  	s0 =	simm.s32 @!p0 $0x7;
	[sflag:s22] =	ssyncadd.s32 $0xFFFFFF60  }
0x16e: {  	_ =	swait.ge @!p0 [sflag:s0], $0x5000  }
0x16f: {  	[sflag:s0] =	ssyncset.done @!p0 $0x0  }
0x170: {  	s23 =	simm.s32 $0x6CA3;
	[sflag:s0] =	ssyncadd.s32 @!p0 $0xFFFFB000  }
0x171: {  	v0 =	vld [tilespmem:s23+$0x0];
	_ =	sdelay $0x4  }
0x172: {  	(v2sf) =	vpush v0, $0x0;
	_ =	sdelay $0x3  }
0x173: {  	v0 =	vld [tilespmem:s23+$0xFFFFFFFE]  }
0x174: {  	v1 =	vld [tilespmem:s23+$0xFFFFFFFF]  }
0x175: {  	v2 =	vld [tilespmem:s23+$0xFFFFFFFD];
	_ =	sdelay $0x2  }
0x176: {  	(v2sf) =	vpush v0, $0x0  }
0x177: {  	(v2sf) =	vpush v1, $0x0  }
0x178: {  	(v2sf) =	vpush v2, $0x0;
	_ =	sdelay $0x3  }
0x179: {  	s24 =	spop (v2sf)  }
0x17a: {  	s20 =	simm.s32 $0x6CA7;
	s25 =	sshrl.u32 s24, $0x8;
	s26 =	sshrl.u32 s24, $0x4  }
0x17b: {  	v1 =	vld [tilespmem:s20+$0x0];
	s7 =	sand.u32 $0xF, s26;
	s2 =	smul.u32 $0x24, s25  }
0x17c: {  	s0 =	sand.u32 $0xF, s24;
	s7 =	smul.u32 $0x6, s7  }
0x17d: {  	s0 =	sadd.s32 s0, s2  }
0x17e: {  	s0 =	sadd.s32 s7, s0  }
0x17f: {  	s0 =	sshll.u32 s0, $0x9  }
0x180: {  	(v2sf) =	vpush v1, $0x0;
	s18 =	sshra.s32 s0, $0x2  }
0x181: {  	v0 =	vld [tilespmem:s18+$0x0]  }
0x182: {  	s16 =	simm.s32 $0xC080;
	s29 =	spop (v2sf)  }
0x183: {  	s30 =	spop (v2sf);
	s12 =	sshrl.u32 s29, $0x8;
	s13 =	sshrl.u32 s29, $0x4  }
0x184: {  	v2 =	vld [tilespmem:s20+$0xFFFFFFFE];
	s31 =	spop (v2sf);
	s14 =	sshrl.u32 s30, $0x8;
	s19 =	sshrl.u32 s30, $0x4  }
0x185: {  	v3 =	vld [tilespmem:s20+$0xFFFFFFFF];
	s12 =	smul.u32 $0x24, s12;
	s9 =	sshrl.u32 s31, $0x8;
	s17 =	sshrl.u32 s31, $0x4  }
0x186: {  	v6 =	vld [tilespmem:s20+$0xFFFFFFFD];
	s13 =	sand.u32 $0xF, s13;
	s9 =	smul.u32 $0x24, s9;
	s10 =	sand.u32 $0xF, s17;
	[tilespmem:s16+$0x80] =	vst v0  }
0x187: {  	s0 =	sand.u32 $0xF, s29;
	s7 =	sand.u32 $0xF, s31;
	s10 =	smul.u32 $0x6, s10;
	v0 =	vld [tilespmem:s18+$0x10]  }
0x188: {  	s2 =	sand.u32 $0xF, s30;
	s14 =	smul.u32 $0x24, s14;
	s7 =	sadd.s32 s7, s9  }
0x189: {  	(v2sf) =	vpush v2, $0x0;
	s19 =	sand.u32 $0xF, s19;
	s21 =	smul.u32 $0x6, s13;
	s7 =	sadd.s32 s10, s7  }
0x18a: {  	(v2sf) =	vpush v3, $0x0;
	s0 =	sadd.s32 s0, s12;
	s22 =	smul.u32 $0x6, s19;
	s7 =	sshll.u32 s7, $0x9  }
0x18b: {  	(v2sf) =	vpush v6, $0x0;
	s2 =	sadd.s32 s2, s14;
	s0 =	sadd.s32 s21, s0;
	s23 =	sshra.s32 s7, $0x2  }
0x18c: {  	s0 =	sshll.u32 s0, $0x9;
	s2 =	sadd.s32 s22, s2;
	v1 =	vld [tilespmem:s23+$0x0];
	[tilespmem:s16+$0x90] =	vst v0  }
0x18d: {  	s10 =	sshra.s32 s0, $0x2;
	s24 =	sshll.u32 s2, $0x9;
	v0 =	vld [tilespmem:s18+$0x20]  }
0x18e: {  	s22 =	sshra.s32 s24, $0x2;
	v4 =	vld [tilespmem:s10+$0x0]  }
0x18f: {  	v5 =	vld [tilespmem:s22+$0x0];
	s25 =	spop (v2sf)  }
0x190: {  	s26 =	sshrl.u32 s25, $0x8;
	s29 =	sshrl.u32 s25, $0x4  }
0x191: {  	s7 =	sand.u32 $0xF, s29;
	s2 =	smul.u32 $0x24, s26;
	[tilespmem:s16+$0xFFFFFF00] =	vst v1  }
0x192: {  	s0 =	sand.u32 $0xF, s25;
	s7 =	smul.u32 $0x6, s7;
	v1 =	vld [tilespmem:s23+$0x10];
	[tilespmem:s16+$0xA0] =	vst v0  }
0x193: {  	[tilespmem:s16+$0xFFFFFF80] =	vst v4;
	s0 =	sadd.s32 s0, s2;
	v0 =	vld [tilespmem:s18+$0x30]  }
0x194: {  	v2 =	vld [tilespmem:s10+$0x10];
	[tilespmem:s16+$0x0] =	vst v5;
	s0 =	sadd.s32 s7, s0  }
0x195: {  	s29 =	simm.s32 $0x6CAB;
	v3 =	vld [tilespmem:s22+$0x10];
	s0 =	sshll.u32 s0, $0x9  }
0x196: {  	v6 =	vld [tilespmem:s29+$0xFFFFFFFE];
	s31 =	sshra.s32 s0, $0x2  }
0x197: {  	v4 =	vld [tilespmem:s31+$0x0];
	[tilespmem:s16+$0xFFFFFF10] =	vst v1  }
0x198: {  	s0 =	spop (v2sf);
	v1 =	vld [tilespmem:s23+$0x20];
	[tilespmem:s16+$0xB0] =	vst v0  }
0x199: {  	s2 =	spop (v2sf);
	[tilespmem:s16+$0xFFFFFF90] =	vst v2;
	v0 =	vld [tilespmem:s18+$0x40]  }
0x19a: {  	s30 =	spop (v2sf);
	v2 =	vld [tilespmem:s10+$0x20];
	[tilespmem:s16+$0x10] =	vst v3  }
0x19b: {  	s17 =	simm.s32 $0xC280;
	s19 =	sshrl.u32 s30, $0x8;
	s20 =	sshrl.u32 s30, $0x4;
	v3 =	vld [tilespmem:s22+$0x20]  }
0x19c: {  	v7 =	vld [tilespmem:s29+$0xFFFFFFFF];
	s12 =	sand.u32 $0xF, s20;
	s9 =	smul.u32 $0x24, s19;
	[tilespmem:s17+$0x80] =	vst v4  }
0x19d: {  	s7 =	sand.u32 $0xF, s30;
	s12 =	smul.u32 $0x6, s12;
	v4 =	vld [tilespmem:s31+$0x10];
	[tilespmem:s16+$0xFFFFFF20] =	vst v1  }
0x19e: {  	s24 =	sshrl.u32 s0, $0x4;
	s7 =	sadd.s32 s7, s9;
	v1 =	vld [tilespmem:s23+$0x30];
	[tilespmem:s16+$0xC0] =	vst v0  }
0x19f: {  	s26 =	sshrl.u32 s2, $0x4;
	s14 =	sand.u32 $0xF, s24;
	s7 =	sadd.s32 s12, s7;
	[tilespmem:s16+$0xFFFFFFA0] =	vst v2;
	v0 =	vld [tilespmem:s18+$0x50]  }
0x1a0: {  	s30 =	smul.u32 $0x6, s14;
	s20 =	sand.u32 $0xF, s26;
	s7 =	sshll.u32 s7, $0x9;
	v2 =	vld [tilespmem:s10+$0x30];
	[tilespmem:s16+$0x20] =	vst v3  }
0x1a1: {  	s14 =	smul.u32 $0x6, s20;
	s20 =	sshra.s32 s7, $0x2;
	v3 =	vld [tilespmem:s22+$0x30]  }
0x1a2: {  	[tilespmem:s17+$0x90] =	vst v4;
	v4 =	vld [tilespmem:s20+$0x0]  }
0x1a3: {  	v5 =	vld [tilespmem:s29+$0x0];
	[tilespmem:s16+$0xFFFFFF30] =	vst v1  }
0x1a4: {  	s21 =	sshrl.u32 s0, $0x8;
	v1 =	vld [tilespmem:s23+$0x40];
	[tilespmem:s16+$0xD0] =	vst v0  }
0x1a5: {  	s13 =	smul.u32 $0x24, s21;
	[tilespmem:s16+$0xFFFFFFB0] =	vst v2;
	v0 =	vld [tilespmem:s18+$0x60]  }
0x1a6: {  	s0 =	sand.u32 $0xF, s0;
	s25 =	sshrl.u32 s2, $0x8;
	[tilespmem:s16+$0x30] =	vst v3;
	v2 =	vld [tilespmem:s10+$0x40]  }
0x1a7: {  	s19 =	smul.u32 $0x24, s25;
	s0 =	sadd.s32 s0, s13;
	v3 =	vld [tilespmem:s22+$0x40];
	[tilespmem:s17+$0xFFFFFF00] =	vst v4  }
0x1a8: {  	s2 =	sand.u32 $0xF, s2;
	(v2sf) =	vpush v5, $0x0;
	s0 =	sadd.s32 s30, s0;
	v5 =	vld [tilespmem:s20+$0x10]  }
0x1a9: {  	s2 =	sadd.s32 s2, s19;
	s0 =	sshll.u32 s0, $0x9;
	[tilespmem:s16+$0xFFFFFF40] =	vst v1;
	v1 =	vld [tilespmem:s31+$0x20]  }
0x1aa: {  	s2 =	sadd.s32 s14, s2;
	s21 =	sshra.s32 s0, $0x2;
	[tilespmem:s16+$0xE0] =	vst v0;
	v0 =	vld [tilespmem:s29+$0xFFFFFFFD]  }
0x1ab: {  	s19 =	sshll.u32 s2, $0x9;
	[tilespmem:s16+$0xFFFFFFC0] =	vst v2;
	v2 =	vld [tilespmem:s21+$0x0]  }
0x1ac: {  	(v2sf) =	vpush v6, $0x0;
	v8 =	vld [tilespmem:s18+$0x70];
	s18 =	sshra.s32 s19, $0x2  }
0x1ad: {  	(v2sf) =	vpush v7, $0x0;
	[tilespmem:s16+$0x40] =	vst v3;
	v3 =	vld [tilespmem:s18+$0x0]  }
0x1ae: {  	v4 =	vld [tilespmem:s10+$0x50];
	[tilespmem:s17+$0xA0] =	vst v1  }
0x1af: {  	[tilespmem:s17+$0xFFFFFF10] =	vst v5;
	v1 =	vld [tilespmem:s31+$0x30];
	(v2sf) =	vpush v0, $0x0  }
0x1b0: {  	v5 =	vld [tilespmem:s20+$0x20]  }
0x1b1: {  	[tilespmem:s17+$0xFFFFFF80] =	vst v2;
	v0 =	vld [tilespmem:s23+$0x50]  }
0x1b2: {  	v2 =	vld [tilespmem:s21+$0x10];
	[tilespmem:s17+$0x0] =	vst v3  }
0x1b3: {  	[tilespmem:s16+$0xFFFFFFD0] =	vst v4;
	v3 =	vld [tilespmem:s18+$0x10]  }
0x1b4: {  	[tilespmem:s17+$0xB0] =	vst v1  }
0x1b5: {  	[tilespmem:s17+$0xFFFFFF20] =	vst v5;
	v1 =	vld [tilespmem:s31+$0x40]  }
0x1b6: {  	[tilespmem:s16+$0xFFFFFF50] =	vst v0;
	v0 =	vld [tilespmem:s22+$0x50]  }
0x1b7: {  	[tilespmem:s17+$0xFFFFFF90] =	vst v2;
	v4 =	vld [tilespmem:s23+$0x60]  }
0x1b8: {  	v2 =	vld [tilespmem:s21+$0x20];
	[tilespmem:s17+$0x10] =	vst v3  }
0x1b9: {  	s24 =	spop (v2sf);
	[tilespmem:s16+$0xF0] =	vst v8;
	v3 =	vld [tilespmem:s18+$0x20]  }
0x1ba: {  	s25 =	sshrl.u32 s24, $0x8;
	s26 =	sshrl.u32 s24, $0x4;
	v5 =	vld [tilespmem:s20+$0x30];
	[tilespmem:s17+$0xC0] =	vst v1  }
0x1bb: {  	s2 =	spop (v2sf);
	s9 =	sand.u32 $0xF, s26;
	s7 =	smul.u32 $0x24, s25;
	[tilespmem:s16+$0x50] =	vst v0;
	v0 =	vld [tilespmem:s10+$0x60]  }
0x1bc: {  	s0 =	sand.u32 $0xF, s24;
	s12 =	spop (v2sf);
	s9 =	smul.u32 $0x6, s9;
	[tilespmem:s16+$0xFFFFFF60] =	vst v4;
	v4 =	vld [tilespmem:s22+$0x60]  }
0x1bd: {  	s24 =	sshrl.u32 s2, $0x8;
	s25 =	sshrl.u32 s2, $0x4;
	s0 =	sadd.s32 s0, s7;
	[tilespmem:s17+$0xFFFFFFA0] =	vst v2;
	v1 =	vld [tilespmem:s31+$0x50]  }
0x1be: {  	s0 =	sadd.s32 s9, s0;
	s9 =	sand.u32 $0xF, s25;
	v2 =	vld [tilespmem:s21+$0x30];
	[tilespmem:s17+$0x20] =	vst v3;
	s29 =	spop (v2sf)  }
0x1bf: {  	s0 =	sshll.u32 s0, $0x9;
	s9 =	smul.u32 $0x6, s9;
	[tilespmem:s17+$0xFFFFFF30] =	vst v5;
	v3 =	vld [tilespmem:s18+$0x30];
	s30 =	sshrl.u32 s29, $0x8  }
0x1c0: {  	[tilespmem:s16+$0xFFFFFFE0] =	vst v0;
	v0 =	vld [tilespmem:s23+$0x70];
	s19 =	sshrl.u32 s29, $0x4;
	s13 =	sand.u32 $0xF, s29;
	s29 =	smul.u32 $0x24, s24  }
0x1c1: {  	s26 =	sshrl.u32 s12, $0x8;
	s28 =	sshra.s32 s0, $0x2;
	[tilespmem:s16+$0x60] =	vst v4;
	v4 =	vld [tilespmem:s10+$0x70];
	s14 =	smul.u32 $0x24, s30  }
0x1c2: {  	s2 =	sand.u32 $0xF, s2;
	v5 =	vld [tilespmem:s28+$0x0];
	[tilespmem:s17+$0xD0] =	vst v1;
	s24 =	smul.u32 $0x24, s26;
	s26 =	simm.s32 $0xC480  }
0x1c3: {  	[tilespmem:s17+$0xFFFFFFB0] =	vst v2;
	v6 =	vld [tilespmem:s31+$0x60];
	s19 =	sand.u32 $0xF, s19;
	s0 =	sadd.s32 s2, s29;
	s30 =	sadd.s32 s13, s14  }
0x1c4: {  	v7 =	vld [tilespmem:s20+$0x40];
	s14 =	sshrl.u32 s12, $0x4;
	s13 =	smul.u32 $0x6, s19;
	s12 =	sand.u32 $0xF, s12;
	[tilespmem:s17+$0x30] =	vst v3  }
0x1c5: {  	v1 =	vld [tilespmem:s21+$0x40];
	s0 =	sadd.s32 s9, s0;
	s10 =	sand.u32 $0xF, s14;
	s25 =	sadd.s32 s12, s24;
	[tilespmem:s16+$0xFFFFFF70] =	vst v0  }
0x1c6: {  	s0 =	sshll.u32 s0, $0x9;
	s10 =	smul.u32 $0x6, s10;
	s7 =	sadd.s32 s13, s30;
	[tilespmem:s16+$0xFFFFFFF0] =	vst v4;
	v2 =	vld [tilespmem:s18+$0x40]  }
0x1c7: {  	v0 =	vld [tilespmem:s22+$0x70];
	s0 =	sshra.s32 s0, $0x2;
	s29 =	rddreg [dreg:$0x7];
	s7 =	sshll.u32 s7, $0x9;
	[tilespmem:s26+$0x80] =	vst v5  }
0x1c8: {  	[tilespmem:s17+$0xE0] =	vst v6;
	s22 =	sadd.s32 s15, s29;
	s30 =	sadd.s32 s10, s25;
	s25 =	simm.s32 $0x8;
	v4 =	vld [tilespmem:s28+$0x10]  }
0x1c9: {  	[tilespmem:s17+$0xFFFFFF40] =	vst v7;
	s2 =	sshra.s32 s7, $0x2;
	v3 =	vld [tilespmem:s31+$0x70];
	s10 =	simm.s32 $0x6CAF;
	s19 =	sshll.u32 s30, $0x9  }
.LBB2_11:
0x1ca: {  	v5 =	vld [tilespmem:s10+$0x0];
	s31 =	sshra.s32 s19, $0x2;
	[tilespmem:s17+$0xFFFFFFC0] =	vst v1;
	s23 =	smov.u32 s28;
	s28 =	smov.u32 s20  }
0x1cb: {  	s25 =	sadd.s32 $0x4, s25;
	s20 =	smov.u32 s2;
	s2 =	smov.u32 s21;
	v1 =	vld [tilespmem:s10+$0xFFFFFFFE];
	[tilespmem:s17+$0x40] =	vst v2  }
0x1cc: {  	p2 =	slt.u32 s25, $0x9C;
	v2 =	vld [tilespmem:s10+$0xFFFFFFFF];
	[tilespmem:s16+$0x70] =	vst v0;
	s16 =	smov.u32 s17;
	s17 =	smov.u32 s26  }
0x1cd: {  	s21 =	smov.u32 s0;
	v0 =	vld [tilespmem:s10+$0xFFFFFFFD];
	[tilespmem:s26+$0x90] =	vst v4  }
0x1ce: {  	v4 =	vld [tilespmem:s20+$0x0];
	[tilespmem:s16+$0xF0] =	vst v3  }
0x1cf: {  	(v2sf) =	vpush v5, $0x0;
	v3 =	vld [tilespmem:s23+$0x20]  }
0x1d0: {  	(v2sf) =	vpush v1, $0x0;
	v1 =	vld [tilespmem:s21+$0x0]  }
0x1d1: {  	(v2sf) =	vpush v2, $0x0;
	v2 =	vld [tilespmem:s31+$0x0]  }
0x1d2: {  	(v2sf) =	vpush v0, $0x0;
	v0 =	vld [tilespmem:s28+$0x50]  }
0x1d3: {  	[tilespmem:s26+$0xFFFFFF00] =	vst v4;
	v4 =	vld [tilespmem:s2+$0x50]  }
0x1d4: {  	v5 =	vld [tilespmem:s20+$0x10];
	[tilespmem:s26+$0xA0] =	vst v3  }
0x1d5: {  	[tilespmem:s26+$0xFFFFFF80] =	vst v1;
	v1 =	vld [tilespmem:s23+$0x30]  }
0x1d6: {  	v3 =	vld [tilespmem:s21+$0x10];
	[tilespmem:s26+$0x0] =	vst v2  }
0x1d7: {  	v2 =	vld [tilespmem:s31+$0x10];
	[tilespmem:s16+$0xFFFFFF50] =	vst v0  }
0x1d8: {  	[tilespmem:s16+$0xFFFFFFD0] =	vst v4;
	v0 =	vld [tilespmem:s18+$0x50]  }
0x1d9: {  	[tilespmem:s26+$0xFFFFFF10] =	vst v5;
	v4 =	vld [tilespmem:s28+$0x60]  }
0x1da: {  	v5 =	vld [tilespmem:s20+$0x20];
	[tilespmem:s26+$0xB0] =	vst v1  }
0x1db: {  	[tilespmem:s26+$0xFFFFFF90] =	vst v3;
	v1 =	vld [tilespmem:s23+$0x40]  }
0x1dc: {  	v3 =	vld [tilespmem:s21+$0x20];
	[tilespmem:s26+$0x10] =	vst v2  }
0x1dd: {  	v2 =	vld [tilespmem:s31+$0x20];
	[tilespmem:s16+$0x50] =	vst v0  }
0x1de: {  	s0 =	spop (v2sf)  }
0x1df: {  	[tilespmem:s16+$0xFFFFFF60] =	vst v4;
	v0 =	vld [tilespmem:s2+$0x60];
	s7 =	sshrl.u32 s0, $0x8  }
0x1e0: {  	s9 =	sshrl.u32 s0, $0x4;
	s12 =	spop (v2sf);
	[tilespmem:s26+$0xFFFFFF20] =	vst v5;
	v4 =	vld [tilespmem:s18+$0x60];
	s0 =	sand.u32 $0xF, s0  }
0x1e1: {  	s9 =	sand.u32 $0xF, s9;
	s7 =	smul.u32 $0x24, s7;
	s13 =	spop (v2sf);
	v5 =	vld [tilespmem:s20+$0x30];
	[tilespmem:s26+$0xC0] =	vst v1  }
0x1e2: {  	s29 =	sshrl.u32 s12, $0x4;
	s9 =	smul.u32 $0x6, s9;
	s14 =	spop (v2sf);
	[tilespmem:s26+$0xFFFFFFA0] =	vst v3;
	v1 =	vld [tilespmem:s23+$0x50]  }
0x1e3: {  	s19 =	sshrl.u32 s14, $0x8;
	s24 =	sshrl.u32 s14, $0x4;
	s0 =	sadd.s32 s0, s7;
	v3 =	vld [tilespmem:s21+$0x30];
	[tilespmem:s26+$0x20] =	vst v2  }
0x1e4: {  	s30 =	sshrl.u32 s13, $0x4;
	s7 =	sshrl.u32 s12, $0x8;
	s0 =	sadd.s32 s9, s0;
	v2 =	vld [tilespmem:s31+$0x30];
	[tilespmem:s16+$0xFFFFFFE0] =	vst v0  }
0x1e5: {  	s9 =	sshrl.u32 s13, $0x8;
	s19 =	smul.u32 $0x24, s19;
	s0 =	sshll.u32 s0, $0x9;
	v0 =	vld [tilespmem:s28+$0x70];
	[tilespmem:s16+$0x60] =	vst v4  }
0x1e6: {  	s24 =	sand.u32 $0xF, s24;
	s9 =	smul.u32 $0x24, s9;
	s28 =	sshra.s32 s0, $0x2;
	[tilespmem:s26+$0xFFFFFF30] =	vst v5;
	v4 =	vld [tilespmem:s2+$0x70]  }
0x1e7: {  	s0 =	sand.u32 $0xF, s29;
	s2 =	smul.u32 $0x24, s7;
	s7 =	sand.u32 $0xF, s30;
	v5 =	vld [tilespmem:s28+$0x0];
	[tilespmem:s26+$0xD0] =	vst v1  }
0x1e8: {  	s14 =	sand.u32 $0xF, s14;
	s12 =	sand.u32 $0xF, s12;
	s24 =	smul.u32 $0x6, s24;
	[tilespmem:s26+$0xFFFFFFB0] =	vst v3;
	v3 =	vld [tilespmem:s23+$0x60]  }
0x1e9: {  	s13 =	sand.u32 $0xF, s13;
	s14 =	sadd.s32 s14, s19;
	s0 =	smul.u32 $0x6, s0;
	v6 =	vld [tilespmem:s20+$0x40];
	[tilespmem:s26+$0x30] =	vst v2  }
.Ltmp6:
0x1ea: {  	s9 =	sadd.s32 s13, s9;
	s2 =	sadd.s32 s12, s2;
	v1 =	vld [tilespmem:s21+$0x40];
	[tilespmem:s16+$0xFFFFFF70] =	vst v0;
	(pc) =	sbr.rel @p2 .LBB2_11-.Ltmp6, $4  }
0x1eb: {  	s7 =	smul.u32 $0x6, s7;
	s12 =	sadd.s32 s24, s14;
	s26 =	sadd.s32 $0x200, s26;
	v2 =	vld [tilespmem:s31+$0x40];
	[tilespmem:s16+$0xFFFFFFF0] =	vst v4  }
0x1ec: {  	s12 =	sshll.u32 s12, $0x9;
	s0 =	sadd.s32 s0, s2;
	[tilespmem:s26+$0x80] =	vst v5;
	v0 =	vld [tilespmem:s18+$0x70];
	s18 =	smov.u32 s31  }
0x1ed: {  	s7 =	sadd.s32 s7, s9;
	s2 =	sshra.s32 s12, $0x2;
	s0 =	sshll.u32 s0, $0x9;
	v4 =	vld [tilespmem:s28+$0x10];
	[tilespmem:s17+$0xE0] =	vst v3  }
0x1ee: {  	s10 =	sadd.s32 $0x4, s10;
	s19 =	sshll.u32 s7, $0x9;
	s0 =	sshra.s32 s0, $0x2;
	[tilespmem:s17+$0xFFFFFF40] =	vst v6;
	v3 =	vld [tilespmem:s23+$0x70]  }
0x1ef: {  	v5 =	vld [tilespmem:s2+$0x0]  }
0x1f0: {  	s10 =	sshra.s32 s19, $0x2;
	v6 =	vld [tilespmem:s0+$0x0]  }
0x1f1: {  	v7 =	vld [tilespmem:s10+$0x0];
	_ =	sdelay $0x2  }
0x1f2: {  	[tilespmem:s26+$0xFFFFFF00] =	vst v5  }
0x1f3: {  	[tilespmem:s26+$0xFFFFFF80] =	vst v6;
	v5 =	vld [tilespmem:s2+$0x10]  }
0x1f4: {  	v6 =	vld [tilespmem:s0+$0x10];
	[tilespmem:s26+$0x0] =	vst v7  }
0x1f5: {  	[tilespmem:s26+$0x90] =	vst v4;
	v7 =	vld [tilespmem:s10+$0x10]  }
0x1f6: {  	[tilespmem:s17+$0xFFFFFFC0] =	vst v1;
	v1 =	vld [tilespmem:s28+$0x20]  }
0x1f7: {  	[tilespmem:s17+$0x40] =	vst v2  }
0x1f8: {  	[tilespmem:s26+$0xFFFFFF10] =	vst v5  }
0x1f9: {  	[tilespmem:s26+$0xFFFFFF90] =	vst v6;
	v4 =	vld [tilespmem:s2+$0x20]  }
0x1fa: {  	v5 =	vld [tilespmem:s0+$0x20];
	[tilespmem:s26+$0x10] =	vst v7  }
0x1fb: {  	[tilespmem:s26+$0xA0] =	vst v1;
	v2 =	vld [tilespmem:s10+$0x20]  }
0x1fc: {  	[tilespmem:s16+$0x70] =	vst v0;
	v1 =	vld [tilespmem:s28+$0x30]  }
0x1fd: {  	v0 =	vld [tilespmem:s20+$0x50];
	[tilespmem:s17+$0xF0] =	vst v3  }
0x1fe: {  	v3 =	vld [tilespmem:s21+$0x50];
	[tilespmem:s26+$0xFFFFFF20] =	vst v4  }
0x1ff: {  	[tilespmem:s26+$0xFFFFFFA0] =	vst v5;
	v4 =	vld [tilespmem:s2+$0x30]  }
0x200: {  	v5 =	vld [tilespmem:s0+$0x30];
	[tilespmem:s26+$0x20] =	vst v2  }
0x201: {  	[tilespmem:s26+$0xB0] =	vst v1;
	v2 =	vld [tilespmem:s10+$0x30]  }
0x202: {  	[tilespmem:s17+$0xFFFFFF50] =	vst v0;
	v1 =	vld [tilespmem:s28+$0x40]  }
0x203: {  	[tilespmem:s17+$0xFFFFFFD0] =	vst v3  }
0x204: {  	v0 =	vld [tilespmem:s18+$0x50];
	[tilespmem:s26+$0xFFFFFF30] =	vst v4  }
0x205: {  	[tilespmem:s26+$0xFFFFFFB0] =	vst v5;
	v4 =	vld [tilespmem:s2+$0x40]  }
0x206: {  	[tilespmem:s26+$0x30] =	vst v2;
	v2 =	vld [tilespmem:s0+$0x40]  }
0x207: {  	[tilespmem:s26+$0xC0] =	vst v1;
	v3 =	vld [tilespmem:s10+$0x40]  }
0x208: {  	v1 =	vld [tilespmem:s28+$0x50]  }
0x209: {  	[tilespmem:s17+$0x50] =	vst v0;
	v5 =	vld [tilespmem:s20+$0x60]  }
0x20a: {  	v0 =	vld [tilespmem:s21+$0x60];
	[tilespmem:s26+$0xFFFFFF40] =	vst v4  }
0x20b: {  	[tilespmem:s26+$0xFFFFFFC0] =	vst v2;
	v2 =	vld [tilespmem:s2+$0x50]  }
0x20c: {  	[tilespmem:s26+$0x40] =	vst v3;
	v3 =	vld [tilespmem:s0+$0x50]  }
0x20d: {  	[tilespmem:s26+$0xD0] =	vst v1;
	v4 =	vld [tilespmem:s10+$0x50]  }
0x20e: {  	[tilespmem:s17+$0xFFFFFF60] =	vst v5;
	v5 =	vld [tilespmem:s18+$0x60]  }
0x20f: {  	[tilespmem:s17+$0xFFFFFFE0] =	vst v0;
	v1 =	vld [tilespmem:s28+$0x60]  }
0x210: {  	v0 =	vld [tilespmem:s20+$0x70];
	[tilespmem:s26+$0xFFFFFF50] =	vst v2  }
0x211: {  	[tilespmem:s26+$0xFFFFFFD0] =	vst v3;
	v2 =	vld [tilespmem:s2+$0x60]  }
0x212: {  	[tilespmem:s26+$0x50] =	vst v4;
	v3 =	vld [tilespmem:s0+$0x60]  }
0x213: {  	[tilespmem:s17+$0x60] =	vst v5;
	v4 =	vld [tilespmem:s10+$0x60]  }
0x214: {  	v5 =	vld [tilespmem:s21+$0x70];
	[tilespmem:s26+$0xE0] =	vst v1  }
0x215: {  	[tilespmem:s17+$0xFFFFFF70] =	vst v0;
	v0 =	vld [tilespmem:s18+$0x70]  }
0x216: {  	v1 =	vld [tilespmem:s28+$0x70];
	[tilespmem:s26+$0xFFFFFF60] =	vst v2  }
0x217: {  	[tilespmem:s26+$0xFFFFFFE0] =	vst v3;
	v2 =	vld [tilespmem:s2+$0x70]  }
0x218: {  	[tilespmem:s26+$0x60] =	vst v4;
	v3 =	vld [tilespmem:s0+$0x70]  }
0x219: {  	[tilespmem:s17+$0xFFFFFFF0] =	vst v5;
	v4 =	vld [tilespmem:s10+$0x70]  }
0x21a: {  	[tilespmem:s17+$0x70] =	vst v0  }
0x21b: {  	[tilespmem:s26+$0xF0] =	vst v1  }
0x21c: {  	[tilespmem:s26+$0xFFFFFF70] =	vst v2  }
0x21d: {  	s19 =	sshll.u32 s22, $0x4;
	[tilespmem:s26+$0xFFFFFFF0] =	vst v3  }
0x21e: {  	s20 =	simm.s32 $0xBF80;
	s0 =	sadd.s32 s5, s19;
	[tilespmem:s26+$0x70] =	vst v4  }
0x21f: {  	[hbm4b:s0+s6] =	stream.linear.scatter [tilespmem:s20], [sflag:$0x7], $0x5000, $0x38;
	[tilespmem:$0x1FF80] =	vst v63  }
0x220: {  	s0 =	sshrl.u32 @!p1 s22, $0x3  }
0x221: {  	s0 =	sadd.s32 @!p1 s8, s0  }
0x222: {  	s7 =	simm.s32 @!p1 $0x6CA0;
	s2 =	simm.s32 @!p1 $0x0;
	s0 =	sadd.s32 @!p1 $0x64, s0  }
0x223: {  	[tilespmem:s7], [sflag:$0x2] =	stream.linear.gather @!p1 [hbm4b:s0+s2], $0xA0, $0x38;
	[tilespmem:$0x1FF80] =	vst v63  }
0x224: {  	_ =	swait.ge [sflag:s3], $0xA0  }
0x225: {  	[sflag:s3] =	ssyncset.done $0x0  }
0x226: {  	s0 =	simm.s32 @!p0 $0x8;
	[sflag:s3] =	ssyncadd.s32 $0xFFFFFF60  }
0x227: {  	_ =	swait.ge @!p0 [sflag:s0], $0x5000  }
0x228: {  	[sflag:s0] =	ssyncset.done @!p0 $0x0  }
0x229: {  	s21 =	simm.s32 $0x6D43;
	[sflag:s0] =	ssyncadd.s32 @!p0 $0xFFFFB000  }
0x22a: {  	v0 =	vld [tilespmem:s21+$0x0];
	_ =	sdelay $0x4  }
0x22b: {  	(v2sf) =	vpush v0, $0x0;
	_ =	sdelay $0x3  }
0x22c: {  	v0 =	vld [tilespmem:s21+$0xFFFFFFFE]  }
0x22d: {  	v1 =	vld [tilespmem:s21+$0xFFFFFFFF]  }
0x22e: {  	v2 =	vld [tilespmem:s21+$0xFFFFFFFD];
	_ =	sdelay $0x2  }
0x22f: {  	(v2sf) =	vpush v0, $0x0  }
0x230: {  	(v2sf) =	vpush v1, $0x0  }
0x231: {  	(v2sf) =	vpush v2, $0x0;
	_ =	sdelay $0x3  }
0x232: {  	s22 =	spop (v2sf)  }
0x233: {  	s31 =	simm.s32 $0x6D47;
	s23 =	sshrl.u32 s22, $0x8;
	s24 =	sshrl.u32 s22, $0x4  }
0x234: {  	v1 =	vld [tilespmem:s31+$0x0];
	s7 =	sand.u32 $0xF, s24;
	s2 =	smul.u32 $0x24, s23  }
0x235: {  	s0 =	sand.u32 $0xF, s22;
	s7 =	smul.u32 $0x6, s7  }
0x236: {  	s0 =	sadd.s32 s0, s2  }
0x237: {  	s0 =	sadd.s32 s7, s0  }
0x238: {  	s0 =	sshll.u32 s0, $0x9  }
0x239: {  	(v2sf) =	vpush v1, $0x0;
	s18 =	sshra.s32 s0, $0x2  }
0x23a: {  	v0 =	vld [tilespmem:s18+$0x0]  }
0x23b: {  	s16 =	simm.s32 $0x11080;
	s25 =	spop (v2sf)  }
0x23c: {  	s26 =	spop (v2sf);
	s12 =	sshrl.u32 s25, $0x8;
	s13 =	sshrl.u32 s25, $0x4  }
0x23d: {  	v2 =	vld [tilespmem:s31+$0xFFFFFFFE];
	s29 =	spop (v2sf);
	s14 =	sshrl.u32 s26, $0x8;
	s20 =	sshrl.u32 s26, $0x4  }
0x23e: {  	v3 =	vld [tilespmem:s31+$0xFFFFFFFF];
	s12 =	smul.u32 $0x24, s12;
	s9 =	sshrl.u32 s29, $0x8;
	s30 =	sshrl.u32 s29, $0x4  }
0x23f: {  	v6 =	vld [tilespmem:s31+$0xFFFFFFFD];
	s13 =	sand.u32 $0xF, s13;
	s9 =	smul.u32 $0x24, s9;
	s10 =	sand.u32 $0xF, s30;
	[tilespmem:s16+$0x80] =	vst v0  }
0x240: {  	s0 =	sand.u32 $0xF, s25;
	s7 =	sand.u32 $0xF, s29;
	s10 =	smul.u32 $0x6, s10;
	v0 =	vld [tilespmem:s18+$0x10]  }
0x241: {  	s2 =	sand.u32 $0xF, s26;
	s14 =	smul.u32 $0x24, s14;
	s7 =	sadd.s32 s7, s9  }
0x242: {  	(v2sf) =	vpush v2, $0x0;
	s19 =	sand.u32 $0xF, s20;
	s21 =	smul.u32 $0x6, s13;
	s7 =	sadd.s32 s10, s7  }
0x243: {  	(v2sf) =	vpush v3, $0x0;
	s0 =	sadd.s32 s0, s12;
	s22 =	smul.u32 $0x6, s19;
	s7 =	sshll.u32 s7, $0x9  }
0x244: {  	(v2sf) =	vpush v6, $0x0;
	s2 =	sadd.s32 s2, s14;
	s0 =	sadd.s32 s21, s0;
	s23 =	sshra.s32 s7, $0x2  }
0x245: {  	s0 =	sshll.u32 s0, $0x9;
	s2 =	sadd.s32 s22, s2;
	v1 =	vld [tilespmem:s23+$0x0];
	[tilespmem:s16+$0x90] =	vst v0  }
0x246: {  	s10 =	sshra.s32 s0, $0x2;
	s24 =	sshll.u32 s2, $0x9;
	v0 =	vld [tilespmem:s18+$0x20]  }
0x247: {  	s22 =	sshra.s32 s24, $0x2;
	v4 =	vld [tilespmem:s10+$0x0]  }
0x248: {  	v5 =	vld [tilespmem:s22+$0x0];
	s25 =	spop (v2sf)  }
0x249: {  	s26 =	sshrl.u32 s25, $0x8;
	s29 =	sshrl.u32 s25, $0x4  }
0x24a: {  	s7 =	sand.u32 $0xF, s29;
	s2 =	smul.u32 $0x24, s26;
	[tilespmem:s16+$0xFFFFFF00] =	vst v1  }
0x24b: {  	s0 =	sand.u32 $0xF, s25;
	s7 =	smul.u32 $0x6, s7;
	v1 =	vld [tilespmem:s23+$0x10];
	[tilespmem:s16+$0xA0] =	vst v0  }
0x24c: {  	[tilespmem:s16+$0xFFFFFF80] =	vst v4;
	s0 =	sadd.s32 s0, s2;
	v0 =	vld [tilespmem:s18+$0x30]  }
0x24d: {  	v2 =	vld [tilespmem:s10+$0x10];
	[tilespmem:s16+$0x0] =	vst v5;
	s0 =	sadd.s32 s7, s0  }
0x24e: {  	s29 =	simm.s32 $0x6D4B;
	v3 =	vld [tilespmem:s22+$0x10];
	s0 =	sshll.u32 s0, $0x9  }
0x24f: {  	v6 =	vld [tilespmem:s29+$0xFFFFFFFE];
	s31 =	sshra.s32 s0, $0x2  }
0x250: {  	v4 =	vld [tilespmem:s31+$0x0];
	[tilespmem:s16+$0xFFFFFF10] =	vst v1  }
0x251: {  	s0 =	spop (v2sf);
	v1 =	vld [tilespmem:s23+$0x20];
	[tilespmem:s16+$0xB0] =	vst v0  }
0x252: {  	s2 =	spop (v2sf);
	[tilespmem:s16+$0xFFFFFF90] =	vst v2;
	v0 =	vld [tilespmem:s18+$0x40]  }
0x253: {  	s30 =	spop (v2sf);
	v2 =	vld [tilespmem:s10+$0x20];
	[tilespmem:s16+$0x10] =	vst v3  }
0x254: {  	s17 =	simm.s32 $0x11280;
	s19 =	sshrl.u32 s30, $0x8;
	s20 =	sshrl.u32 s30, $0x4;
	v3 =	vld [tilespmem:s22+$0x20]  }
0x255: {  	v7 =	vld [tilespmem:s29+$0xFFFFFFFF];
	s12 =	sand.u32 $0xF, s20;
	s9 =	smul.u32 $0x24, s19;
	[tilespmem:s17+$0x80] =	vst v4  }
0x256: {  	s7 =	sand.u32 $0xF, s30;
	s12 =	smul.u32 $0x6, s12;
	v4 =	vld [tilespmem:s31+$0x10];
	[tilespmem:s16+$0xFFFFFF20] =	vst v1  }
0x257: {  	s24 =	sshrl.u32 s0, $0x4;
	s7 =	sadd.s32 s7, s9;
	v1 =	vld [tilespmem:s23+$0x30];
	[tilespmem:s16+$0xC0] =	vst v0  }
0x258: {  	s26 =	sshrl.u32 s2, $0x4;
	s14 =	sand.u32 $0xF, s24;
	s7 =	sadd.s32 s12, s7;
	[tilespmem:s16+$0xFFFFFFA0] =	vst v2;
	v0 =	vld [tilespmem:s18+$0x50]  }
0x259: {  	s30 =	smul.u32 $0x6, s14;
	s20 =	sand.u32 $0xF, s26;
	s7 =	sshll.u32 s7, $0x9;
	v2 =	vld [tilespmem:s10+$0x30];
	[tilespmem:s16+$0x20] =	vst v3  }
0x25a: {  	s14 =	smul.u32 $0x6, s20;
	s20 =	sshra.s32 s7, $0x2;
	v3 =	vld [tilespmem:s22+$0x30]  }
0x25b: {  	[tilespmem:s17+$0x90] =	vst v4;
	v4 =	vld [tilespmem:s20+$0x0]  }
0x25c: {  	v5 =	vld [tilespmem:s29+$0x0];
	[tilespmem:s16+$0xFFFFFF30] =	vst v1  }
0x25d: {  	s21 =	sshrl.u32 s0, $0x8;
	v1 =	vld [tilespmem:s23+$0x40];
	[tilespmem:s16+$0xD0] =	vst v0  }
0x25e: {  	s13 =	smul.u32 $0x24, s21;
	[tilespmem:s16+$0xFFFFFFB0] =	vst v2;
	v0 =	vld [tilespmem:s18+$0x60]  }
0x25f: {  	s0 =	sand.u32 $0xF, s0;
	s25 =	sshrl.u32 s2, $0x8;
	[tilespmem:s16+$0x30] =	vst v3;
	v2 =	vld [tilespmem:s10+$0x40]  }
0x260: {  	s19 =	smul.u32 $0x24, s25;
	s0 =	sadd.s32 s0, s13;
	v3 =	vld [tilespmem:s22+$0x40];
	[tilespmem:s17+$0xFFFFFF00] =	vst v4  }
0x261: {  	s2 =	sand.u32 $0xF, s2;
	(v2sf) =	vpush v5, $0x0;
	s0 =	sadd.s32 s30, s0;
	v5 =	vld [tilespmem:s20+$0x10]  }
0x262: {  	s2 =	sadd.s32 s2, s19;
	s0 =	sshll.u32 s0, $0x9;
	[tilespmem:s16+$0xFFFFFF40] =	vst v1;
	v1 =	vld [tilespmem:s31+$0x20]  }
0x263: {  	s2 =	sadd.s32 s14, s2;
	s21 =	sshra.s32 s0, $0x2;
	[tilespmem:s16+$0xE0] =	vst v0;
	v0 =	vld [tilespmem:s29+$0xFFFFFFFD]  }
0x264: {  	s19 =	sshll.u32 s2, $0x9;
	[tilespmem:s16+$0xFFFFFFC0] =	vst v2;
	v2 =	vld [tilespmem:s21+$0x0]  }
0x265: {  	(v2sf) =	vpush v6, $0x0;
	v8 =	vld [tilespmem:s18+$0x70];
	s18 =	sshra.s32 s19, $0x2  }
0x266: {  	(v2sf) =	vpush v7, $0x0;
	[tilespmem:s16+$0x40] =	vst v3;
	v3 =	vld [tilespmem:s18+$0x0]  }
0x267: {  	v4 =	vld [tilespmem:s10+$0x50];
	[tilespmem:s17+$0xA0] =	vst v1  }
0x268: {  	[tilespmem:s17+$0xFFFFFF10] =	vst v5;
	v1 =	vld [tilespmem:s31+$0x30];
	(v2sf) =	vpush v0, $0x0  }
0x269: {  	v5 =	vld [tilespmem:s20+$0x20]  }
0x26a: {  	[tilespmem:s17+$0xFFFFFF80] =	vst v2;
	v0 =	vld [tilespmem:s23+$0x50]  }
0x26b: {  	v2 =	vld [tilespmem:s21+$0x10];
	[tilespmem:s17+$0x0] =	vst v3  }
0x26c: {  	[tilespmem:s16+$0xFFFFFFD0] =	vst v4;
	v3 =	vld [tilespmem:s18+$0x10]  }
0x26d: {  	[tilespmem:s17+$0xB0] =	vst v1  }
0x26e: {  	[tilespmem:s17+$0xFFFFFF20] =	vst v5;
	v1 =	vld [tilespmem:s31+$0x40]  }
0x26f: {  	[tilespmem:s16+$0xFFFFFF50] =	vst v0;
	v0 =	vld [tilespmem:s22+$0x50]  }
0x270: {  	[tilespmem:s17+$0xFFFFFF90] =	vst v2;
	v4 =	vld [tilespmem:s23+$0x60]  }
0x271: {  	v2 =	vld [tilespmem:s21+$0x20];
	[tilespmem:s17+$0x10] =	vst v3  }
0x272: {  	s24 =	spop (v2sf);
	[tilespmem:s16+$0xF0] =	vst v8;
	v3 =	vld [tilespmem:s18+$0x20]  }
0x273: {  	s25 =	sshrl.u32 s24, $0x8;
	s26 =	sshrl.u32 s24, $0x4;
	v5 =	vld [tilespmem:s20+$0x30];
	[tilespmem:s17+$0xC0] =	vst v1  }
0x274: {  	s2 =	spop (v2sf);
	s9 =	sand.u32 $0xF, s26;
	s7 =	smul.u32 $0x24, s25;
	[tilespmem:s16+$0x50] =	vst v0;
	v0 =	vld [tilespmem:s10+$0x60]  }
0x275: {  	s0 =	sand.u32 $0xF, s24;
	s12 =	spop (v2sf);
	s9 =	smul.u32 $0x6, s9;
	[tilespmem:s16+$0xFFFFFF60] =	vst v4;
	v4 =	vld [tilespmem:s22+$0x60]  }
0x276: {  	s24 =	sshrl.u32 s2, $0x8;
	s25 =	sshrl.u32 s2, $0x4;
	s0 =	sadd.s32 s0, s7;
	[tilespmem:s17+$0xFFFFFFA0] =	vst v2;
	v1 =	vld [tilespmem:s31+$0x50]  }
0x277: {  	s0 =	sadd.s32 s9, s0;
	s9 =	sand.u32 $0xF, s25;
	v2 =	vld [tilespmem:s21+$0x30];
	[tilespmem:s17+$0x20] =	vst v3;
	s29 =	spop (v2sf)  }
0x278: {  	s0 =	sshll.u32 s0, $0x9;
	s9 =	smul.u32 $0x6, s9;
	[tilespmem:s17+$0xFFFFFF30] =	vst v5;
	v3 =	vld [tilespmem:s18+$0x30];
	s30 =	sshrl.u32 s29, $0x8  }
0x279: {  	[tilespmem:s16+$0xFFFFFFE0] =	vst v0;
	v0 =	vld [tilespmem:s23+$0x70];
	s19 =	sshrl.u32 s29, $0x4;
	s13 =	sand.u32 $0xF, s29;
	s29 =	smul.u32 $0x24, s24  }
0x27a: {  	s26 =	sshrl.u32 s12, $0x8;
	s28 =	sshra.s32 s0, $0x2;
	[tilespmem:s16+$0x60] =	vst v4;
	v4 =	vld [tilespmem:s10+$0x70];
	s14 =	smul.u32 $0x24, s30  }
0x27b: {  	s2 =	sand.u32 $0xF, s2;
	v5 =	vld [tilespmem:s28+$0x0];
	[tilespmem:s17+$0xD0] =	vst v1;
	s24 =	smul.u32 $0x24, s26;
	s26 =	simm.s32 $0x11480  }
0x27c: {  	[tilespmem:s17+$0xFFFFFFB0] =	vst v2;
	v6 =	vld [tilespmem:s31+$0x60];
	s19 =	sand.u32 $0xF, s19;
	s0 =	sadd.s32 s2, s29;
	s30 =	sadd.s32 s13, s14  }
0x27d: {  	v7 =	vld [tilespmem:s20+$0x40];
	s14 =	sshrl.u32 s12, $0x4;
	s13 =	smul.u32 $0x6, s19;
	s12 =	sand.u32 $0xF, s12;
	[tilespmem:s17+$0x30] =	vst v3  }
0x27e: {  	v1 =	vld [tilespmem:s21+$0x40];
	s0 =	sadd.s32 s9, s0;
	s10 =	sand.u32 $0xF, s14;
	s25 =	sadd.s32 s12, s24;
	[tilespmem:s16+$0xFFFFFF70] =	vst v0  }
0x27f: {  	s0 =	sshll.u32 s0, $0x9;
	s10 =	smul.u32 $0x6, s10;
	s7 =	sadd.s32 s13, s30;
	[tilespmem:s16+$0xFFFFFFF0] =	vst v4;
	v2 =	vld [tilespmem:s18+$0x40]  }
0x280: {  	v0 =	vld [tilespmem:s22+$0x70];
	s0 =	sshra.s32 s0, $0x2;
	s29 =	rddreg [dreg:$0xa];
	s7 =	sshll.u32 s7, $0x9;
	[tilespmem:s26+$0x80] =	vst v5  }
0x281: {  	[tilespmem:s17+$0xE0] =	vst v6;
	s22 =	sadd.s32 s15, s29;
	s30 =	sadd.s32 s10, s25;
	s25 =	simm.s32 $0x8;
	v4 =	vld [tilespmem:s28+$0x10]  }
0x282: {  	[tilespmem:s17+$0xFFFFFF40] =	vst v7;
	s2 =	sshra.s32 s7, $0x2;
	v3 =	vld [tilespmem:s31+$0x70];
	s10 =	simm.s32 $0x6D4F;
	s19 =	sshll.u32 s30, $0x9  }
.LBB2_13:
0x283: {  	v5 =	vld [tilespmem:s10+$0x0];
	s31 =	sshra.s32 s19, $0x2;
	[tilespmem:s17+$0xFFFFFFC0] =	vst v1;
	s23 =	smov.u32 s28;
	s28 =	smov.u32 s20  }
0x284: {  	s25 =	sadd.s32 $0x4, s25;
	s20 =	smov.u32 s2;
	s2 =	smov.u32 s21;
	v1 =	vld [tilespmem:s10+$0xFFFFFFFE];
	[tilespmem:s17+$0x40] =	vst v2  }
0x285: {  	p2 =	slt.u32 s25, $0x9C;
	v2 =	vld [tilespmem:s10+$0xFFFFFFFF];
	[tilespmem:s16+$0x70] =	vst v0;
	s16 =	smov.u32 s17;
	s17 =	smov.u32 s26  }
0x286: {  	s21 =	smov.u32 s0;
	v0 =	vld [tilespmem:s10+$0xFFFFFFFD];
	[tilespmem:s26+$0x90] =	vst v4  }
0x287: {  	v4 =	vld [tilespmem:s20+$0x0];
	[tilespmem:s16+$0xF0] =	vst v3  }
0x288: {  	(v2sf) =	vpush v5, $0x0;
	v3 =	vld [tilespmem:s23+$0x20]  }
0x289: {  	(v2sf) =	vpush v1, $0x0;
	v1 =	vld [tilespmem:s21+$0x0]  }
0x28a: {  	(v2sf) =	vpush v2, $0x0;
	v2 =	vld [tilespmem:s31+$0x0]  }
0x28b: {  	(v2sf) =	vpush v0, $0x0;
	v0 =	vld [tilespmem:s28+$0x50]  }
0x28c: {  	[tilespmem:s26+$0xFFFFFF00] =	vst v4;
	v4 =	vld [tilespmem:s2+$0x50]  }
0x28d: {  	v5 =	vld [tilespmem:s20+$0x10];
	[tilespmem:s26+$0xA0] =	vst v3  }
0x28e: {  	[tilespmem:s26+$0xFFFFFF80] =	vst v1;
	v1 =	vld [tilespmem:s23+$0x30]  }
0x28f: {  	v3 =	vld [tilespmem:s21+$0x10];
	[tilespmem:s26+$0x0] =	vst v2  }
0x290: {  	v2 =	vld [tilespmem:s31+$0x10];
	[tilespmem:s16+$0xFFFFFF50] =	vst v0  }
0x291: {  	[tilespmem:s16+$0xFFFFFFD0] =	vst v4;
	v0 =	vld [tilespmem:s18+$0x50]  }
0x292: {  	[tilespmem:s26+$0xFFFFFF10] =	vst v5;
	v4 =	vld [tilespmem:s28+$0x60]  }
0x293: {  	v5 =	vld [tilespmem:s20+$0x20];
	[tilespmem:s26+$0xB0] =	vst v1  }
0x294: {  	[tilespmem:s26+$0xFFFFFF90] =	vst v3;
	v1 =	vld [tilespmem:s23+$0x40]  }
0x295: {  	v3 =	vld [tilespmem:s21+$0x20];
	[tilespmem:s26+$0x10] =	vst v2  }
0x296: {  	v2 =	vld [tilespmem:s31+$0x20];
	[tilespmem:s16+$0x50] =	vst v0  }
0x297: {  	s0 =	spop (v2sf)  }
0x298: {  	[tilespmem:s16+$0xFFFFFF60] =	vst v4;
	v0 =	vld [tilespmem:s2+$0x60];
	s7 =	sshrl.u32 s0, $0x8  }
0x299: {  	s9 =	sshrl.u32 s0, $0x4;
	s12 =	spop (v2sf);
	[tilespmem:s26+$0xFFFFFF20] =	vst v5;
	v4 =	vld [tilespmem:s18+$0x60];
	s0 =	sand.u32 $0xF, s0  }
0x29a: {  	s9 =	sand.u32 $0xF, s9;
	s7 =	smul.u32 $0x24, s7;
	s13 =	spop (v2sf);
	v5 =	vld [tilespmem:s20+$0x30];
	[tilespmem:s26+$0xC0] =	vst v1  }
0x29b: {  	s29 =	sshrl.u32 s12, $0x4;
	s9 =	smul.u32 $0x6, s9;
	s14 =	spop (v2sf);
	[tilespmem:s26+$0xFFFFFFA0] =	vst v3;
	v1 =	vld [tilespmem:s23+$0x50]  }
0x29c: {  	s19 =	sshrl.u32 s14, $0x8;
	s24 =	sshrl.u32 s14, $0x4;
	s0 =	sadd.s32 s0, s7;
	v3 =	vld [tilespmem:s21+$0x30];
	[tilespmem:s26+$0x20] =	vst v2  }
0x29d: {  	s30 =	sshrl.u32 s13, $0x4;
	s7 =	sshrl.u32 s12, $0x8;
	s0 =	sadd.s32 s9, s0;
	v2 =	vld [tilespmem:s31+$0x30];
	[tilespmem:s16+$0xFFFFFFE0] =	vst v0  }
0x29e: {  	s9 =	sshrl.u32 s13, $0x8;
	s19 =	smul.u32 $0x24, s19;
	s0 =	sshll.u32 s0, $0x9;
	v0 =	vld [tilespmem:s28+$0x70];
	[tilespmem:s16+$0x60] =	vst v4  }
0x29f: {  	s24 =	sand.u32 $0xF, s24;
	s9 =	smul.u32 $0x24, s9;
	s28 =	sshra.s32 s0, $0x2;
	[tilespmem:s26+$0xFFFFFF30] =	vst v5;
	v4 =	vld [tilespmem:s2+$0x70]  }
0x2a0: {  	s0 =	sand.u32 $0xF, s29;
	s2 =	smul.u32 $0x24, s7;
	s7 =	sand.u32 $0xF, s30;
	v5 =	vld [tilespmem:s28+$0x0];
	[tilespmem:s26+$0xD0] =	vst v1  }
0x2a1: {  	s14 =	sand.u32 $0xF, s14;
	s12 =	sand.u32 $0xF, s12;
	s24 =	smul.u32 $0x6, s24;
	[tilespmem:s26+$0xFFFFFFB0] =	vst v3;
	v3 =	vld [tilespmem:s23+$0x60]  }
0x2a2: {  	s13 =	sand.u32 $0xF, s13;
	s14 =	sadd.s32 s14, s19;
	s0 =	smul.u32 $0x6, s0;
	v6 =	vld [tilespmem:s20+$0x40];
	[tilespmem:s26+$0x30] =	vst v2  }
.Ltmp7:
0x2a3: {  	s9 =	sadd.s32 s13, s9;
	s2 =	sadd.s32 s12, s2;
	v1 =	vld [tilespmem:s21+$0x40];
	[tilespmem:s16+$0xFFFFFF70] =	vst v0;
	(pc) =	sbr.rel @p2 .LBB2_13-.Ltmp7, $4  }
0x2a4: {  	s7 =	smul.u32 $0x6, s7;
	s12 =	sadd.s32 s24, s14;
	s26 =	sadd.s32 $0x200, s26;
	v2 =	vld [tilespmem:s31+$0x40];
	[tilespmem:s16+$0xFFFFFFF0] =	vst v4  }
0x2a5: {  	s12 =	sshll.u32 s12, $0x9;
	s0 =	sadd.s32 s0, s2;
	[tilespmem:s26+$0x80] =	vst v5;
	v0 =	vld [tilespmem:s18+$0x70];
	s18 =	smov.u32 s31  }
0x2a6: {  	s7 =	sadd.s32 s7, s9;
	s2 =	sshra.s32 s12, $0x2;
	s0 =	sshll.u32 s0, $0x9;
	v4 =	vld [tilespmem:s28+$0x10];
	[tilespmem:s17+$0xE0] =	vst v3  }
0x2a7: {  	s10 =	sadd.s32 $0x4, s10;
	s19 =	sshll.u32 s7, $0x9;
	s0 =	sshra.s32 s0, $0x2;
	[tilespmem:s17+$0xFFFFFF40] =	vst v6;
	v3 =	vld [tilespmem:s23+$0x70]  }
0x2a8: {  	v5 =	vld [tilespmem:s2+$0x0]  }
0x2a9: {  	s10 =	sshra.s32 s19, $0x2;
	v6 =	vld [tilespmem:s0+$0x0]  }
0x2aa: {  	v7 =	vld [tilespmem:s10+$0x0];
	_ =	sdelay $0x2  }
0x2ab: {  	[tilespmem:s26+$0xFFFFFF00] =	vst v5  }
0x2ac: {  	[tilespmem:s26+$0xFFFFFF80] =	vst v6;
	v5 =	vld [tilespmem:s2+$0x10]  }
0x2ad: {  	v6 =	vld [tilespmem:s0+$0x10];
	[tilespmem:s26+$0x0] =	vst v7  }
0x2ae: {  	[tilespmem:s26+$0x90] =	vst v4;
	v7 =	vld [tilespmem:s10+$0x10]  }
0x2af: {  	[tilespmem:s17+$0xFFFFFFC0] =	vst v1;
	v1 =	vld [tilespmem:s28+$0x20]  }
0x2b0: {  	[tilespmem:s17+$0x40] =	vst v2  }
0x2b1: {  	[tilespmem:s26+$0xFFFFFF10] =	vst v5  }
0x2b2: {  	[tilespmem:s26+$0xFFFFFF90] =	vst v6;
	v4 =	vld [tilespmem:s2+$0x20]  }
0x2b3: {  	v5 =	vld [tilespmem:s0+$0x20];
	[tilespmem:s26+$0x10] =	vst v7  }
0x2b4: {  	[tilespmem:s26+$0xA0] =	vst v1;
	v2 =	vld [tilespmem:s10+$0x20]  }
0x2b5: {  	[tilespmem:s16+$0x70] =	vst v0;
	v1 =	vld [tilespmem:s28+$0x30]  }
0x2b6: {  	v0 =	vld [tilespmem:s20+$0x50];
	[tilespmem:s17+$0xF0] =	vst v3  }
0x2b7: {  	v3 =	vld [tilespmem:s21+$0x50];
	[tilespmem:s26+$0xFFFFFF20] =	vst v4  }
0x2b8: {  	[tilespmem:s26+$0xFFFFFFA0] =	vst v5;
	v4 =	vld [tilespmem:s2+$0x30]  }
0x2b9: {  	v5 =	vld [tilespmem:s0+$0x30];
	[tilespmem:s26+$0x20] =	vst v2  }
0x2ba: {  	[tilespmem:s26+$0xB0] =	vst v1;
	v2 =	vld [tilespmem:s10+$0x30]  }
0x2bb: {  	[tilespmem:s17+$0xFFFFFF50] =	vst v0;
	v1 =	vld [tilespmem:s28+$0x40]  }
0x2bc: {  	[tilespmem:s17+$0xFFFFFFD0] =	vst v3  }
0x2bd: {  	v0 =	vld [tilespmem:s18+$0x50];
	[tilespmem:s26+$0xFFFFFF30] =	vst v4  }
0x2be: {  	[tilespmem:s26+$0xFFFFFFB0] =	vst v5;
	v4 =	vld [tilespmem:s2+$0x40]  }
0x2bf: {  	[tilespmem:s26+$0x30] =	vst v2;
	v2 =	vld [tilespmem:s0+$0x40]  }
0x2c0: {  	[tilespmem:s26+$0xC0] =	vst v1;
	v3 =	vld [tilespmem:s10+$0x40]  }
0x2c1: {  	v1 =	vld [tilespmem:s28+$0x50]  }
0x2c2: {  	[tilespmem:s17+$0x50] =	vst v0;
	v5 =	vld [tilespmem:s20+$0x60]  }
0x2c3: {  	v0 =	vld [tilespmem:s21+$0x60];
	[tilespmem:s26+$0xFFFFFF40] =	vst v4  }
0x2c4: {  	[tilespmem:s26+$0xFFFFFFC0] =	vst v2;
	v2 =	vld [tilespmem:s2+$0x50]  }
0x2c5: {  	[tilespmem:s26+$0x40] =	vst v3;
	v3 =	vld [tilespmem:s0+$0x50]  }
0x2c6: {  	[tilespmem:s26+$0xD0] =	vst v1;
	v4 =	vld [tilespmem:s10+$0x50]  }
0x2c7: {  	[tilespmem:s17+$0xFFFFFF60] =	vst v5;
	v5 =	vld [tilespmem:s18+$0x60]  }
0x2c8: {  	[tilespmem:s17+$0xFFFFFFE0] =	vst v0;
	v1 =	vld [tilespmem:s28+$0x60]  }
0x2c9: {  	v0 =	vld [tilespmem:s20+$0x70];
	[tilespmem:s26+$0xFFFFFF50] =	vst v2  }
0x2ca: {  	[tilespmem:s26+$0xFFFFFFD0] =	vst v3;
	v2 =	vld [tilespmem:s2+$0x60]  }
0x2cb: {  	[tilespmem:s26+$0x50] =	vst v4;
	v3 =	vld [tilespmem:s0+$0x60]  }
0x2cc: {  	[tilespmem:s17+$0x60] =	vst v5;
	v4 =	vld [tilespmem:s10+$0x60]  }
0x2cd: {  	v5 =	vld [tilespmem:s21+$0x70];
	[tilespmem:s26+$0xE0] =	vst v1  }
0x2ce: {  	[tilespmem:s17+$0xFFFFFF70] =	vst v0;
	v0 =	vld [tilespmem:s18+$0x70]  }
0x2cf: {  	v1 =	vld [tilespmem:s28+$0x70];
	[tilespmem:s26+$0xFFFFFF60] =	vst v2  }
0x2d0: {  	[tilespmem:s26+$0xFFFFFFE0] =	vst v3;
	v2 =	vld [tilespmem:s2+$0x70]  }
0x2d1: {  	[tilespmem:s26+$0x60] =	vst v4;
	v3 =	vld [tilespmem:s0+$0x70]  }
0x2d2: {  	[tilespmem:s17+$0xFFFFFFF0] =	vst v5;
	v4 =	vld [tilespmem:s10+$0x70]  }
0x2d3: {  	[tilespmem:s17+$0x70] =	vst v0  }
0x2d4: {  	[tilespmem:s26+$0xF0] =	vst v1  }
0x2d5: {  	[tilespmem:s26+$0xFFFFFF70] =	vst v2  }
0x2d6: {  	s19 =	sshll.u32 s22, $0x4;
	[tilespmem:s26+$0xFFFFFFF0] =	vst v3  }
0x2d7: {  	s20 =	simm.s32 $0x10F80;
	s0 =	sadd.s32 s5, s19;
	[tilespmem:s26+$0x70] =	vst v4  }
0x2d8: {  	[hbm4b:s0+s6] =	stream.linear.scatter [tilespmem:s20], [sflag:$0x8], $0x5000, $0x38;
	[tilespmem:$0x1FF80] =	vst v63  }
0x2d9: {  	s0 =	sshrl.u32 @!p1 s22, $0x3  }
0x2da: {  	s0 =	sadd.s32 @!p1 s8, s0  }
0x2db: {  	s7 =	simm.s32 @!p1 $0x6D40;
	s2 =	simm.s32 @!p1 $0x0;
	s0 =	sadd.s32 @!p1 $0x64, s0  }
0x2dc: {  	[tilespmem:s7], [sflag:$0x3] =	stream.linear.gather @!p1 [hbm4b:s0+s2], $0xA0, $0x38;
	[tilespmem:$0x1FF80] =	vst v63  }
0x2dd: {  	_ =	swait.ge [sflag:s1], $0xA0  }
0x2de: {  	[sflag:s1] =	ssyncset.done $0x0  }
0x2df: {  	s0 =	simm.s32 @!p0 $0x9;
	[sflag:s1] =	ssyncadd.s32 $0xFFFFFF60  }
0x2e0: {  	_ =	swait.ge @!p0 [sflag:s0], $0x5000  }
0x2e1: {  	[sflag:s0] =	ssyncset.done @!p0 $0x0  }
0x2e2: {  	s21 =	simm.s32 $0x6DE3;
	[sflag:s0] =	ssyncadd.s32 @!p0 $0xFFFFB000  }
0x2e3: {  	v0 =	vld [tilespmem:s21+$0x0];
	_ =	sdelay $0x4  }
0x2e4: {  	(v2sf) =	vpush v0, $0x0;
	_ =	sdelay $0x3  }
0x2e5: {  	v0 =	vld [tilespmem:s21+$0xFFFFFFFE]  }
0x2e6: {  	v1 =	vld [tilespmem:s21+$0xFFFFFFFF]  }
0x2e7: {  	v2 =	vld [tilespmem:s21+$0xFFFFFFFD];
	_ =	sdelay $0x2  }
0x2e8: {  	(v2sf) =	vpush v0, $0x0  }
0x2e9: {  	(v2sf) =	vpush v1, $0x0  }
0x2ea: {  	(v2sf) =	vpush v2, $0x0;
	_ =	sdelay $0x3  }
0x2eb: {  	s22 =	spop (v2sf)  }
0x2ec: {  	s31 =	simm.s32 $0x6DE7;
	s23 =	sshrl.u32 s22, $0x8;
	s24 =	sshrl.u32 s22, $0x4  }
0x2ed: {  	v1 =	vld [tilespmem:s31+$0x0];
	s7 =	sand.u32 $0xF, s24;
	s2 =	smul.u32 $0x24, s23  }
0x2ee: {  	s0 =	sand.u32 $0xF, s22;
	s7 =	smul.u32 $0x6, s7  }
0x2ef: {  	s0 =	sadd.s32 s0, s2  }
0x2f0: {  	s0 =	sadd.s32 s7, s0  }
0x2f1: {  	s0 =	sshll.u32 s0, $0x9  }
0x2f2: {  	(v2sf) =	vpush v1, $0x0;
	s18 =	sshra.s32 s0, $0x2  }
0x2f3: {  	v0 =	vld [tilespmem:s18+$0x0]  }
0x2f4: {  	s16 =	simm.s32 $0x16080;
	s25 =	spop (v2sf)  }
0x2f5: {  	s26 =	spop (v2sf);
	s12 =	sshrl.u32 s25, $0x8;
	s13 =	sshrl.u32 s25, $0x4  }
0x2f6: {  	v2 =	vld [tilespmem:s31+$0xFFFFFFFE];
	s29 =	spop (v2sf);
	s14 =	sshrl.u32 s26, $0x8;
	s20 =	sshrl.u32 s26, $0x4  }
0x2f7: {  	v3 =	vld [tilespmem:s31+$0xFFFFFFFF];
	s12 =	smul.u32 $0x24, s12;
	s9 =	sshrl.u32 s29, $0x8;
	s30 =	sshrl.u32 s29, $0x4  }
0x2f8: {  	v6 =	vld [tilespmem:s31+$0xFFFFFFFD];
	s13 =	sand.u32 $0xF, s13;
	s9 =	smul.u32 $0x24, s9;
	s10 =	sand.u32 $0xF, s30;
	[tilespmem:s16+$0x80] =	vst v0  }
0x2f9: {  	s0 =	sand.u32 $0xF, s25;
	s7 =	sand.u32 $0xF, s29;
	s10 =	smul.u32 $0x6, s10;
	v0 =	vld [tilespmem:s18+$0x10]  }
0x2fa: {  	s2 =	sand.u32 $0xF, s26;
	s14 =	smul.u32 $0x24, s14;
	s7 =	sadd.s32 s7, s9  }
0x2fb: {  	(v2sf) =	vpush v2, $0x0;
	s19 =	sand.u32 $0xF, s20;
	s21 =	smul.u32 $0x6, s13;
	s7 =	sadd.s32 s10, s7  }
0x2fc: {  	(v2sf) =	vpush v3, $0x0;
	s0 =	sadd.s32 s0, s12;
	s22 =	smul.u32 $0x6, s19;
	s7 =	sshll.u32 s7, $0x9  }
0x2fd: {  	(v2sf) =	vpush v6, $0x0;
	s2 =	sadd.s32 s2, s14;
	s0 =	sadd.s32 s21, s0;
	s23 =	sshra.s32 s7, $0x2  }
0x2fe: {  	s0 =	sshll.u32 s0, $0x9;
	s2 =	sadd.s32 s22, s2;
	v1 =	vld [tilespmem:s23+$0x0];
	[tilespmem:s16+$0x90] =	vst v0  }
0x2ff: {  	s10 =	sshra.s32 s0, $0x2;
	s24 =	sshll.u32 s2, $0x9;
	v0 =	vld [tilespmem:s18+$0x20]  }
0x300: {  	s22 =	sshra.s32 s24, $0x2;
	v4 =	vld [tilespmem:s10+$0x0]  }
0x301: {  	v5 =	vld [tilespmem:s22+$0x0];
	s25 =	spop (v2sf)  }
0x302: {  	s26 =	sshrl.u32 s25, $0x8;
	s29 =	sshrl.u32 s25, $0x4  }
0x303: {  	s7 =	sand.u32 $0xF, s29;
	s2 =	smul.u32 $0x24, s26;
	[tilespmem:s16+$0xFFFFFF00] =	vst v1  }
0x304: {  	s0 =	sand.u32 $0xF, s25;
	s7 =	smul.u32 $0x6, s7;
	v1 =	vld [tilespmem:s23+$0x10];
	[tilespmem:s16+$0xA0] =	vst v0  }
0x305: {  	[tilespmem:s16+$0xFFFFFF80] =	vst v4;
	s0 =	sadd.s32 s0, s2;
	v0 =	vld [tilespmem:s18+$0x30]  }
0x306: {  	v2 =	vld [tilespmem:s10+$0x10];
	[tilespmem:s16+$0x0] =	vst v5;
	s0 =	sadd.s32 s7, s0  }
0x307: {  	s29 =	simm.s32 $0x6DEB;
	v3 =	vld [tilespmem:s22+$0x10];
	s0 =	sshll.u32 s0, $0x9  }
0x308: {  	v6 =	vld [tilespmem:s29+$0xFFFFFFFE];
	s31 =	sshra.s32 s0, $0x2  }
0x309: {  	v4 =	vld [tilespmem:s31+$0x0];
	[tilespmem:s16+$0xFFFFFF10] =	vst v1  }
0x30a: {  	s0 =	spop (v2sf);
	v1 =	vld [tilespmem:s23+$0x20];
	[tilespmem:s16+$0xB0] =	vst v0  }
0x30b: {  	s2 =	spop (v2sf);
	[tilespmem:s16+$0xFFFFFF90] =	vst v2;
	v0 =	vld [tilespmem:s18+$0x40]  }
0x30c: {  	s30 =	spop (v2sf);
	v2 =	vld [tilespmem:s10+$0x20];
	[tilespmem:s16+$0x10] =	vst v3  }
0x30d: {  	s17 =	simm.s32 $0x16280;
	s19 =	sshrl.u32 s30, $0x8;
	s20 =	sshrl.u32 s30, $0x4;
	v3 =	vld [tilespmem:s22+$0x20]  }
0x30e: {  	v7 =	vld [tilespmem:s29+$0xFFFFFFFF];
	s12 =	sand.u32 $0xF, s20;
	s9 =	smul.u32 $0x24, s19;
	[tilespmem:s17+$0x80] =	vst v4  }
0x30f: {  	s7 =	sand.u32 $0xF, s30;
	s12 =	smul.u32 $0x6, s12;
	v4 =	vld [tilespmem:s31+$0x10];
	[tilespmem:s16+$0xFFFFFF20] =	vst v1  }
0x310: {  	s24 =	sshrl.u32 s0, $0x4;
	s7 =	sadd.s32 s7, s9;
	v1 =	vld [tilespmem:s23+$0x30];
	[tilespmem:s16+$0xC0] =	vst v0  }
0x311: {  	s26 =	sshrl.u32 s2, $0x4;
	s14 =	sand.u32 $0xF, s24;
	s7 =	sadd.s32 s12, s7;
	[tilespmem:s16+$0xFFFFFFA0] =	vst v2;
	v0 =	vld [tilespmem:s18+$0x50]  }
0x312: {  	s30 =	smul.u32 $0x6, s14;
	s20 =	sand.u32 $0xF, s26;
	s7 =	sshll.u32 s7, $0x9;
	v2 =	vld [tilespmem:s10+$0x30];
	[tilespmem:s16+$0x20] =	vst v3  }
0x313: {  	s14 =	smul.u32 $0x6, s20;
	s20 =	sshra.s32 s7, $0x2;
	v3 =	vld [tilespmem:s22+$0x30]  }
0x314: {  	[tilespmem:s17+$0x90] =	vst v4;
	v4 =	vld [tilespmem:s20+$0x0]  }
0x315: {  	v5 =	vld [tilespmem:s29+$0x0];
	[tilespmem:s16+$0xFFFFFF30] =	vst v1  }
0x316: {  	s21 =	sshrl.u32 s0, $0x8;
	v1 =	vld [tilespmem:s23+$0x40];
	[tilespmem:s16+$0xD0] =	vst v0  }
0x317: {  	s13 =	smul.u32 $0x24, s21;
	[tilespmem:s16+$0xFFFFFFB0] =	vst v2;
	v0 =	vld [tilespmem:s18+$0x60]  }
0x318: {  	s0 =	sand.u32 $0xF, s0;
	s25 =	sshrl.u32 s2, $0x8;
	[tilespmem:s16+$0x30] =	vst v3;
	v2 =	vld [tilespmem:s10+$0x40]  }
0x319: {  	s19 =	smul.u32 $0x24, s25;
	s0 =	sadd.s32 s0, s13;
	v3 =	vld [tilespmem:s22+$0x40];
	[tilespmem:s17+$0xFFFFFF00] =	vst v4  }
0x31a: {  	s2 =	sand.u32 $0xF, s2;
	(v2sf) =	vpush v5, $0x0;
	s0 =	sadd.s32 s30, s0;
	v5 =	vld [tilespmem:s20+$0x10]  }
0x31b: {  	s2 =	sadd.s32 s2, s19;
	s0 =	sshll.u32 s0, $0x9;
	[tilespmem:s16+$0xFFFFFF40] =	vst v1;
	v1 =	vld [tilespmem:s31+$0x20]  }
0x31c: {  	s2 =	sadd.s32 s14, s2;
	s21 =	sshra.s32 s0, $0x2;
	[tilespmem:s16+$0xE0] =	vst v0;
	v0 =	vld [tilespmem:s29+$0xFFFFFFFD]  }
0x31d: {  	s19 =	sshll.u32 s2, $0x9;
	[tilespmem:s16+$0xFFFFFFC0] =	vst v2;
	v2 =	vld [tilespmem:s21+$0x0]  }
0x31e: {  	(v2sf) =	vpush v6, $0x0;
	v8 =	vld [tilespmem:s18+$0x70];
	s18 =	sshra.s32 s19, $0x2  }
0x31f: {  	(v2sf) =	vpush v7, $0x0;
	[tilespmem:s16+$0x40] =	vst v3;
	v3 =	vld [tilespmem:s18+$0x0]  }
0x320: {  	v4 =	vld [tilespmem:s10+$0x50];
	[tilespmem:s17+$0xA0] =	vst v1  }
0x321: {  	[tilespmem:s17+$0xFFFFFF10] =	vst v5;
	v1 =	vld [tilespmem:s31+$0x30];
	(v2sf) =	vpush v0, $0x0  }
0x322: {  	v5 =	vld [tilespmem:s20+$0x20]  }
0x323: {  	[tilespmem:s17+$0xFFFFFF80] =	vst v2;
	v0 =	vld [tilespmem:s23+$0x50]  }
0x324: {  	v2 =	vld [tilespmem:s21+$0x10];
	[tilespmem:s17+$0x0] =	vst v3  }
0x325: {  	[tilespmem:s16+$0xFFFFFFD0] =	vst v4;
	v3 =	vld [tilespmem:s18+$0x10]  }
0x326: {  	[tilespmem:s17+$0xB0] =	vst v1  }
0x327: {  	[tilespmem:s17+$0xFFFFFF20] =	vst v5;
	v1 =	vld [tilespmem:s31+$0x40]  }
0x328: {  	[tilespmem:s16+$0xFFFFFF50] =	vst v0;
	v0 =	vld [tilespmem:s22+$0x50]  }
0x329: {  	[tilespmem:s17+$0xFFFFFF90] =	vst v2;
	v4 =	vld [tilespmem:s23+$0x60]  }
0x32a: {  	v2 =	vld [tilespmem:s21+$0x20];
	[tilespmem:s17+$0x10] =	vst v3  }
0x32b: {  	s24 =	spop (v2sf);
	[tilespmem:s16+$0xF0] =	vst v8;
	v3 =	vld [tilespmem:s18+$0x20]  }
0x32c: {  	s25 =	sshrl.u32 s24, $0x8;
	s26 =	sshrl.u32 s24, $0x4;
	v5 =	vld [tilespmem:s20+$0x30];
	[tilespmem:s17+$0xC0] =	vst v1  }
0x32d: {  	s2 =	spop (v2sf);
	s9 =	sand.u32 $0xF, s26;
	s7 =	smul.u32 $0x24, s25;
	[tilespmem:s16+$0x50] =	vst v0;
	v0 =	vld [tilespmem:s10+$0x60]  }
0x32e: {  	s0 =	sand.u32 $0xF, s24;
	s12 =	spop (v2sf);
	s9 =	smul.u32 $0x6, s9;
	[tilespmem:s16+$0xFFFFFF60] =	vst v4;
	v4 =	vld [tilespmem:s22+$0x60]  }
0x32f: {  	s24 =	sshrl.u32 s2, $0x8;
	s25 =	sshrl.u32 s2, $0x4;
	s0 =	sadd.s32 s0, s7;
	[tilespmem:s17+$0xFFFFFFA0] =	vst v2;
	v1 =	vld [tilespmem:s31+$0x50]  }
0x330: {  	s0 =	sadd.s32 s9, s0;
	s9 =	sand.u32 $0xF, s25;
	v2 =	vld [tilespmem:s21+$0x30];
	[tilespmem:s17+$0x20] =	vst v3;
	s29 =	spop (v2sf)  }
0x331: {  	s0 =	sshll.u32 s0, $0x9;
	s9 =	smul.u32 $0x6, s9;
	[tilespmem:s17+$0xFFFFFF30] =	vst v5;
	v3 =	vld [tilespmem:s18+$0x30];
	s30 =	sshrl.u32 s29, $0x8  }
0x332: {  	[tilespmem:s16+$0xFFFFFFE0] =	vst v0;
	v0 =	vld [tilespmem:s23+$0x70];
	s19 =	sshrl.u32 s29, $0x4;
	s13 =	sand.u32 $0xF, s29;
	s29 =	smul.u32 $0x24, s24  }
0x333: {  	s26 =	sshrl.u32 s12, $0x8;
	s28 =	sshra.s32 s0, $0x2;
	[tilespmem:s16+$0x60] =	vst v4;
	v4 =	vld [tilespmem:s10+$0x70];
	s14 =	smul.u32 $0x24, s30  }
0x334: {  	s2 =	sand.u32 $0xF, s2;
	v5 =	vld [tilespmem:s28+$0x0];
	[tilespmem:s17+$0xD0] =	vst v1;
	s24 =	smul.u32 $0x24, s26;
	s26 =	simm.s32 $0x16480  }
0x335: {  	[tilespmem:s17+$0xFFFFFFB0] =	vst v2;
	v6 =	vld [tilespmem:s31+$0x60];
	s19 =	sand.u32 $0xF, s19;
	s0 =	sadd.s32 s2, s29;
	s30 =	sadd.s32 s13, s14  }
0x336: {  	v7 =	vld [tilespmem:s20+$0x40];
	s14 =	sshrl.u32 s12, $0x4;
	s13 =	smul.u32 $0x6, s19;
	s12 =	sand.u32 $0xF, s12;
	[tilespmem:s17+$0x30] =	vst v3  }
0x337: {  	v1 =	vld [tilespmem:s21+$0x40];
	s0 =	sadd.s32 s9, s0;
	s10 =	sand.u32 $0xF, s14;
	s25 =	sadd.s32 s12, s24;
	[tilespmem:s16+$0xFFFFFF70] =	vst v0  }
0x338: {  	s0 =	sshll.u32 s0, $0x9;
	s10 =	smul.u32 $0x6, s10;
	s7 =	sadd.s32 s13, s30;
	[tilespmem:s16+$0xFFFFFFF0] =	vst v4;
	v2 =	vld [tilespmem:s18+$0x40]  }
0x339: {  	v0 =	vld [tilespmem:s22+$0x70];
	s0 =	sshra.s32 s0, $0x2;
	s29 =	rddreg [dreg:$0xb];
	s7 =	sshll.u32 s7, $0x9;
	[tilespmem:s26+$0x80] =	vst v5  }
0x33a: {  	[tilespmem:s17+$0xE0] =	vst v6;
	s22 =	sadd.s32 s15, s29;
	s30 =	sadd.s32 s10, s25;
	s25 =	simm.s32 $0x8;
	v4 =	vld [tilespmem:s28+$0x10]  }
0x33b: {  	[tilespmem:s17+$0xFFFFFF40] =	vst v7;
	s2 =	sshra.s32 s7, $0x2;
	v3 =	vld [tilespmem:s31+$0x70];
	s10 =	simm.s32 $0x6DEF;
	s19 =	sshll.u32 s30, $0x9  }
.LBB2_15:
0x33c: {  	v5 =	vld [tilespmem:s10+$0x0];
	s31 =	sshra.s32 s19, $0x2;
	[tilespmem:s17+$0xFFFFFFC0] =	vst v1;
	s23 =	smov.u32 s28;
	s28 =	smov.u32 s20  }
0x33d: {  	s25 =	sadd.s32 $0x4, s25;
	s20 =	smov.u32 s2;
	s2 =	smov.u32 s21;
	v1 =	vld [tilespmem:s10+$0xFFFFFFFE];
	[tilespmem:s17+$0x40] =	vst v2  }
0x33e: {  	p2 =	slt.u32 s25, $0x9C;
	v2 =	vld [tilespmem:s10+$0xFFFFFFFF];
	[tilespmem:s16+$0x70] =	vst v0;
	s16 =	smov.u32 s17;
	s17 =	smov.u32 s26  }
0x33f: {  	s21 =	smov.u32 s0;
	v0 =	vld [tilespmem:s10+$0xFFFFFFFD];
	[tilespmem:s26+$0x90] =	vst v4  }
0x340: {  	v4 =	vld [tilespmem:s20+$0x0];
	[tilespmem:s16+$0xF0] =	vst v3  }
0x341: {  	(v2sf) =	vpush v5, $0x0;
	v3 =	vld [tilespmem:s23+$0x20]  }
0x342: {  	(v2sf) =	vpush v1, $0x0;
	v1 =	vld [tilespmem:s21+$0x0]  }
0x343: {  	(v2sf) =	vpush v2, $0x0;
	v2 =	vld [tilespmem:s31+$0x0]  }
0x344: {  	(v2sf) =	vpush v0, $0x0;
	v0 =	vld [tilespmem:s28+$0x50]  }
0x345: {  	[tilespmem:s26+$0xFFFFFF00] =	vst v4;
	v4 =	vld [tilespmem:s2+$0x50]  }
0x346: {  	v5 =	vld [tilespmem:s20+$0x10];
	[tilespmem:s26+$0xA0] =	vst v3  }
0x347: {  	[tilespmem:s26+$0xFFFFFF80] =	vst v1;
	v1 =	vld [tilespmem:s23+$0x30]  }
0x348: {  	v3 =	vld [tilespmem:s21+$0x10];
	[tilespmem:s26+$0x0] =	vst v2  }
0x349: {  	v2 =	vld [tilespmem:s31+$0x10];
	[tilespmem:s16+$0xFFFFFF50] =	vst v0  }
0x34a: {  	[tilespmem:s16+$0xFFFFFFD0] =	vst v4;
	v0 =	vld [tilespmem:s18+$0x50]  }
0x34b: {  	[tilespmem:s26+$0xFFFFFF10] =	vst v5;
	v4 =	vld [tilespmem:s28+$0x60]  }
0x34c: {  	v5 =	vld [tilespmem:s20+$0x20];
	[tilespmem:s26+$0xB0] =	vst v1  }
0x34d: {  	[tilespmem:s26+$0xFFFFFF90] =	vst v3;
	v1 =	vld [tilespmem:s23+$0x40]  }
0x34e: {  	v3 =	vld [tilespmem:s21+$0x20];
	[tilespmem:s26+$0x10] =	vst v2  }
0x34f: {  	v2 =	vld [tilespmem:s31+$0x20];
	[tilespmem:s16+$0x50] =	vst v0  }
0x350: {  	s0 =	spop (v2sf)  }
0x351: {  	[tilespmem:s16+$0xFFFFFF60] =	vst v4;
	v0 =	vld [tilespmem:s2+$0x60];
	s7 =	sshrl.u32 s0, $0x8  }
0x352: {  	s9 =	sshrl.u32 s0, $0x4;
	s12 =	spop (v2sf);
	[tilespmem:s26+$0xFFFFFF20] =	vst v5;
	v4 =	vld [tilespmem:s18+$0x60];
	s0 =	sand.u32 $0xF, s0  }
0x353: {  	s9 =	sand.u32 $0xF, s9;
	s7 =	smul.u32 $0x24, s7;
	s13 =	spop (v2sf);
	v5 =	vld [tilespmem:s20+$0x30];
	[tilespmem:s26+$0xC0] =	vst v1  }
0x354: {  	s29 =	sshrl.u32 s12, $0x4;
	s9 =	smul.u32 $0x6, s9;
	s14 =	spop (v2sf);
	[tilespmem:s26+$0xFFFFFFA0] =	vst v3;
	v1 =	vld [tilespmem:s23+$0x50]  }
0x355: {  	s19 =	sshrl.u32 s14, $0x8;
	s24 =	sshrl.u32 s14, $0x4;
	s0 =	sadd.s32 s0, s7;
	v3 =	vld [tilespmem:s21+$0x30];
	[tilespmem:s26+$0x20] =	vst v2  }
0x356: {  	s30 =	sshrl.u32 s13, $0x4;
	s7 =	sshrl.u32 s12, $0x8;
	s0 =	sadd.s32 s9, s0;
	v2 =	vld [tilespmem:s31+$0x30];
	[tilespmem:s16+$0xFFFFFFE0] =	vst v0  }
0x357: {  	s9 =	sshrl.u32 s13, $0x8;
	s19 =	smul.u32 $0x24, s19;
	s0 =	sshll.u32 s0, $0x9;
	v0 =	vld [tilespmem:s28+$0x70];
	[tilespmem:s16+$0x60] =	vst v4  }
0x358: {  	s24 =	sand.u32 $0xF, s24;
	s9 =	smul.u32 $0x24, s9;
	s28 =	sshra.s32 s0, $0x2;
	[tilespmem:s26+$0xFFFFFF30] =	vst v5;
	v4 =	vld [tilespmem:s2+$0x70]  }
0x359: {  	s0 =	sand.u32 $0xF, s29;
	s2 =	smul.u32 $0x24, s7;
	s7 =	sand.u32 $0xF, s30;
	v5 =	vld [tilespmem:s28+$0x0];
	[tilespmem:s26+$0xD0] =	vst v1  }
0x35a: {  	s14 =	sand.u32 $0xF, s14;
	s12 =	sand.u32 $0xF, s12;
	s24 =	smul.u32 $0x6, s24;
	[tilespmem:s26+$0xFFFFFFB0] =	vst v3;
	v3 =	vld [tilespmem:s23+$0x60]  }
0x35b: {  	s13 =	sand.u32 $0xF, s13;
	s14 =	sadd.s32 s14, s19;
	s0 =	smul.u32 $0x6, s0;
	v6 =	vld [tilespmem:s20+$0x40];
	[tilespmem:s26+$0x30] =	vst v2  }
.Ltmp8:
0x35c: {  	s9 =	sadd.s32 s13, s9;
	s2 =	sadd.s32 s12, s2;
	v1 =	vld [tilespmem:s21+$0x40];
	[tilespmem:s16+$0xFFFFFF70] =	vst v0;
	(pc) =	sbr.rel @p2 .LBB2_15-.Ltmp8, $4  }
0x35d: {  	s7 =	smul.u32 $0x6, s7;
	s12 =	sadd.s32 s24, s14;
	s26 =	sadd.s32 $0x200, s26;
	v2 =	vld [tilespmem:s31+$0x40];
	[tilespmem:s16+$0xFFFFFFF0] =	vst v4  }
0x35e: {  	s12 =	sshll.u32 s12, $0x9;
	s0 =	sadd.s32 s0, s2;
	[tilespmem:s26+$0x80] =	vst v5;
	v0 =	vld [tilespmem:s18+$0x70];
	s18 =	smov.u32 s31  }
0x35f: {  	s7 =	sadd.s32 s7, s9;
	s2 =	sshra.s32 s12, $0x2;
	s0 =	sshll.u32 s0, $0x9;
	v4 =	vld [tilespmem:s28+$0x10];
	[tilespmem:s17+$0xE0] =	vst v3  }
0x360: {  	s10 =	sadd.s32 $0x4, s10;
	s19 =	sshll.u32 s7, $0x9;
	s0 =	sshra.s32 s0, $0x2;
	[tilespmem:s17+$0xFFFFFF40] =	vst v6;
	v3 =	vld [tilespmem:s23+$0x70]  }
0x361: {  	v5 =	vld [tilespmem:s2+$0x0]  }
0x362: {  	s10 =	sshra.s32 s19, $0x2;
	v6 =	vld [tilespmem:s0+$0x0]  }
0x363: {  	v7 =	vld [tilespmem:s10+$0x0];
	_ =	sdelay $0x2  }
0x364: {  	[tilespmem:s26+$0xFFFFFF00] =	vst v5  }
0x365: {  	[tilespmem:s26+$0xFFFFFF80] =	vst v6;
	v5 =	vld [tilespmem:s2+$0x10]  }
0x366: {  	v6 =	vld [tilespmem:s0+$0x10];
	[tilespmem:s26+$0x0] =	vst v7  }
0x367: {  	[tilespmem:s26+$0x90] =	vst v4;
	v7 =	vld [tilespmem:s10+$0x10]  }
0x368: {  	[tilespmem:s17+$0xFFFFFFC0] =	vst v1;
	v1 =	vld [tilespmem:s28+$0x20]  }
0x369: {  	[tilespmem:s17+$0x40] =	vst v2  }
0x36a: {  	[tilespmem:s26+$0xFFFFFF10] =	vst v5  }
0x36b: {  	[tilespmem:s26+$0xFFFFFF90] =	vst v6;
	v4 =	vld [tilespmem:s2+$0x20]  }
0x36c: {  	v5 =	vld [tilespmem:s0+$0x20];
	[tilespmem:s26+$0x10] =	vst v7  }
0x36d: {  	[tilespmem:s26+$0xA0] =	vst v1;
	v2 =	vld [tilespmem:s10+$0x20]  }
0x36e: {  	[tilespmem:s16+$0x70] =	vst v0;
	v1 =	vld [tilespmem:s28+$0x30]  }
0x36f: {  	v0 =	vld [tilespmem:s20+$0x50];
	[tilespmem:s17+$0xF0] =	vst v3  }
0x370: {  	v3 =	vld [tilespmem:s21+$0x50];
	[tilespmem:s26+$0xFFFFFF20] =	vst v4  }
0x371: {  	[tilespmem:s26+$0xFFFFFFA0] =	vst v5;
	v4 =	vld [tilespmem:s2+$0x30]  }
0x372: {  	v5 =	vld [tilespmem:s0+$0x30];
	[tilespmem:s26+$0x20] =	vst v2  }
0x373: {  	[tilespmem:s26+$0xB0] =	vst v1;
	v2 =	vld [tilespmem:s10+$0x30]  }
0x374: {  	[tilespmem:s17+$0xFFFFFF50] =	vst v0;
	v1 =	vld [tilespmem:s28+$0x40]  }
0x375: {  	[tilespmem:s17+$0xFFFFFFD0] =	vst v3  }
0x376: {  	v0 =	vld [tilespmem:s18+$0x50];
	[tilespmem:s26+$0xFFFFFF30] =	vst v4  }
0x377: {  	[tilespmem:s26+$0xFFFFFFB0] =	vst v5;
	v4 =	vld [tilespmem:s2+$0x40]  }
0x378: {  	[tilespmem:s26+$0x30] =	vst v2;
	v2 =	vld [tilespmem:s0+$0x40]  }
0x379: {  	[tilespmem:s26+$0xC0] =	vst v1;
	v3 =	vld [tilespmem:s10+$0x40]  }
0x37a: {  	v1 =	vld [tilespmem:s28+$0x50]  }
0x37b: {  	[tilespmem:s17+$0x50] =	vst v0;
	v5 =	vld [tilespmem:s20+$0x60]  }
0x37c: {  	v0 =	vld [tilespmem:s21+$0x60];
	[tilespmem:s26+$0xFFFFFF40] =	vst v4  }
0x37d: {  	[tilespmem:s26+$0xFFFFFFC0] =	vst v2;
	v2 =	vld [tilespmem:s2+$0x50]  }
0x37e: {  	[tilespmem:s26+$0x40] =	vst v3;
	v3 =	vld [tilespmem:s0+$0x50]  }
0x37f: {  	[tilespmem:s26+$0xD0] =	vst v1;
	v4 =	vld [tilespmem:s10+$0x50]  }
0x380: {  	[tilespmem:s17+$0xFFFFFF60] =	vst v5;
	v5 =	vld [tilespmem:s18+$0x60]  }
0x381: {  	[tilespmem:s17+$0xFFFFFFE0] =	vst v0;
	v1 =	vld [tilespmem:s28+$0x60]  }
0x382: {  	v0 =	vld [tilespmem:s20+$0x70];
	[tilespmem:s26+$0xFFFFFF50] =	vst v2  }
0x383: {  	[tilespmem:s26+$0xFFFFFFD0] =	vst v3;
	v2 =	vld [tilespmem:s2+$0x60]  }
0x384: {  	[tilespmem:s26+$0x50] =	vst v4;
	v3 =	vld [tilespmem:s0+$0x60]  }
0x385: {  	[tilespmem:s17+$0x60] =	vst v5;
	v4 =	vld [tilespmem:s10+$0x60]  }
0x386: {  	v5 =	vld [tilespmem:s21+$0x70];
	[tilespmem:s26+$0xE0] =	vst v1  }
0x387: {  	[tilespmem:s17+$0xFFFFFF70] =	vst v0;
	v0 =	vld [tilespmem:s18+$0x70]  }
0x388: {  	v1 =	vld [tilespmem:s28+$0x70];
	[tilespmem:s26+$0xFFFFFF60] =	vst v2  }
0x389: {  	[tilespmem:s26+$0xFFFFFFE0] =	vst v3;
	v2 =	vld [tilespmem:s2+$0x70]  }
0x38a: {  	[tilespmem:s26+$0x60] =	vst v4;
	v3 =	vld [tilespmem:s0+$0x70]  }
0x38b: {  	[tilespmem:s17+$0xFFFFFFF0] =	vst v5;
	v4 =	vld [tilespmem:s10+$0x70]  }
0x38c: {  	[tilespmem:s17+$0x70] =	vst v0  }
0x38d: {  	[tilespmem:s26+$0xF0] =	vst v1  }
0x38e: {  	[tilespmem:s26+$0xFFFFFF70] =	vst v2  }
0x38f: {  	s20 =	sshll.u32 s22, $0x4;
	[tilespmem:s26+$0xFFFFFFF0] =	vst v3  }
0x390: {  	s21 =	simm.s32 $0x15F80;
	s0 =	sadd.s32 s5, s20;
	[tilespmem:s26+$0x70] =	vst v4  }
0x391: {  	[hbm4b:s0+s6] =	stream.linear.scatter [tilespmem:s21], [sflag:$0x9], $0x5000, $0x38;
	[tilespmem:$0x1FF80] =	vst v63  }
0x392: {  	s0 =	sshrl.u32 @!p1 s22, $0x3  }
0x393: {  	s0 =	sadd.s32 @!p1 s8, s0  }
0x394: {  	s7 =	simm.s32 @!p1 $0x6DE0;
	s2 =	simm.s32 @!p1 $0x0;
	s0 =	sadd.s32 @!p1 $0x64, s0  }
0x395: {  	[tilespmem:s7], [sflag:$0x4] =	stream.linear.gather @!p1 [hbm4b:s0+s2], $0xA0, $0x38;
	[tilespmem:$0x1FF80] =	vst v63  }
0x396: {  	_ =	swait.ge [sflag:s4], $0xA0  }
0x397: {  	[sflag:s4] =	ssyncset.done $0x0  }
0x398: {  	s0 =	simm.s32 @!p0 $0xA;
	[sflag:s4] =	ssyncadd.s32 $0xFFFFFF60  }
0x399: {  	_ =	swait.ge @!p0 [sflag:s0], $0x5000  }
0x39a: {  	[sflag:s0] =	ssyncset.done @!p0 $0x0  }
0x39b: {  	s22 =	simm.s32 $0x6E83;
	[sflag:s0] =	ssyncadd.s32 @!p0 $0xFFFFB000  }
0x39c: {  	v0 =	vld [tilespmem:s22+$0xFFFFFFFE]  }
0x39d: {  	v1 =	vld [tilespmem:s22+$0xFFFFFFFF];
	_ =	sdelay $0x1  }
0x39e: {  	v2 =	vld [tilespmem:s22+$0x0];
	_ =	sdelay $0x1  }
0x39f: {  	s23 =	simm.s32 $0x0;
	(v2sf) =	vpush v0, $0x0  }
0x3a0: {  	s0 =	sand.u32 $0xFC, s23;
	(v2sf) =	vpush v1, $0x0  }
0x3a1: {  	v0 =	vld [tilespmem:s0+$0x6E80]  }
0x3a2: {  	(v2sf) =	vpush v2, $0x0;
	_ =	sdelay $0x3  }
0x3a3: {  	(v2sf) =	vpush v0, $0x0;
	_ =	sdelay $0x7  }
0x3a4: {  	s25 =	simm.s32 $0x6E87;
	s24 =	spop (v2sf)  }
0x3a5: {  	s26 =	spop (v2sf);
	s9 =	sshrl.u32 s24, $0x8;
	s28 =	sand.u32 $0xF, s24  }
0x3a6: {  	s0 =	sshrl.u32 s24, $0x4;
	s9 =	smul.u32 $0x24, s9;
	s13 =	sshrl.u32 s26, $0x8  }
0x3a7: {  	s12 =	spop (v2sf);
	s0 =	sand.u32 $0xF, s0;
	s13 =	smul.u32 $0x24, s13  }
0x3a8: {  	s14 =	sshrl.u32 s26, $0x4;
	s7 =	sand.u32 $0xF, s26;
	s0 =	smul.u32 $0x6, s0  }
0x3a9: {  	s14 =	sand.u32 $0xF, s14;
	s20 =	sshrl.u32 s12, $0x8;
	s22 =	sshrl.u32 s12, $0x4  }
0x3aa: {  	s12 =	sand.u32 $0xF, s12;
	s14 =	smul.u32 $0x6, s14;
	s9 =	sadd.s32 s28, s9  }
0x3ab: {  	s10 =	sand.u32 $0xF, s22;
	s23 =	smul.u32 $0x24, s20;
	s29 =	spop (v2sf)  }
0x3ac: {  	v0 =	vld [tilespmem:s25+$0xFFFFFFFE];
	s0 =	sadd.s32 s0, s9;
	s7 =	sadd.s32 s7, s13;
	s10 =	smul.u32 $0x6, s10  }
0x3ad: {  	v1 =	vld [tilespmem:s25+$0xFFFFFFFF];
	s30 =	sshrl.u32 s29, $0x8;
	s31 =	sshrl.u32 s29, $0x4;
	s16 =	sand.u32 $0xF, s29  }
0x3ae: {  	s0 =	sshll.u32 s0, $0x9;
	s7 =	sadd.s32 s14, s7;
	s24 =	sadd.s32 s12, s23  }
0x3af: {  	s18 =	sand.u32 $0xF, s31;
	s17 =	smul.u32 $0x24, s30;
	s23 =	sshra.s32 s0, $0x2  }
0x3b0: {  	v3 =	vld [tilespmem:s25+$0x0];
	s25 =	sshll.u32 s7, $0x9;
	s26 =	sadd.s32 s10, s24;
	s19 =	smul.u32 $0x6, s18  }
0x3b1: {  	(v2sf) =	vpush v0, $0x0;
	v4 =	vld [tilespmem:s23+$0x0];
	s25 =	sshra.s32 s25, $0x2;
	s29 =	sshll.u32 s26, $0x9;
	s21 =	sadd.s32 s16, s17  }
0x3b2: {  	(v2sf) =	vpush v1, $0x0;
	s30 =	simm.s32 $0x4;
	v5 =	vld [tilespmem:s25+$0x0];
	s10 =	sshra.s32 s29, $0x2;
	s9 =	sadd.s32 s19, s21  }
0x3b3: {  	s0 =	sand.u32 $0xFC, s30;
	v6 =	vld [tilespmem:s10+$0x0];
	s9 =	sshll.u32 s9, $0x9  }
0x3b4: {  	v1 =	vld [tilespmem:s0+$0x6E80];
	s28 =	sshra.s32 s9, $0x2  }
0x3b5: {  	v2 =	vld [tilespmem:s28+$0x0]  }
0x3b6: {  	s22 =	simm.s32 $0x1B080  }
0x3b7: {  	(v2sf) =	vpush v3, $0x0;
	[tilespmem:s22+$0x0] =	vst v5  }
0x3b8: {  	[tilespmem:s22+$0x80] =	vst v6;
	v3 =	vld [tilespmem:s25+$0x10]  }
0x3b9: {  	[tilespmem:s22+$0xFFFFFF80] =	vst v4;
	(v2sf) =	vpush v1, $0x0;
	v4 =	vld [tilespmem:s10+$0x10]  }
0x3ba: {  	[tilespmem:s22+$0xFFFFFF00] =	vst v2;
	v2 =	vld [tilespmem:s23+$0x10]  }
0x3bb: {  	v0 =	vld [tilespmem:s28+$0x10];
	_ =	sdelay $0x1  }
0x3bc: {  	s31 =	simm.s32 $0x6E8B;
	[tilespmem:s22+$0x10] =	vst v3  }
0x3bd: {  	v7 =	vld [tilespmem:s31+$0x0];
	[tilespmem:s22+$0x90] =	vst v4  }
0x3be: {  	v3 =	vld [tilespmem:s10+$0x20];
	[tilespmem:s22+$0xFFFFFF90] =	vst v2  }
0x3bf: {  	s9 =	spop (v2sf);
	[tilespmem:s22+$0xFFFFFF10] =	vst v0;
	v1 =	vld [tilespmem:s23+$0x20]  }
0x3c0: {  	s12 =	spop (v2sf);
	s17 =	sshrl.u32 s9, $0x8;
	s2 =	sshrl.u32 s9, $0x4;
	v0 =	vld [tilespmem:s28+$0x20]  }
0x3c1: {  	v6 =	vld [tilespmem:s31+$0xFFFFFFFF];
	s18 =	sand.u32 $0xF, s9;
	s9 =	smul.u32 $0x24, s17;
	s2 =	sand.u32 $0xF, s2  }
0x3c2: {  	s19 =	sshrl.u32 s12, $0x8;
	s20 =	sshrl.u32 s12, $0x4;
	s2 =	smul.u32 $0x6, s2;
	v2 =	vld [tilespmem:s25+$0x20]  }
0x3c3: {  	s14 =	smul.u32 $0x24, s19;
	s16 =	sand.u32 $0xF, s20;
	s21 =	sadd.s32 s18, s9;
	v4 =	vld [tilespmem:s31+$0xFFFFFFFE];
	[tilespmem:s22+$0xA0] =	vst v3  }
0x3c4: {  	s7 =	sand.u32 $0xF, s12;
	s24 =	smul.u32 $0x6, s16;
	s0 =	sadd.s32 s2, s21;
	v3 =	vld [tilespmem:s10+$0x30];
	[tilespmem:s22+$0xFFFFFFA0] =	vst v1  }
0x3c5: {  	s13 =	spop (v2sf);
	s29 =	sadd.s32 s7, s14;
	s0 =	sshll.u32 s0, $0x9;
	[tilespmem:s22+$0xFFFFFF20] =	vst v0;
	v1 =	vld [tilespmem:s23+$0x30]  }
0x3c6: {  	s26 =	sshrl.u32 s13, $0x8;
	s2 =	sadd.s32 s24, s29;
	s17 =	sshra.s32 s0, $0x2;
	v0 =	vld [tilespmem:s28+$0x30]  }
0x3c7: {  	s24 =	smul.u32 $0x24, s26;
	s2 =	sshll.u32 s2, $0x9;
	v5 =	vld [tilespmem:s17+$0x0];
	[tilespmem:s22+$0x20] =	vst v2;
	s31 =	spop (v2sf)  }
0x3c8: {  	s16 =	sshra.s32 s2, $0x2;
	v2 =	vld [tilespmem:s25+$0x30];
	s18 =	sshrl.u32 s31, $0x8;
	s19 =	sshrl.u32 s31, $0x4  }
0x3c9: {  	s30 =	sshrl.u32 s13, $0x4;
	v8 =	vld [tilespmem:s16+$0x0];
	s20 =	sand.u32 $0xF, s19;
	s14 =	smul.u32 $0x24, s18;
	[tilespmem:s22+$0xB0] =	vst v3  }
0x3ca: {  	s26 =	sand.u32 $0xF, s13;
	s9 =	sand.u32 $0xF, s31;
	s0 =	smul.u32 $0x6, s20;
	v3 =	vld [tilespmem:s10+$0x40];
	[tilespmem:s22+$0xFFFFFFB0] =	vst v1  }
0x3cb: {  	s2 =	sadd.s32 s26, s24;
	s26 =	simm.s32 $0x8;
	s21 =	sadd.s32 s9, s14;
	[tilespmem:s22+$0xFFFFFF30] =	vst v0;
	v1 =	vld [tilespmem:s23+$0x40]  }
0x3cc: {  	s7 =	sand.u32 $0xF, s30;
	s30 =	sand.u32 $0xFC, s26;
	s0 =	sadd.s32 s0, s21;
	v0 =	vld [tilespmem:s28+$0x40]  }
0x3cd: {  	v11 =	vld [tilespmem:s30+$0x6E80];
	s18 =	simm.s32 $0x1B280;
	[tilespmem:s22+$0x30] =	vst v2;
	s0 =	sshll.u32 s0, $0x9  }
0x3ce: {  	[tilespmem:s18+$0xFFFFFF80] =	vst v5;
	v2 =	vld [tilespmem:s25+$0x40];
	s21 =	sshra.s32 s0, $0x2  }
0x3cf: {  	s7 =	smul.u32 $0x6, s7;
	v9 =	vld [tilespmem:s21+$0x0];
	[tilespmem:s22+$0xC0] =	vst v3  }
0x3d0: {  	v3 =	vld [tilespmem:s10+$0x50];
	[tilespmem:s22+$0xFFFFFFC0] =	vst v1  }
0x3d1: {  	s29 =	sadd.s32 s7, s2;
	[tilespmem:s22+$0xFFFFFF40] =	vst v0;
	v1 =	vld [tilespmem:s23+$0x50]  }
0x3d2: {  	[tilespmem:s18+$0x0] =	vst v8;
	s0 =	sshll.u32 s29, $0x9;
	v0 =	vld [tilespmem:s28+$0x50]  }
0x3d3: {  	v5 =	vld [tilespmem:s17+$0x10];
	s20 =	sshra.s32 s0, $0x2;
	[tilespmem:s22+$0x40] =	vst v2  }
0x3d4: {  	v10 =	vld [tilespmem:s20+$0x0];
	[tilespmem:s18+$0xFFFFFF00] =	vst v9  }
0x3d5: {  	v2 =	vld [tilespmem:s25+$0x50];
	[tilespmem:s22+$0xD0] =	vst v3  }
0x3d6: {  	v3 =	vld [tilespmem:s21+$0x10];
	[tilespmem:s22+$0xFFFFFFD0] =	vst v1  }
0x3d7: {  	(v2sf) =	vpush v4, $0x0;
	[tilespmem:s22+$0xFFFFFF50] =	vst v0;
	v1 =	vld [tilespmem:s23+$0x60]  }
0x3d8: {  	(v2sf) =	vpush v6, $0x0;
	[tilespmem:s18+$0xFFFFFF90] =	vst v5;
	v0 =	vld [tilespmem:s28+$0x60]  }
0x3d9: {  	(v2sf) =	vpush v7, $0x0;
	v8 =	vld [tilespmem:s16+$0x10];
	[tilespmem:s18+$0x80] =	vst v10  }
0x3da: {  	[tilespmem:s22+$0x50] =	vst v2;
	v62 =	vld [tilespmem:s10+$0x60]  }
0x3db: {  	v2 =	vld [tilespmem:s25+$0x60];
	[tilespmem:s18+$0xFFFFFF10] =	vst v3  }
0x3dc: {  	v12 =	vld [tilespmem:s21+$0x20];
	[tilespmem:s22+$0xFFFFFFE0] =	vst v1  }
0x3dd: {  	v1 =	vld [tilespmem:s20+$0x10];
	[tilespmem:s22+$0xFFFFFF60] =	vst v0  }
0x3de: {  	[tilespmem:s18+$0x10] =	vst v8;
	v0 =	vld [tilespmem:s28+$0x70]  }
0x3df: {  	(v2sf) =	vpush v11, $0x0;
	v5 =	vld [tilespmem:s17+$0x20];
	[tilespmem:s22+$0xE0] =	vst v62  }
0x3e0: {  	[tilespmem:s22+$0x60] =	vst v2;
	v63 =	vld [tilespmem:s23+$0x70]  }
0x3e1: {  	v4 =	vld [tilespmem:s16+$0x20];
	[tilespmem:s18+$0xFFFFFF20] =	vst v12  }
0x3e2: {  	v2 =	vld [tilespmem:s21+$0x30];
	[tilespmem:s18+$0x90] =	vst v1  }
0x3e3: {  	v3 =	vld [tilespmem:s20+$0x20];
	[tilespmem:s22+$0xFFFFFF70] =	vst v0  }
0x3e4: {  	v0 =	vld [tilespmem:s25+$0x70];
	s31 =	rddreg [dreg:$0xc]  }
0x3e5: {  	v1 =	vld [tilespmem:s10+$0x70];
	s10 =	simm.s32 $0x6E8F;
	[tilespmem:s22+$0xFFFFFFF0] =	vst v63;
	s15 =	sadd.s32 s15, s31  }
.LBB2_17:
0x3e6: {  	v6 =	vld [tilespmem:s10+$0xFFFFFFFE];
	s0 =	spop (v2sf);
	[tilespmem:s18+$0xFFFFFFA0] =	vst v5  }
0x3e7: {  	s2 =	spop (v2sf);
	v5 =	vld [tilespmem:s17+$0x30];
	[tilespmem:s18+$0x20] =	vst v4  }
0x3e8: {  	s7 =	sshrl.u32 s0, $0x8;
	s9 =	sand.u32 $0xF, s0;
	s23 =	spop (v2sf);
	v4 =	vld [tilespmem:s16+$0x30];
	[tilespmem:s18+$0xA0] =	vst v3  }
0x3e9: {  	s0 =	sshrl.u32 s0, $0x4;
	s7 =	smul.u32 $0x24, s7;
	s12 =	sshrl.u32 s2, $0x8;
	v3 =	vld [tilespmem:s20+$0x30];
	[tilespmem:s22+$0x70] =	vst v0  }
0x3ea: {  	s0 =	sand.u32 $0xF, s0;
	s13 =	sshrl.u32 s2, $0x4;
	s12 =	smul.u32 $0x24, s12;
	v0 =	vld [tilespmem:s10+$0xFFFFFFFF];
	[tilespmem:s18+$0xFFFFFF30] =	vst v2  }
0x3eb: {  	s2 =	sand.u32 $0xF, s2;
	s0 =	smul.u32 $0x6, s0;
	s13 =	sand.u32 $0xF, s13;
	v2 =	vld [tilespmem:s21+$0x40];
	[tilespmem:s22+$0xF0] =	vst v1  }
0x3ec: {  	s7 =	sadd.s32 s9, s7;
	s9 =	smul.u32 $0x6, s13;
	s13 =	sshrl.u32 s23, $0x8;
	v1 =	vld [tilespmem:s10+$0x0];
	[tilespmem:s18+$0xFFFFFFB0] =	vst v5  }
0x3ed: {  	s0 =	sadd.s32 s0, s7;
	s2 =	sadd.s32 s2, s12;
	s7 =	sshrl.u32 s23, $0x4;
	v5 =	vld [tilespmem:s17+$0x40];
	[tilespmem:s18+$0x30] =	vst v4  }
0x3ee: {  	s0 =	sshll.u32 s0, $0x9;
	s2 =	sadd.s32 s9, s2;
	s9 =	spop (v2sf);
	v4 =	vld [tilespmem:s16+$0x40];
	[tilespmem:s18+$0xB0] =	vst v3  }
0x3ef: {  	s0 =	sshra.s32 s0, $0x2;
	s12 =	sshrl.u32 s9, $0x8;
	s14 =	sshrl.u32 s9, $0x4;
	v3 =	vld [tilespmem:s20+$0x40]  }
0x3f0: {  	s2 =	sshll.u32 s2, $0x9;
	s14 =	sand.u32 $0xF, s14;
	s12 =	smul.u32 $0x24, s12;
	v7 =	vld [tilespmem:s0+$0x0];
	[tilespmem:s18+$0xFFFFFF40] =	vst v2  }
0x3f1: {  	s2 =	sshra.s32 s2, $0x2;
	s9 =	sand.u32 $0xF, s9;
	s14 =	smul.u32 $0x6, s14;
	v2 =	vld [tilespmem:s21+$0x50]  }
0x3f2: {  	s7 =	sand.u32 $0xF, s7;
	s9 =	sadd.s32 s9, s12;
	v8 =	vld [tilespmem:s2+$0x0];
	s12 =	smul.u32 $0x24, s13;
	[tilespmem:s18+$0xFFFFFFC0] =	vst v5  }
0x3f3: {  	s7 =	smul.u32 $0x6, s7;
	s13 =	sand.u32 $0xF, s23;
	s9 =	sadd.s32 s14, s9;
	v5 =	vld [tilespmem:s17+$0x50];
	[tilespmem:s18+$0x40] =	vst v4  }
0x3f4: {  	s22 =	smov.u32 s18;
	s9 =	sshll.u32 s9, $0x9;
	s12 =	sadd.s32 s13, s12;
	v4 =	vld [tilespmem:s16+$0x50];
	[tilespmem:s18+$0xC0] =	vst v3  }
0x3f5: {  	s9 =	sshra.s32 s9, $0x2;
	s7 =	sadd.s32 s7, s12;
	v3 =	vld [tilespmem:s20+$0x50]  }
0x3f6: {  	v9 =	vld [tilespmem:s9+$0x0];
	s7 =	sshll.u32 s7, $0x9;
	[tilespmem:s18+$0xFFFFFF50] =	vst v2  }
0x3f7: {  	s23 =	sshra.s32 s7, $0x2;
	v2 =	vld [tilespmem:s21+$0x60]  }
0x3f8: {  	v10 =	vld [tilespmem:s23+$0x0];
	[tilespmem:s18+$0xFFFFFFD0] =	vst v5  }
0x3f9: {  	v5 =	vld [tilespmem:s17+$0x60];
	[tilespmem:s18+$0x50] =	vst v4  }
0x3fa: {  	s18 =	sadd.s32 $0x200, s18;
	v4 =	vld [tilespmem:s16+$0x60];
	[tilespmem:s22+$0xD0] =	vst v3  }
0x3fb: {  	(v2sf) =	vpush v6, $0x0;
	[tilespmem:s18+$0xFFFFFF00] =	vst v9;
	v6 =	vld [tilespmem:s20+$0x60]  }
0x3fc: {  	s26 =	sadd.s32 $0x4, s26;
	(v2sf) =	vpush v0, $0x0;
	v0 =	vld [tilespmem:s9+$0x10];
	[tilespmem:s22+$0xFFFFFF60] =	vst v2  }
0x3fd: {  	p0 =	slt.u32 s26, $0x9C;
	s7 =	sand.u32 $0xFC, s26;
	(v2sf) =	vpush v1, $0x0;
	[tilespmem:s18+$0xFFFFFF80] =	vst v7;
	v1 =	vld [tilespmem:s21+$0x70];
	s21 =	smov.u32 s9  }
0x3fe: {  	v2 =	vld [tilespmem:s7+$0x6E80];
	[tilespmem:s18+$0x0] =	vst v8  }
0x3ff: {  	v3 =	vld [tilespmem:s0+$0x10];
	[tilespmem:s18+$0x80] =	vst v10  }
0x400: {  	v7 =	vld [tilespmem:s2+$0x10];
	[tilespmem:s22+$0xFFFFFFE0] =	vst v5  }
0x401: {  	[tilespmem:s18+$0xFFFFFF10] =	vst v0;
	v8 =	vld [tilespmem:s23+$0x10]  }
0x402: {  	[tilespmem:s22+$0xFFFFFF70] =	vst v1;
	v9 =	vld [tilespmem:s17+$0x70];
	s17 =	smov.u32 s0  }
0x403: {  	(v2sf) =	vpush v2, $0x0;
	v1 =	vld [tilespmem:s21+$0x20];
	[tilespmem:s22+$0x60] =	vst v4  }
0x404: {  	[tilespmem:s18+$0xFFFFFF90] =	vst v3;
	v0 =	vld [tilespmem:s16+$0x70];
	s16 =	smov.u32 s2  }
.Ltmp9:
0x405: {  	v5 =	vld [tilespmem:s17+$0x20];
	[tilespmem:s18+$0x10] =	vst v7;
	(pc) =	sbr.rel @p0 .LBB2_17-.Ltmp9, $4  }
0x406: {  	v4 =	vld [tilespmem:s16+$0x20];
	[tilespmem:s18+$0x90] =	vst v8  }
0x407: {  	v3 =	vld [tilespmem:s23+$0x20];
	[tilespmem:s22+$0xE0] =	vst v6  }
0x408: {  	[tilespmem:s18+$0xFFFFFF20] =	vst v1;
	v1 =	vld [tilespmem:s20+$0x70];
	s20 =	smov.u32 s23  }
0x409: {  	s10 =	sadd.s32 $0x4, s10;
	v2 =	vld [tilespmem:s21+$0x30];
	[tilespmem:s22+$0xFFFFFFF0] =	vst v9  }
0x40a: {  	_ = 	snop  }
0x40b: {  	s0 =	spop (v2sf)  }
0x40c: {  	s2 =	spop (v2sf)  }
0x40d: {  	s7 =	sshrl.u32 s0, $0x8;
	s9 =	sand.u32 $0xF, s0;
	s0 =	sshrl.u32 s0, $0x4  }
0x40e: {  	s10 =	spop (v2sf);
	s7 =	smul.u32 $0x24, s7;
	s0 =	sand.u32 $0xF, s0  }
0x40f: {  	s12 =	sshrl.u32 s2, $0x8;
	s13 =	sshrl.u32 s2, $0x4;
	s0 =	smul.u32 $0x6, s0  }
0x410: {  	s2 =	sand.u32 $0xF, s2;
	s12 =	smul.u32 $0x24, s12;
	s13 =	sand.u32 $0xF, s13  }
0x411: {  	[tilespmem:s18+$0xFFFFFFA0] =	vst v5;
	s19 =	sshrl.u32 s10, $0x8;
	s23 =	sshrl.u32 s10, $0x4;
	s10 =	sand.u32 $0xF, s10  }
0x412: {  	v5 =	vld [tilespmem:s17+$0x30];
	s7 =	sadd.s32 s9, s7;
	s31 =	smul.u32 $0x6, s13;
	s29 =	spop (v2sf)  }
0x413: {  	s13 =	sand.u32 $0xF, s23;
	s30 =	sshrl.u32 s29, $0x8;
	s14 =	sshrl.u32 s29, $0x4  }
0x414: {  	[tilespmem:s18+$0x20] =	vst v4;
	s0 =	sadd.s32 s0, s7;
	s14 =	sand.u32 $0xF, s14;
	s7 =	smul.u32 $0x24, s30  }
0x415: {  	v4 =	vld [tilespmem:s16+$0x30];
	[tilespmem:s18+$0xA0] =	vst v3;
	s2 =	sadd.s32 s2, s12;
	s9 =	sand.u32 $0xF, s29;
	s14 =	smul.u32 $0x6, s14  }
0x416: {  	v3 =	vld [tilespmem:s20+$0x30];
	[tilespmem:s18+$0xFFFFFF30] =	vst v2;
	s0 =	sshll.u32 s0, $0x9;
	s7 =	sadd.s32 s9, s7;
	s9 =	smul.u32 $0x24, s19  }
0x417: {  	v2 =	vld [tilespmem:s21+$0x40];
	s13 =	smul.u32 $0x6, s13;
	[tilespmem:s18+$0xFFFFFFB0] =	vst v5;
	s12 =	sadd.s32 s31, s2;
	s0 =	sshra.s32 s0, $0x2  }
0x418: {  	[tilespmem:s22+$0x70] =	vst v0;
	v43 =	vld [tilespmem:s17+$0x40];
	s25 =	sshll.u32 s12, $0x9;
	s7 =	sadd.s32 s14, s7;
	s9 =	sadd.s32 s10, s9  }
0x419: {  	[tilespmem:s22+$0xF0] =	vst v1;
	v45 =	vld [tilespmem:s0+$0x0];
	s26 =	sshra.s32 s25, $0x2;
	s7 =	sshll.u32 s7, $0x9;
	s9 =	sadd.s32 s13, s9  }
0x41a: {  	[tilespmem:s18+$0x30] =	vst v4;
	v46 =	vld [tilespmem:s26+$0x0];
	s24 =	sshra.s32 s7, $0x2;
	s28 =	sshll.u32 s9, $0x9  }
0x41b: {  	[tilespmem:s18+$0xB0] =	vst v3;
	v44 =	vld [tilespmem:s24+$0x0];
	s23 =	sshra.s32 s28, $0x2  }
0x41c: {  	[tilespmem:s18+$0xFFFFFF40] =	vst v2;
	v47 =	vld [tilespmem:s23+$0x0]  }
0x41d: {  	v48 =	vld [tilespmem:s16+$0x40];
	s29 =	sadd.s32 $0x200, s18;
	[tilespmem:s18+$0xFFFFFFC0] =	vst v43  }
0x41e: {  	v49 =	vld [tilespmem:s20+$0x40];
	[tilespmem:s29+$0xFFFFFF80] =	vst v45  }
0x41f: {  	[tilespmem:s29+$0x0] =	vst v46;
	v50 =	vld [tilespmem:s0+$0x10]  }
0x420: {  	v51 =	vld [tilespmem:s26+$0x10];
	[tilespmem:s29+$0xFFFFFF00] =	vst v44  }
0x421: {  	v1 =	vld [tilespmem:s24+$0x10];
	[tilespmem:s29+$0x80] =	vst v47  }
0x422: {  	[tilespmem:s18+$0x40] =	vst v48;
	v52 =	vld [tilespmem:s23+$0x10]  }
0x423: {  	v53 =	vld [tilespmem:s21+$0x50];
	[tilespmem:s18+$0xC0] =	vst v49  }
0x424: {  	v54 =	vld [tilespmem:s17+$0x50];
	[tilespmem:s29+$0xFFFFFF90] =	vst v50  }
0x425: {  	v3 =	vld [tilespmem:s0+$0x20];
	[tilespmem:s29+$0x10] =	vst v51  }
0x426: {  	v2 =	vld [tilespmem:s26+$0x20];
	[tilespmem:s29+$0xFFFFFF10] =	vst v1  }
0x427: {  	v1 =	vld [tilespmem:s24+$0x20];
	[tilespmem:s29+$0x90] =	vst v52  }
0x428: {  	[tilespmem:s18+$0xFFFFFF50] =	vst v53;
	v4 =	vld [tilespmem:s23+$0x20]  }
0x429: {  	v55 =	vld [tilespmem:s16+$0x50];
	[tilespmem:s18+$0xFFFFFFD0] =	vst v54  }
0x42a: {  	v56 =	vld [tilespmem:s20+$0x50];
	[tilespmem:s29+$0xFFFFFFA0] =	vst v3  }
0x42b: {  	v3 =	vld [tilespmem:s0+$0x30];
	[tilespmem:s29+$0x20] =	vst v2  }
0x42c: {  	v2 =	vld [tilespmem:s26+$0x30];
	[tilespmem:s29+$0xFFFFFF20] =	vst v1  }
0x42d: {  	v1 =	vld [tilespmem:s24+$0x30];
	[tilespmem:s29+$0xA0] =	vst v4  }
0x42e: {  	[tilespmem:s18+$0x50] =	vst v55;
	v4 =	vld [tilespmem:s23+$0x30]  }
0x42f: {  	v57 =	vld [tilespmem:s21+$0x60];
	[tilespmem:s18+$0xD0] =	vst v56  }
0x430: {  	v58 =	vld [tilespmem:s17+$0x60];
	[tilespmem:s29+$0xFFFFFFB0] =	vst v3  }
0x431: {  	v3 =	vld [tilespmem:s0+$0x40];
	[tilespmem:s29+$0x30] =	vst v2  }
0x432: {  	v2 =	vld [tilespmem:s26+$0x40];
	[tilespmem:s29+$0xFFFFFF30] =	vst v1  }
0x433: {  	v1 =	vld [tilespmem:s24+$0x40];
	[tilespmem:s29+$0xB0] =	vst v4  }
0x434: {  	[tilespmem:s18+$0xFFFFFF60] =	vst v57;
	v4 =	vld [tilespmem:s23+$0x40]  }
0x435: {  	v59 =	vld [tilespmem:s16+$0x60];
	[tilespmem:s18+$0xFFFFFFE0] =	vst v58  }
0x436: {  	v60 =	vld [tilespmem:s20+$0x60];
	[tilespmem:s29+$0xFFFFFFC0] =	vst v3  }
0x437: {  	v3 =	vld [tilespmem:s0+$0x50];
	[tilespmem:s29+$0x40] =	vst v2  }
0x438: {  	v2 =	vld [tilespmem:s26+$0x50];
	[tilespmem:s29+$0xFFFFFF40] =	vst v1  }
0x439: {  	v1 =	vld [tilespmem:s24+$0x50];
	[tilespmem:s29+$0xC0] =	vst v4  }
0x43a: {  	[tilespmem:s18+$0x60] =	vst v59;
	v4 =	vld [tilespmem:s23+$0x50]  }
0x43b: {  	v5 =	vld [tilespmem:s21+$0x70];
	[tilespmem:s18+$0xE0] =	vst v60  }
0x43c: {  	v61 =	vld [tilespmem:s17+$0x70];
	[tilespmem:s29+$0xFFFFFFD0] =	vst v3  }
0x43d: {  	v3 =	vld [tilespmem:s0+$0x60];
	[tilespmem:s29+$0x50] =	vst v2  }
0x43e: {  	v2 =	vld [tilespmem:s26+$0x60];
	[tilespmem:s29+$0xFFFFFF50] =	vst v1  }
0x43f: {  	v1 =	vld [tilespmem:s24+$0x60];
	[tilespmem:s29+$0xD0] =	vst v4  }
0x440: {  	[tilespmem:s18+$0xFFFFFF70] =	vst v5;
	v4 =	vld [tilespmem:s23+$0x60]  }
0x441: {  	v62 =	vld [tilespmem:s16+$0x70];
	[tilespmem:s18+$0xFFFFFFF0] =	vst v61  }
0x442: {  	v63 =	vld [tilespmem:s20+$0x70];
	[tilespmem:s29+$0xFFFFFFE0] =	vst v3  }
0x443: {  	v3 =	vld [tilespmem:s0+$0x70];
	[tilespmem:s29+$0x60] =	vst v2  }
0x444: {  	v2 =	vld [tilespmem:s26+$0x70];
	[tilespmem:s29+$0xFFFFFF60] =	vst v1  }
0x445: {  	v1 =	vld [tilespmem:s24+$0x70];
	[tilespmem:s29+$0xE0] =	vst v4  }
0x446: {  	[tilespmem:s18+$0x70] =	vst v62;
	v4 =	vld [tilespmem:s23+$0x70]  }
0x447: {  	[tilespmem:s18+$0xF0] =	vst v63  }
.Ltmp10:
0x448: {  	[tilespmem:s29+$0xFFFFFFF0] =	vst v3;
	(pc) =	sbr.rel @p1 .LBB2_20-.Ltmp10, $4  }
0x449: {  	[tilespmem:s29+$0x70] =	vst v2  }
0x44a: {  	s30 =	sshll.u32 s15, $0x4;
	[tilespmem:s29+$0xFFFFFF70] =	vst v1  }
0x44b: {  	s31 =	simm.s32 $0x1AF80;
	s0 =	sadd.s32 s5, s30;
	[tilespmem:s29+$0xF0] =	vst v4  }
0x44c: {  	[hbm4b:s0+s6] =	stream.linear.scatter [tilespmem:s31], [sflag:$0xA], $0x5000, $0x38;
	[tilespmem:$0x1FF80] =	vst v63  }
.Ltmp11:
0x44d: {  	(pc) =	sbr.rel .LBB2_8-.Ltmp11, $4  }
0x44e: {  	s0 =	sshrl.u32 s15, $0x3  }
0x44f: {  	s0 =	sadd.s32 s8, s0  }
0x450: {  	s2 =	simm.s32 $0x6E80;
	s11 =	sadd.s32 $0x1, s11;
	s0 =	sadd.s32 $0x64, s0  }
0x451: {  	[tilespmem:s2], [sflag:$0x5] =	stream.linear.gather [hbm4b:s0+s6], $0xA0, $0x38;
	[tilespmem:$0x1FF80] =	vst v63  }
.LBB2_21:
0x452: {  	_ =	sfence.sel $0x180000  }
0x453: {  	[bflag:$0x0] =	sbarrier.arrive $0xFFFF  }
0x454: {  	_ =	strace $0x90000047  }
0x455: {  	s0 =	stileid.u32;
	[bflag:$0x2] =	sbarrier.arrive $0xFFFF  }
0x456: {  	p0 =	sne.s32 s0, $0x0;
	s0 =	rddreg [dreg:$0x5]  }
0x457: {  	s0 =	sadd.s32 @!p0 $0x100000, s0  }
0x458: {  	[sflag:s0] =	ssyncadd.tile.s32 @!p0 $0x1;
	_ =	shalt  }
.Lfunc_end2:
_tile_overlayer_lowered:
.L_overlay_start_2:
0x459: {  	(tag) =	ssettag $0x2  }
0x45a: {  	s0 =	rddreg [dreg:$0x0];
	s2 =	stileid.u32  }
0x45b: {  	s1 =	rddreg [dreg:$0x1];
	p0 =	sne.s32 s2, $0x0  }
0x45c: {  	s3 =	rddreg [dreg:$0x2];
	[bflag:$0x3] =	sbarrier.arrive $0xFFFF;
	s2 =	simm.s32 @!p0 $0x1C0B  }
0x45d: {  	[timem:s3], [sflag:s2] =	dma.local @!p0 [hbm:s0], s1  }
0x45e: {  	s0 =	simm.s32 @!p0 $0xB  }
0x45f: {  	_ =	swait.ge @!p0 [sflag:s0], s1  }
0x460: {  	s1 =	ssub.s32 @!p0 $0x0, s1;
	[sflag:s0] =	ssyncset.done @!p0 $0x0  }
0x461: {  	[sflag:s0] =	ssyncadd.s32 @!p0 s1  }
0x462: {  	[bflag:$0x3] =	sbarrier.arrive $0xFFFF  }
0x463: {  	_ =	shalt  }

</sc_bundles>
